<compile_context>
chip_gen: v7x
topology: tpu7x:2x2x1
jax: 0.10.2.dev20260603
libtpu: 0.0.44.dev20260713+nightly
codegen_flags: <defaults>
</compile_context>

<pallas_src>
import functools

import jax
import jax.numpy as jnp
from jax import lax
from jax.experimental import pallas as pl
from jax.experimental.pallas import tpu as pltpu
from jax.experimental.pallas import tpu_sc as plsc

_V = 100000
_DEG = 16
_B = 1024
_E = 128
_NC, _NS = 2, 16
_NW = _NC * _NS
_SPT = _B // _NW
_FAN = _DEG * _DEG
_RBLK = 4096
_VP = 102400
_NR = _DEG * _V // 16
_SLAB = 128
_RING = 4


def _row_mean_body(t_ref, o_ref):
    ones = jnp.full((_E, 1), 1.0 / _E, jnp.float32)
    s = jax.lax.dot_general(
        t_ref[:], ones, (((1,), (0,)), ((), ())),
        preferred_element_type=jnp.float32)
    o_ref[:] = jnp.transpose(s).reshape(_RBLK)


def _row_means(table):
    return pl.pallas_call(
        _row_mean_body,
        grid=(_VP // _RBLK,),
        in_specs=[pl.BlockSpec((_RBLK, _E), lambda i: (i, 0))],
        out_specs=pl.BlockSpec((_RBLK,), lambda i: (i,)),
        out_shape=jax.ShapeDtypeStruct((_VP,), jnp.float32),
    )(table)


def _expand_body(ntr_hbm, seeds_hbm, ids_hbm,
                 seed_v, ids1_v, idx_v, off_v, ring_v, idsrow_v, s1, s2):
    wid = lax.axis_index("s") * _NC + lax.axis_index("c")
    base = wid * _SPT
    iota = lax.iota(jnp.int32, 16)

    pltpu.sync_copy(seeds_hbm.at[pl.ds(base, _SPT)], seed_v)

    for g in range(2):
        svec = seed_v[pl.ds(g * 16, 16)]
        for k in range(_DEG):
            f = svec + k * _V
            p = (g * _DEG + k) * 16
            idx_v[pl.ds(p, 16)] = f >> 4
            off_v[pl.ds(p, 16)] = f & 15
    for d in range(_RING):
        pltpu.async_copy(ntr_hbm.at[idx_v.at[pl.ds(d * _SLAB, _SLAB)]],
                         ring_v.at[pl.ds(d * _SLAB, _SLAB)], s1)
    for d in range(_RING):
        pltpu.make_async_copy(ntr_hbm.at[pl.ds(0, _SLAB)],
                              ring_v.at[pl.ds(d * _SLAB, _SLAB)], s1).wait()
    for c in range(2 * _DEG):
        off = off_v[pl.ds(c * 16, 16)]
        vals = plsc.load_gather(ring_v, [(c * 16 + iota), off])
        ids1_v[pl.ds(c * 16, 16)] = vals

    def build_q(q, c):
        v1 = ids1_v[pl.ds(q * 16, 16)]
        for h2 in range(_DEG):
            f = v1 + h2 * _V
            p = q * _FAN + h2 * 16
            idx_v[pl.ds(p, 16)] = f >> 4
            off_v[pl.ds(p, 16)] = f & 15
        return c
    lax.fori_loop(0, 2 * _DEG, build_q, 0)

    nslab = 2 * _DEG * _FAN // _SLAB

    def fire(d):
        slot = lax.rem(d, _RING)
        pltpu.async_copy(ntr_hbm.at[idx_v.at[pl.ds(d * _SLAB, _SLAB)]],
                         ring_v.at[pl.ds(slot * _SLAB, _SLAB)], s2)

    def extract(d, c):
        slot = lax.rem(d, _RING)
        e0 = d * _SLAB
        g = e0 >> 12
        for cc in range(_SLAB // 16):
            e = e0 + cc * 16
            h1 = (e >> 8) & 15
            h2 = (e >> 4) & 15
            off = off_v[pl.ds(e, 16)]
            vals = plsc.load_gather(ring_v, [slot * _SLAB + cc * 16 + iota,
                                             off])
            dst = (g * 16 + iota) * _FAN + (h1 * 16 + h2)
            plsc.store_scatter(idsrow_v, [dst], vals)
        return c

    def drain(d):
        slot = lax.rem(d, _RING)
        pltpu.make_async_copy(ntr_hbm.at[pl.ds(0, _SLAB)],
                              ring_v.at[pl.ds(slot * _SLAB, _SLAB)],
                              s2).wait()

    for d in range(_RING):
        fire(d)

    def step(d, c):
        drain(d)
        extract(d, c)
        fire(d + _RING)
        return c
    lax.fori_loop(0, nslab - _RING, step, 0)

    def tail(d, c):
        drain(d)
        extract(d, c)
        return c
    lax.fori_loop(nslab - _RING, nslab, tail, 0)

    pltpu.sync_copy(idsrow_v, ids_hbm.at[pl.ds(base * _FAN, _SPT * _FAN)])


_sc_expand = functools.partial(
    pl.kernel,
    out_type=jax.ShapeDtypeStruct((_B * _FAN,), jnp.int32),
    mesh=plsc.VectorSubcoreMesh(core_axis_name="c", subcore_axis_name="s",
                                num_cores=_NC, num_subcores=_NS),
    compiler_params=pltpu.CompilerParams(needs_layout_passes=False,
                                         use_tc_tiling_on_sc=False),
    scratch_types=[
        pltpu.VMEM((_SPT,), jnp.int32),
        pltpu.VMEM((2 * _DEG * 16,), jnp.int32),
        pltpu.VMEM((_SPT * _FAN,), jnp.int32),
        pltpu.VMEM((_SPT * _FAN,), jnp.int32),
        pltpu.VMEM((_RING * _SLAB, 16), jnp.int32),
        pltpu.VMEM((_SPT * _FAN,), jnp.int32),
        pltpu.SemaphoreType.DMA,
        pltpu.SemaphoreType.DMA,
    ],
)(_expand_body)


def _lookup_body(ids_hbm, rm_hbm, out_hbm, ids_v, rm_v, out_v, rm_sem):
    wid = lax.axis_index("s") * _NC + lax.axis_index("c")
    base = wid * _SPT * _FAN
    rm_copy = pltpu.async_copy(rm_hbm, rm_v, rm_sem)
    pltpu.sync_copy(ids_hbm.at[pl.ds(base, _SPT * _FAN)], ids_v)
    rm_copy.wait()

    def mean_round(r, c):
        ids = ids_v[pl.ds(r * _DEG, _DEG)]
        out_v[pl.ds(r * _DEG, _DEG)] = plsc.load_gather(rm_v, [ids])
        return c
    lax.fori_loop(0, _SPT * _DEG, mean_round, 0)

    pltpu.sync_copy(out_v, out_hbm.at[pl.ds(base, _SPT * _FAN)])


_sc_lookup = functools.partial(
    pl.kernel,
    out_type=jax.ShapeDtypeStruct((_B * _FAN,), jnp.float32),
    mesh=plsc.VectorSubcoreMesh(core_axis_name="c", subcore_axis_name="s",
                                num_cores=_NC, num_subcores=_NS),
    compiler_params=pltpu.CompilerParams(needs_layout_passes=False,
                                         use_tc_tiling_on_sc=False),
    scratch_types=[
        pltpu.VMEM((_SPT * _FAN,), jnp.int32),
        pltpu.VMEM((_VP,), jnp.float32),
        pltpu.VMEM((_SPT * _FAN,), jnp.float32),
        pltpu.SemaphoreType.DMA,
    ],
)(_lookup_body)


def kernel(neighbors, seed_nodes, table):
    ntr = jnp.transpose(neighbors).reshape(_NR, 16)
    ids2 = _sc_expand(ntr, seed_nodes)
    rm = _row_means(table)
    out_flat = _sc_lookup(ids2, rm)
    return out_flat.reshape(_B, _FAN)

# --- scband reference (transcript-rebuilt; emitter-appended) ---
"""Pipeline reference for scband-graph-aggregator-29970281791938 (READ-ONLY COPY).

The authoritative reference and input builder live on the scoring server;
editing this copy changes nothing except your own understanding.
"""

import jax, jax.numpy as jnp
import numpy as np

K_HOP = 2
NUM_EMBED = 100000
EMBED_SIZE = 128
DEG = 16
B = 1024


def setup_inputs(seed: int = 0) -> dict:
    key = jax.random.key(seed)
    k1, k2, k3 = jax.random.split(key, 3)
    neighbors = jax.random.randint(k1, (NUM_EMBED, DEG), 0, NUM_EMBED, dtype=jnp.int64 if jax.config.jax_enable_x64 else jnp.int32).astype(jnp.int32)
    seed_nodes = jax.random.randint(k2, (B,), 0, NUM_EMBED).astype(jnp.int32)
    table = jax.random.normal(k3, (NUM_EMBED, EMBED_SIZE), dtype=jnp.float32) * 0.02
    return {"neighbors": neighbors, "seed_nodes": seed_nodes, "table": table}


def reference(neighbors, seed_nodes, table):
    # GraphAggregator.forward: for each seed node, expand its k-hop
    # neighborhood (graph.neighbors applied recursively k_hop times),
    # concatenate the resulting node ids, look them up in the entity
    # embedding table, and take the mean over the last (embedding) dim.
    ids = seed_nodes[:, None]  # [B, 1]
    for _ in range(K_HOP):
        # gather neighbor lists of every current frontier node, then flatten
        # (equivalent to the list-of-lists expansion + torch.cat in _aggregate)
        ids = jnp.take(neighbors, ids, axis=0).reshape(ids.shape[0], -1)  # [B, DEG**hop]
    emb = jnp.take(table, ids, axis=0)  # [B, DEG**K_HOP, EMBED_SIZE]  (self.entity_embeds(nodes))
    out = jnp.mean(emb, axis=-1)        # torch.mean(nodes, dim=-1)
    return out  # [B, DEG**K_HOP]

if __name__ == "__main__":
    import jax
    _d = setup_inputs()
    print(jax.jit(kernel)(*tuple(_d.values())))

</pallas_src>

<mosaic_0001>
#map = affine_map<(d0, d1) -> (0)>
module attributes {stable_mosaic.version = 14 : i64} {
  func.func @_lookup_body(%arg0: i32, %arg1: i32, %arg2: memref<262144xi32, #tpu.memory_space<hbm>>, %arg3: memref<102400xf32, #tpu.memory_space<hbm>>, %arg4: memref<262144xf32, #tpu.memory_space<hbm>>, %arg5: memref<8192xi32, #tpu.memory_space<vmem>>, %arg6: memref<102400xf32, #tpu.memory_space<vmem>>, %arg7: memref<8192xf32, #tpu.memory_space<vmem>>, %arg8: memref<!tpu.dma_semaphore, #tpu.memory_space<semaphore_mem>>) attributes {dimension_semantics = [#tpu.dimension_semantics<core_parallel>, #tpu.dimension_semantics<subcore_parallel>], iteration_bounds = array<i64: 2, 16>, scalar_prefetch = 0 : i64, scratch_operands = 4 : i64, tpu.core_type = #tpu.core_type<sc_vector_subcore>, window_params = [{transform_indices = #map}, {transform_indices = #map}, {transform_indices = #map}]} {
    %mul3A = arith.constant 2 : i32
    %mul3A_0 = arith.muli %arg1, %mul3A : i32
    %add3A = arith.addi %mul3A_0, %arg0 : i32
    %mul3A_1 = arith.constant 32 : i32
    %mul3A_2 = arith.muli %add3A, %mul3A_1 : i32
    %mul3A_3 = arith.constant 256 : i32
    %mul3A_4 = arith.muli %mul3A_2, %mul3A_3 : i32
    tpu.enqueue_dma source(%arg3 : memref<102400xf32, #tpu.memory_space<hbm>>) target(%arg6 : memref<102400xf32, #tpu.memory_space<vmem>>) target_semaphore(%arg8 : memref<!tpu.dma_semaphore, #tpu.memory_space<semaphore_mem>>)
    "tpu.region"() ({
      %run_scoped3A = tpu.sem_alloc : memref<!tpu.dma_semaphore, #tpu.memory_space<semaphore_mem>>
      %dma_start3A = tpu.memref_slice %arg2[%mul3A_4] : memref<262144xi32, #tpu.memory_space<hbm>> -> memref<8192xi32, #tpu.memory_space<hbm>>
      %dma_start3A_10 = tpu.memref_slice %arg2[%mul3A_4] : memref<262144xi32, #tpu.memory_space<hbm>> -> memref<8192xi32, #tpu.memory_space<hbm>>
      tpu.enqueue_dma source(%dma_start3A_10 : memref<8192xi32, #tpu.memory_space<hbm>>) target(%arg5 : memref<8192xi32, #tpu.memory_space<vmem>>) target_semaphore(%run_scoped3A : memref<!tpu.dma_semaphore, #tpu.memory_space<semaphore_mem>>)
      %dma_wait3A = tpu.memref_slice %arg2[%mul3A_4] : memref<262144xi32, #tpu.memory_space<hbm>> -> memref<8192xi32, #tpu.memory_space<hbm>>
      %dma_wait3A_11 = tpu.memref_slice %arg2[%mul3A_4] : memref<262144xi32, #tpu.memory_space<hbm>> -> memref<8192xi32, #tpu.memory_space<hbm>>
      tpu.wait_dma2 semaphore(%run_scoped3A : memref<!tpu.dma_semaphore, #tpu.memory_space<semaphore_mem>>) src(%dma_wait3A_11 : memref<8192xi32, #tpu.memory_space<hbm>>) dst(%arg5 : memref<8192xi32, #tpu.memory_space<vmem>>)
      tpu.yield
    }) : () -> ()
    tpu.wait_dma2 semaphore(%arg8 : memref<!tpu.dma_semaphore, #tpu.memory_space<semaphore_mem>>) src(%arg3 : memref<102400xf32, #tpu.memory_space<hbm>>) dst(%arg6 : memref<102400xf32, #tpu.memory_space<vmem>>)
    %scan3A = arith.constant 0 : i32
    %scan3A_5 = arith.constant 0 : i32
    %scan3A_6 = arith.constant 512 : i32
    %scan3A_7 = arith.addi %scan3A_5, %scan3A_6 : i32
    %scan3A_8 = arith.constant 1 : i32
    scf.for %scan3A_10 = %scan3A_5 to %scan3A_7 step %scan3A_8  : i32 {
      %mul3A_11 = arith.constant 16 : i32
      %mul3A_12 = arith.muli %scan3A_10, %mul3A_11 : i32
      %get3A = arith.index_cast %mul3A_12 : i32 to index
      %get3A_13 = tpu.vector_load %arg5[%get3A] {strides = array<i32>} : memref<8192xi32, #tpu.memory_space<vmem>>, vector<16xi32>,
      %gather3A = tpu.vector_load_idx %arg6[%get3A_13] : memref<102400xf32, #tpu.memory_space<vmem>>[vector<16xi32>], vector<16xf32>,
      %mul3A_14 = arith.constant 16 : i32
      %mul3A_15 = arith.muli %scan3A_10, %mul3A_14 : i32
      %swap3A = arith.index_cast %mul3A_15 : i32 to index
      %swap3A_16 = tpu.vector_load %arg7[%swap3A] {strides = array<i32>} : memref<8192xf32, #tpu.memory_space<vmem>>, vector<16xf32>,
      tpu.vector_store %arg7[%swap3A], %gather3A {strides = array<i32>} : memref<8192xf32, #tpu.memory_space<vmem>>, vector<16xf32>,
    }
    %scan3A_9 = arith.constant 512 : i32
    "tpu.region"() ({
      %run_scoped3A = tpu.sem_alloc : memref<!tpu.dma_semaphore, #tpu.memory_space<semaphore_mem>>
      %dma_start3A = tpu.memref_slice %arg4[%mul3A_4] : memref<262144xf32, #tpu.memory_space<hbm>> -> memref<8192xf32, #tpu.memory_space<hbm>>
      %dma_start3A_10 = tpu.memref_slice %arg4[%mul3A_4] : memref<262144xf32, #tpu.memory_space<hbm>> -> memref<8192xf32, #tpu.memory_space<hbm>>
      tpu.enqueue_dma source(%arg7 : memref<8192xf32, #tpu.memory_space<vmem>>) target(%dma_start3A_10 : memref<8192xf32, #tpu.memory_space<hbm>>) target_semaphore(%run_scoped3A : memref<!tpu.dma_semaphore, #tpu.memory_space<semaphore_mem>>)
      %dma_wait3A = tpu.memref_slice %arg4[%mul3A_4] : memref<262144xf32, #tpu.memory_space<hbm>> -> memref<8192xf32, #tpu.memory_space<hbm>>
      %dma_wait3A_11 = tpu.memref_slice %arg4[%mul3A_4] : memref<262144xf32, #tpu.memory_space<hbm>> -> memref<8192xf32, #tpu.memory_space<hbm>>
      tpu.wait_dma2 semaphore(%run_scoped3A : memref<!tpu.dma_semaphore, #tpu.memory_space<semaphore_mem>>) src(%arg7 : memref<8192xf32, #tpu.memory_space<vmem>>) dst(%dma_wait3A_11 : memref<8192xf32, #tpu.memory_space<hbm>>)
      tpu.yield
    }) : () -> ()
    return
  }
}

#map = affine_map<(d0, d1) -> (0, 0)>
#map1 = affine_map<(d0, d1) -> (0)>
module attributes {stable_mosaic.version = 14 : i64} {
  func.func @_expand_body(%arg0: i32, %arg1: i32, %arg2: memref<100000x16xi32, #tpu.memory_space<hbm>>, %arg3: memref<1024xi32, #tpu.memory_space<hbm>>, %arg4: memref<262144xi32, #tpu.memory_space<hbm>>, %arg5: memref<32xi32, #tpu.memory_space<vmem>>, %arg6: memref<512xi32, #tpu.memory_space<vmem>>, %arg7: memref<8192xi32, #tpu.memory_space<vmem>>, %arg8: memref<8192xi32, #tpu.memory_space<vmem>>, %arg9: memref<512x16xi32, #tpu.memory_space<vmem>>, %arg10: memref<8192xi32, #tpu.memory_space<vmem>>, %arg11: memref<!tpu.dma_semaphore, #tpu.memory_space<semaphore_mem>>, %arg12: memref<!tpu.dma_semaphore, #tpu.memory_space<semaphore_mem>>) attributes {dimension_semantics = [#tpu.dimension_semantics<core_parallel>, #tpu.dimension_semantics<subcore_parallel>], iteration_bounds = array<i64: 2, 16>, scalar_prefetch = 0 : i64, scratch_operands = 8 : i64, tpu.core_type = #tpu.core_type<sc_vector_subcore>, window_params = [{transform_indices = #map}, {transform_indices = #map1}, {transform_indices = #map1}]} {
    %mul3A = arith.constant 2 : i32
    %mul3A_0 = arith.muli %arg1, %mul3A : i32
    %add3A = arith.addi %mul3A_0, %arg0 : i32
    %mul3A_1 = arith.constant 32 : i32
    %mul3A_2 = arith.muli %add3A, %mul3A_1 : i32
    %iota3A = tpu.iota {dimensions = array<i32: 0>} : vector<16xi32>
    "tpu.region"() ({
      %run_scoped3A = tpu.sem_alloc : memref<!tpu.dma_semaphore, #tpu.memory_space<semaphore_mem>>
      %dma_start3A_818 = tpu.memref_slice %arg3[%mul3A_2] : memref<1024xi32, #tpu.memory_space<hbm>> -> memref<32xi32, #tpu.memory_space<hbm>>
      %dma_start3A_819 = tpu.memref_slice %arg3[%mul3A_2] : memref<1024xi32, #tpu.memory_space<hbm>> -> memref<32xi32, #tpu.memory_space<hbm>>
      tpu.enqueue_dma source(%dma_start3A_819 : memref<32xi32, #tpu.memory_space<hbm>>) target(%arg5 : memref<32xi32, #tpu.memory_space<vmem>>) target_semaphore(%run_scoped3A : memref<!tpu.dma_semaphore, #tpu.memory_space<semaphore_mem>>)
      %dma_wait3A_820 = tpu.memref_slice %arg3[%mul3A_2] : memref<1024xi32, #tpu.memory_space<hbm>> -> memref<32xi32, #tpu.memory_space<hbm>>
      %dma_wait3A_821 = tpu.memref_slice %arg3[%mul3A_2] : memref<1024xi32, #tpu.memory_space<hbm>> -> memref<32xi32, #tpu.memory_space<hbm>>
      tpu.wait_dma2 semaphore(%run_scoped3A : memref<!tpu.dma_semaphore, #tpu.memory_space<semaphore_mem>>) src(%dma_wait3A_821 : memref<32xi32, #tpu.memory_space<hbm>>) dst(%arg5 : memref<32xi32, #tpu.memory_space<vmem>>)
      tpu.yield
    }) : () -> ()
    %get3A = arith.constant 0 : index
    %get3A_3 = tpu.vector_load %arg5[%get3A] {strides = array<i32>} : memref<32xi32, #tpu.memory_space<vmem>>, vector<16xi32>,
    %add3A_4 = arith.constant 0 : i32
    %add3A_5 = vector.broadcast %add3A_4 : i32 to vector<16xi32>
    %add3A_6 = arith.addi %get3A_3, %add3A_5 : vector<16xi32>
    %shift_right_arithmetic3A = arith.constant 4 : i32
    %shift_right_arithmetic3A_7 = vector.broadcast %shift_right_arithmetic3A : i32 to vector<16xi32>
    %shift_right_arithmetic3A_8 = arith.shrsi %add3A_6, %shift_right_arithmetic3A_7 : vector<16xi32>
    %swap3A = arith.constant 0 : index
    %swap3A_9 = tpu.vector_load %arg7[%swap3A] {strides = array<i32>} : memref<8192xi32, #tpu.memory_space<vmem>>, vector<16xi32>,
    tpu.vector_store %arg7[%swap3A], %shift_right_arithmetic3A_8 {strides = array<i32>} : memref<8192xi32, #tpu.memory_space<vmem>>, vector<16xi32>,
    %and3A = arith.constant 15 : i32
    %and3A_10 = vector.broadcast %and3A : i32 to vector<16xi32>
    %and3A_11 = arith.andi %add3A_6, %and3A_10 : vector<16xi32>
    %swap3A_12 = arith.constant 0 : index
    %swap3A_13 = tpu.vector_load %arg8[%swap3A_12] {strides = array<i32>} : memref<8192xi32, #tpu.memory_space<vmem>>, vector<16xi32>,
    tpu.vector_store %arg8[%swap3A_12], %and3A_11 {strides = array<i32>} : memref<8192xi32, #tpu.memory_space<vmem>>, vector<16xi32>,
    %add3A_14 = arith.constant 100000 : i32
    %add3A_15 = vector.broadcast %add3A_14 : i32 to vector<16xi32>
    %add3A_16 = arith.addi %get3A_3, %add3A_15 : vector<16xi32>
    %shift_right_arithmetic3A_17 = arith.constant 4 : i32
    %shift_right_arithmetic3A_18 = vector.broadcast %shift_right_arithmetic3A_17 : i32 to vector<16xi32>
    %shift_right_arithmetic3A_19 = arith.shrsi %add3A_16, %shift_right_arithmetic3A_18 : vector<16xi32>
    %swap3A_20 = arith.constant 16 : index
    %swap3A_21 = tpu.vector_load %arg7[%swap3A_20] {strides = array<i32>} : memref<8192xi32, #tpu.memory_space<vmem>>, vector<16xi32>,
    tpu.vector_store %arg7[%swap3A_20], %shift_right_arithmetic3A_19 {strides = array<i32>} : memref<8192xi32, #tpu.memory_space<vmem>>, vector<16xi32>,
    %and3A_22 = arith.constant 15 : i32
    %and3A_23 = vector.broadcast %and3A_22 : i32 to vector<16xi32>
    %and3A_24 = arith.andi %add3A_16, %and3A_23 : vector<16xi32>
    %swap3A_25 = arith.constant 16 : index
    %swap3A_26 = tpu.vector_load %arg8[%swap3A_25] {strides = array<i32>} : memref<8192xi32, #tpu.memory_space<vmem>>, vector<16xi32>,
    tpu.vector_store %arg8[%swap3A_25], %and3A_24 {strides = array<i32>} : memref<8192xi32, #tpu.memory_space<vmem>>, vector<16xi32>,
    %add3A_27 = arith.constant 200000 : i32
    %add3A_28 = vector.broadcast %add3A_27 : i32 to vector<16xi32>
    %add3A_29 = arith.addi %get3A_3, %add3A_28 : vector<16xi32>
    %shift_right_arithmetic3A_30 = arith.constant 4 : i32
    %shift_right_arithmetic3A_31 = vector.broadcast %shift_right_arithmetic3A_30 : i32 to vector<16xi32>
    %shift_right_arithmetic3A_32 = arith.shrsi %add3A_29, %shift_right_arithmetic3A_31 : vector<16xi32>
    %swap3A_33 = arith.constant 32 : index
    %swap3A_34 = tpu.vector_load %arg7[%swap3A_33] {strides = array<i32>} : memref<8192xi32, #tpu.memory_space<vmem>>, vector<16xi32>,
    tpu.vector_store %arg7[%swap3A_33], %shift_right_arithmetic3A_32 {strides = array<i32>} : memref<8192xi32, #tpu.memory_space<vmem>>, vector<16xi32>,
    %and3A_35 = arith.constant 15 : i32
    %and3A_36 = vector.broadcast %and3A_35 : i32 to vector<16xi32>
    %and3A_37 = arith.andi %add3A_29, %and3A_36 : vector<16xi32>
    %swap3A_38 = arith.constant 32 : index
    %swap3A_39 = tpu.vector_load %arg8[%swap3A_38] {strides = array<i32>} : memref<8192xi32, #tpu.memory_space<vmem>>, vector<16xi32>,
    tpu.vector_store %arg8[%swap3A_38], %and3A_37 {strides = array<i32>} : memref<8192xi32, #tpu.memory_space<vmem>>, vector<16xi32>,
    %add3A_40 = arith.constant 300000 : i32
    %add3A_41 = vector.broadcast %add3A_40 : i32 to vector<16xi32>
    %add3A_42 = arith.addi %get3A_3, %add3A_41 : vector<16xi32>
    %shift_right_arithmetic3A_43 = arith.constant 4 : i32
    %shift_right_arithmetic3A_44 = vector.broadcast %shift_right_arithmetic3A_43 : i32 to vector<16xi32>
    %shift_right_arithmetic3A_45 = arith.shrsi %add3A_42, %shift_right_arithmetic3A_44 : vector<16xi32>
    %swap3A_46 = arith.constant 48 : index
    %swap3A_47 = tpu.vector_load %arg7[%swap3A_46] {strides = array<i32>} : memref<8192xi32, #tpu.memory_space<vmem>>, vector<16xi32>,
    tpu.vector_store %arg7[%swap3A_46], %shift_right_arithmetic3A_45 {strides = array<i32>} : memref<8192xi32, #tpu.memory_space<vmem>>, vector<16xi32>,
    %and3A_48 = arith.constant 15 : i32
    %and3A_49 = vector.broadcast %and3A_48 : i32 to vector<16xi32>
    %and3A_50 = arith.andi %add3A_42, %and3A_49 : vector<16xi32>
    %swap3A_51 = arith.constant 48 : index
    %swap3A_52 = tpu.vector_load %arg8[%swap3A_51] {strides = array<i32>} : memref<8192xi32, #tpu.memory_space<vmem>>, vector<16xi32>,
    tpu.vector_store %arg8[%swap3A_51], %and3A_50 {strides = array<i32>} : memref<8192xi32, #tpu.memory_space<vmem>>, vector<16xi32>,
    %add3A_53 = arith.constant 400000 : i32
    %add3A_54 = vector.broadcast %add3A_53 : i32 to vector<16xi32>
    %add3A_55 = arith.addi %get3A_3, %add3A_54 : vector<16xi32>
    %shift_right_arithmetic3A_56 = arith.constant 4 : i32
    %shift_right_arithmetic3A_57 = vector.broadcast %shift_right_arithmetic3A_56 : i32 to vector<16xi32>
    %shift_right_arithmetic3A_58 = arith.shrsi %add3A_55, %shift_right_arithmetic3A_57 : vector<16xi32>
    %swap3A_59 = arith.constant 64 : index
    %swap3A_60 = tpu.vector_load %arg7[%swap3A_59] {strides = array<i32>} : memref<8192xi32, #tpu.memory_space<vmem>>, vector<16xi32>,
    tpu.vector_store %arg7[%swap3A_59], %shift_right_arithmetic3A_58 {strides = array<i32>} : memref<8192xi32, #tpu.memory_space<vmem>>, vector<16xi32>,
    %and3A_61 = arith.constant 15 : i32
    %and3A_62 = vector.broadcast %and3A_61 : i32 to vector<16xi32>
    %and3A_63 = arith.andi %add3A_55, %and3A_62 : vector<16xi32>
    %swap3A_64 = arith.constant 64 : index
    %swap3A_65 = tpu.vector_load %arg8[%swap3A_64] {strides = array<i32>} : memref<8192xi32, #tpu.memory_space<vmem>>, vector<16xi32>,
    tpu.vector_store %arg8[%swap3A_64], %and3A_63 {strides = array<i32>} : memref<8192xi32, #tpu.memory_space<vmem>>, vector<16xi32>,
    %add3A_66 = arith.constant 500000 : i32
    %add3A_67 = vector.broadcast %add3A_66 : i32 to vector<16xi32>
    %add3A_68 = arith.addi %get3A_3, %add3A_67 : vector<16xi32>
    %shift_right_arithmetic3A_69 = arith.constant 4 : i32
    %shift_right_arithmetic3A_70 = vector.broadcast %shift_right_arithmetic3A_69 : i32 to vector<16xi32>
    %shift_right_arithmetic3A_71 = arith.shrsi %add3A_68, %shift_right_arithmetic3A_70 : vector<16xi32>
    %swap3A_72 = arith.constant 80 : index
    %swap3A_73 = tpu.vector_load %arg7[%swap3A_72] {strides = array<i32>} : memref<8192xi32, #tpu.memory_space<vmem>>, vector<16xi32>,
    tpu.vector_store %arg7[%swap3A_72], %shift_right_arithmetic3A_71 {strides = array<i32>} : memref<8192xi32, #tpu.memory_space<vmem>>, vector<16xi32>,
    %and3A_74 = arith.constant 15 : i32
    %and3A_75 = vector.broadcast %and3A_74 : i32 to vector<16xi32>
    %and3A_76 = arith.andi %add3A_68, %and3A_75 : vector<16xi32>
    %swap3A_77 = arith.constant 80 : index
    %swap3A_78 = tpu.vector_load %arg8[%swap3A_77] {strides = array<i32>} : memref<8192xi32, #tpu.memory_space<vmem>>, vector<16xi32>,
    tpu.vector_store %arg8[%swap3A_77], %and3A_76 {strides = array<i32>} : memref<8192xi32, #tpu.memory_space<vmem>>, vector<16xi32>,
    %add3A_79 = arith.constant 600000 : i32
    %add3A_80 = vector.broadcast %add3A_79 : i32 to vector<16xi32>
    %add3A_81 = arith.addi %get3A_3, %add3A_80 : vector<16xi32>
    %shift_right_arithmetic3A_82 = arith.constant 4 : i32
    %shift_right_arithmetic3A_83 = vector.broadcast %shift_right_arithmetic3A_82 : i32 to vector<16xi32>
    %shift_right_arithmetic3A_84 = arith.shrsi %add3A_81, %shift_right_arithmetic3A_83 : vector<16xi32>
    %swap3A_85 = arith.constant 96 : index
    %swap3A_86 = tpu.vector_load %arg7[%swap3A_85] {strides = array<i32>} : memref<8192xi32, #tpu.memory_space<vmem>>, vector<16xi32>,
    tpu.vector_store %arg7[%swap3A_85], %shift_right_arithmetic3A_84 {strides = array<i32>} : memref<8192xi32, #tpu.memory_space<vmem>>, vector<16xi32>,
    %and3A_87 = arith.constant 15 : i32
    %and3A_88 = vector.broadcast %and3A_87 : i32 to vector<16xi32>
    %and3A_89 = arith.andi %add3A_81, %and3A_88 : vector<16xi32>
    %swap3A_90 = arith.constant 96 : index
    %swap3A_91 = tpu.vector_load %arg8[%swap3A_90] {strides = array<i32>} : memref<8192xi32, #tpu.memory_space<vmem>>, vector<16xi32>,
    tpu.vector_store %arg8[%swap3A_90], %and3A_89 {strides = array<i32>} : memref<8192xi32, #tpu.memory_space<vmem>>, vector<16xi32>,
    %add3A_92 = arith.constant 700000 : i32
    %add3A_93 = vector.broadcast %add3A_92 : i32 to vector<16xi32>
    %add3A_94 = arith.addi %get3A_3, %add3A_93 : vector<16xi32>
    %shift_right_arithmetic3A_95 = arith.constant 4 : i32
    %shift_right_arithmetic3A_96 = vector.broadcast %shift_right_arithmetic3A_95 : i32 to vector<16xi32>
    %shift_right_arithmetic3A_97 = arith.shrsi %add3A_94, %shift_right_arithmetic3A_96 : vector<16xi32>
    %swap3A_98 = arith.constant 112 : index
    %swap3A_99 = tpu.vector_load %arg7[%swap3A_98] {strides = array<i32>} : memref<8192xi32, #tpu.memory_space<vmem>>, vector<16xi32>,
    tpu.vector_store %arg7[%swap3A_98], %shift_right_arithmetic3A_97 {strides = array<i32>} : memref<8192xi32, #tpu.memory_space<vmem>>, vector<16xi32>,
    %and3A_100 = arith.constant 15 : i32
    %and3A_101 = vector.broadcast %and3A_100 : i32 to vector<16xi32>
    %and3A_102 = arith.andi %add3A_94, %and3A_101 : vector<16xi32>
    %swap3A_103 = arith.constant 112 : index
    %swap3A_104 = tpu.vector_load %arg8[%swap3A_103] {strides = array<i32>} : memref<8192xi32, #tpu.memory_space<vmem>>, vector<16xi32>,
    tpu.vector_store %arg8[%swap3A_103], %and3A_102 {strides = array<i32>} : memref<8192xi32, #tpu.memory_space<vmem>>, vector<16xi32>,
    %add3A_105 = arith.constant 800000 : i32
    %add3A_106 = vector.broadcast %add3A_105 : i32 to vector<16xi32>
    %add3A_107 = arith.addi %get3A_3, %add3A_106 : vector<16xi32>
    %shift_right_arithmetic3A_108 = arith.constant 4 : i32
    %shift_right_arithmetic3A_109 = vector.broadcast %shift_right_arithmetic3A_108 : i32 to vector<16xi32>
    %shift_right_arithmetic3A_110 = arith.shrsi %add3A_107, %shift_right_arithmetic3A_109 : vector<16xi32>
    %swap3A_111 = arith.constant 128 : index
    %swap3A_112 = tpu.vector_load %arg7[%swap3A_111] {strides = array<i32>} : memref<8192xi32, #tpu.memory_space<vmem>>, vector<16xi32>,
    tpu.vector_store %arg7[%swap3A_111], %shift_right_arithmetic3A_110 {strides = array<i32>} : memref<8192xi32, #tpu.memory_space<vmem>>, vector<16xi32>,
    %and3A_113 = arith.constant 15 : i32
    %and3A_114 = vector.broadcast %and3A_113 : i32 to vector<16xi32>
    %and3A_115 = arith.andi %add3A_107, %and3A_114 : vector<16xi32>
    %swap3A_116 = arith.constant 128 : index
    %swap3A_117 = tpu.vector_load %arg8[%swap3A_116] {strides = array<i32>} : memref<8192xi32, #tpu.memory_space<vmem>>, vector<16xi32>,
    tpu.vector_store %arg8[%swap3A_116], %and3A_115 {strides = array<i32>} : memref<8192xi32, #tpu.memory_space<vmem>>, vector<16xi32>,
    %add3A_118 = arith.constant 900000 : i32
    %add3A_119 = vector.broadcast %add3A_118 : i32 to vector<16xi32>
    %add3A_120 = arith.addi %get3A_3, %add3A_119 : vector<16xi32>
    %shift_right_arithmetic3A_121 = arith.constant 4 : i32
    %shift_right_arithmetic3A_122 = vector.broadcast %shift_right_arithmetic3A_121 : i32 to vector<16xi32>
    %shift_right_arithmetic3A_123 = arith.shrsi %add3A_120, %shift_right_arithmetic3A_122 : vector<16xi32>
    %swap3A_124 = arith.constant 144 : index
    %swap3A_125 = tpu.vector_load %arg7[%swap3A_124] {strides = array<i32>} : memref<8192xi32, #tpu.memory_space<vmem>>, vector<16xi32>,
    tpu.vector_store %arg7[%swap3A_124], %shift_right_arithmetic3A_123 {strides = array<i32>} : memref<8192xi32, #tpu.memory_space<vmem>>, vector<16xi32>,
    %and3A_126 = arith.constant 15 : i32
    %and3A_127 = vector.broadcast %and3A_126 : i32 to vector<16xi32>
    %and3A_128 = arith.andi %add3A_120, %and3A_127 : vector<16xi32>
    %swap3A_129 = arith.constant 144 : index
    %swap3A_130 = tpu.vector_load %arg8[%swap3A_129] {strides = array<i32>} : memref<8192xi32, #tpu.memory_space<vmem>>, vector<16xi32>,
    tpu.vector_store %arg8[%swap3A_129], %and3A_128 {strides = array<i32>} : memref<8192xi32, #tpu.memory_space<vmem>>, vector<16xi32>,
    %add3A_131 = arith.constant 1000000 : i32
    %add3A_132 = vector.broadcast %add3A_131 : i32 to vector<16xi32>
    %add3A_133 = arith.addi %get3A_3, %add3A_132 : vector<16xi32>
    %shift_right_arithmetic3A_134 = arith.constant 4 : i32
    %shift_right_arithmetic3A_135 = vector.broadcast %shift_right_arithmetic3A_134 : i32 to vector<16xi32>
    %shift_right_arithmetic3A_136 = arith.shrsi %add3A_133, %shift_right_arithmetic3A_135 : vector<16xi32>
    %swap3A_137 = arith.constant 160 : index
    %swap3A_138 = tpu.vector_load %arg7[%swap3A_137] {strides = array<i32>} : memref<8192xi32, #tpu.memory_space<vmem>>, vector<16xi32>,
    tpu.vector_store %arg7[%swap3A_137], %shift_right_arithmetic3A_136 {strides = array<i32>} : memref<8192xi32, #tpu.memory_space<vmem>>, vector<16xi32>,
    %and3A_139 = arith.constant 15 : i32
    %and3A_140 = vector.broadcast %and3A_139 : i32 to vector<16xi32>
    %and3A_141 = arith.andi %add3A_133, %and3A_140 : vector<16xi32>
    %swap3A_142 = arith.constant 160 : index
    %swap3A_143 = tpu.vector_load %arg8[%swap3A_142] {strides = array<i32>} : memref<8192xi32, #tpu.memory_space<vmem>>, vector<16xi32>,
    tpu.vector_store %arg8[%swap3A_142], %and3A_141 {strides = array<i32>} : memref<8192xi32, #tpu.memory_space<vmem>>, vector<16xi32>,
    %add3A_144 = arith.constant 1100000 : i32
    %add3A_145 = vector.broadcast %add3A_144 : i32 to vector<16xi32>
    %add3A_146 = arith.addi %get3A_3, %add3A_145 : vector<16xi32>
    %shift_right_arithmetic3A_147 = arith.constant 4 : i32
    %shift_right_arithmetic3A_148 = vector.broadcast %shift_right_arithmetic3A_147 : i32 to vector<16xi32>
    %shift_right_arithmetic3A_149 = arith.shrsi %add3A_146, %shift_right_arithmetic3A_148 : vector<16xi32>
    %swap3A_150 = arith.constant 176 : index
    %swap3A_151 = tpu.vector_load %arg7[%swap3A_150] {strides = array<i32>} : memref<8192xi32, #tpu.memory_space<vmem>>, vector<16xi32>,
    tpu.vector_store %arg7[%swap3A_150], %shift_right_arithmetic3A_149 {strides = array<i32>} : memref<8192xi32, #tpu.memory_space<vmem>>, vector<16xi32>,
    %and3A_152 = arith.constant 15 : i32
    %and3A_153 = vector.broadcast %and3A_152 : i32 to vector<16xi32>
    %and3A_154 = arith.andi %add3A_146, %and3A_153 : vector<16xi32>
    %swap3A_155 = arith.constant 176 : index
    %swap3A_156 = tpu.vector_load %arg8[%swap3A_155] {strides = array<i32>} : memref<8192xi32, #tpu.memory_space<vmem>>, vector<16xi32>,
    tpu.vector_store %arg8[%swap3A_155], %and3A_154 {strides = array<i32>} : memref<8192xi32, #tpu.memory_space<vmem>>, vector<16xi32>,
    %add3A_157 = arith.constant 1200000 : i32
    %add3A_158 = vector.broadcast %add3A_157 : i32 to vector<16xi32>
    %add3A_159 = arith.addi %get3A_3, %add3A_158 : vector<16xi32>
    %shift_right_arithmetic3A_160 = arith.constant 4 : i32
    %shift_right_arithmetic3A_161 = vector.broadcast %shift_right_arithmetic3A_160 : i32 to vector<16xi32>
    %shift_right_arithmetic3A_162 = arith.shrsi %add3A_159, %shift_right_arithmetic3A_161 : vector<16xi32>
    %swap3A_163 = arith.constant 192 : index
    %swap3A_164 = tpu.vector_load %arg7[%swap3A_163] {strides = array<i32>} : memref<8192xi32, #tpu.memory_space<vmem>>, vector<16xi32>,
    tpu.vector_store %arg7[%swap3A_163], %shift_right_arithmetic3A_162 {strides = array<i32>} : memref<8192xi32, #tpu.memory_space<vmem>>, vector<16xi32>,
    %and3A_165 = arith.constant 15 : i32
    %and3A_166 = vector.broadcast %and3A_165 : i32 to vector<16xi32>
    %and3A_167 = arith.andi %add3A_159, %and3A_166 : vector<16xi32>
    %swap3A_168 = arith.constant 192 : index
    %swap3A_169 = tpu.vector_load %arg8[%swap3A_168] {strides = array<i32>} : memref<8192xi32, #tpu.memory_space<vmem>>, vector<16xi32>,
    tpu.vector_store %arg8[%swap3A_168], %and3A_167 {strides = array<i32>} : memref<8192xi32, #tpu.memory_space<vmem>>, vector<16xi32>,
    %add3A_170 = arith.constant 1300000 : i32
    %add3A_171 = vector.broadcast %add3A_170 : i32 to vector<16xi32>
    %add3A_172 = arith.addi %get3A_3, %add3A_171 : vector<16xi32>
    %shift_right_arithmetic3A_173 = arith.constant 4 : i32
    %shift_right_arithmetic3A_174 = vector.broadcast %shift_right_arithmetic3A_173 : i32 to vector<16xi32>
    %shift_right_arithmetic3A_175 = arith.shrsi %add3A_172, %shift_right_arithmetic3A_174 : vector<16xi32>
    %swap3A_176 = arith.constant 208 : index
    %swap3A_177 = tpu.vector_load %arg7[%swap3A_176] {strides = array<i32>} : memref<8192xi32, #tpu.memory_space<vmem>>, vector<16xi32>,
    tpu.vector_store %arg7[%swap3A_176], %shift_right_arithmetic3A_175 {strides = array<i32>} : memref<8192xi32, #tpu.memory_space<vmem>>, vector<16xi32>,
    %and3A_178 = arith.constant 15 : i32
    %and3A_179 = vector.broadcast %and3A_178 : i32 to vector<16xi32>
    %and3A_180 = arith.andi %add3A_172, %and3A_179 : vector<16xi32>
    %swap3A_181 = arith.constant 208 : index
    %swap3A_182 = tpu.vector_load %arg8[%swap3A_181] {strides = array<i32>} : memref<8192xi32, #tpu.memory_space<vmem>>, vector<16xi32>,
    tpu.vector_store %arg8[%swap3A_181], %and3A_180 {strides = array<i32>} : memref<8192xi32, #tpu.memory_space<vmem>>, vector<16xi32>,
    %add3A_183 = arith.constant 1400000 : i32
    %add3A_184 = vector.broadcast %add3A_183 : i32 to vector<16xi32>
    %add3A_185 = arith.addi %get3A_3, %add3A_184 : vector<16xi32>
    %shift_right_arithmetic3A_186 = arith.constant 4 : i32
    %shift_right_arithmetic3A_187 = vector.broadcast %shift_right_arithmetic3A_186 : i32 to vector<16xi32>
    %shift_right_arithmetic3A_188 = arith.shrsi %add3A_185, %shift_right_arithmetic3A_187 : vector<16xi32>
    %swap3A_189 = arith.constant 224 : index
    %swap3A_190 = tpu.vector_load %arg7[%swap3A_189] {strides = array<i32>} : memref<8192xi32, #tpu.memory_space<vmem>>, vector<16xi32>,
    tpu.vector_store %arg7[%swap3A_189], %shift_right_arithmetic3A_188 {strides = array<i32>} : memref<8192xi32, #tpu.memory_space<vmem>>, vector<16xi32>,
    %and3A_191 = arith.constant 15 : i32
    %and3A_192 = vector.broadcast %and3A_191 : i32 to vector<16xi32>
    %and3A_193 = arith.andi %add3A_185, %and3A_192 : vector<16xi32>
    %swap3A_194 = arith.constant 224 : index
    %swap3A_195 = tpu.vector_load %arg8[%swap3A_194] {strides = array<i32>} : memref<8192xi32, #tpu.memory_space<vmem>>, vector<16xi32>,
    tpu.vector_store %arg8[%swap3A_194], %and3A_193 {strides = array<i32>} : memref<8192xi32, #tpu.memory_space<vmem>>, vector<16xi32>,
    %add3A_196 = arith.constant 1500000 : i32
    %add3A_197 = vector.broadcast %add3A_196 : i32 to vector<16xi32>
    %add3A_198 = arith.addi %get3A_3, %add3A_197 : vector<16xi32>
    %shift_right_arithmetic3A_199 = arith.constant 4 : i32
    %shift_right_arithmetic3A_200 = vector.broadcast %shift_right_arithmetic3A_199 : i32 to vector<16xi32>
    %shift_right_arithmetic3A_201 = arith.shrsi %add3A_198, %shift_right_arithmetic3A_200 : vector<16xi32>
    %swap3A_202 = arith.constant 240 : index
    %swap3A_203 = tpu.vector_load %arg7[%swap3A_202] {strides = array<i32>} : memref<8192xi32, #tpu.memory_space<vmem>>, vector<16xi32>,
    tpu.vector_store %arg7[%swap3A_202], %shift_right_arithmetic3A_201 {strides = array<i32>} : memref<8192xi32, #tpu.memory_space<vmem>>, vector<16xi32>,
    %and3A_204 = arith.constant 15 : i32
    %and3A_205 = vector.broadcast %and3A_204 : i32 to vector<16xi32>
    %and3A_206 = arith.andi %add3A_198, %and3A_205 : vector<16xi32>
    %swap3A_207 = arith.constant 240 : index
    %swap3A_208 = tpu.vector_load %arg8[%swap3A_207] {strides = array<i32>} : memref<8192xi32, #tpu.memory_space<vmem>>, vector<16xi32>,
    tpu.vector_store %arg8[%swap3A_207], %and3A_206 {strides = array<i32>} : memref<8192xi32, #tpu.memory_space<vmem>>, vector<16xi32>,
    %get3A_209 = arith.constant 16 : index
    %get3A_210 = tpu.vector_load %arg5[%get3A_209] {strides = array<i32>} : memref<32xi32, #tpu.memory_space<vmem>>, vector<16xi32>,
    %add3A_211 = arith.constant 0 : i32
    %add3A_212 = vector.broadcast %add3A_211 : i32 to vector<16xi32>
    %add3A_213 = arith.addi %get3A_210, %add3A_212 : vector<16xi32>
    %shift_right_arithmetic3A_214 = arith.constant 4 : i32
    %shift_right_arithmetic3A_215 = vector.broadcast %shift_right_arithmetic3A_214 : i32 to vector<16xi32>
    %shift_right_arithmetic3A_216 = arith.shrsi %add3A_213, %shift_right_arithmetic3A_215 : vector<16xi32>
    %swap3A_217 = arith.constant 256 : index
    %swap3A_218 = tpu.vector_load %arg7[%swap3A_217] {strides = array<i32>} : memref<8192xi32, #tpu.memory_space<vmem>>, vector<16xi32>,
    tpu.vector_store %arg7[%swap3A_217], %shift_right_arithmetic3A_216 {strides = array<i32>} : memref<8192xi32, #tpu.memory_space<vmem>>, vector<16xi32>,
    %and3A_219 = arith.constant 15 : i32
    %and3A_220 = vector.broadcast %and3A_219 : i32 to vector<16xi32>
    %and3A_221 = arith.andi %add3A_213, %and3A_220 : vector<16xi32>
    %swap3A_222 = arith.constant 256 : index
    %swap3A_223 = tpu.vector_load %arg8[%swap3A_222] {strides = array<i32>} : memref<8192xi32, #tpu.memory_space<vmem>>, vector<16xi32>,
    tpu.vector_store %arg8[%swap3A_222], %and3A_221 {strides = array<i32>} : memref<8192xi32, #tpu.memory_space<vmem>>, vector<16xi32>,
    %add3A_224 = arith.constant 100000 : i32
    %add3A_225 = vector.broadcast %add3A_224 : i32 to vector<16xi32>
    %add3A_226 = arith.addi %get3A_210, %add3A_225 : vector<16xi32>
    %shift_right_arithmetic3A_227 = arith.constant 4 : i32
    %shift_right_arithmetic3A_228 = vector.broadcast %shift_right_arithmetic3A_227 : i32 to vector<16xi32>
    %shift_right_arithmetic3A_229 = arith.shrsi %add3A_226, %shift_right_arithmetic3A_228 : vector<16xi32>
    %swap3A_230 = arith.constant 272 : index
    %swap3A_231 = tpu.vector_load %arg7[%swap3A_230] {strides = array<i32>} : memref<8192xi32, #tpu.memory_space<vmem>>, vector<16xi32>,
    tpu.vector_store %arg7[%swap3A_230], %shift_right_arithmetic3A_229 {strides = array<i32>} : memref<8192xi32, #tpu.memory_space<vmem>>, vector<16xi32>,
    %and3A_232 = arith.constant 15 : i32
    %and3A_233 = vector.broadcast %and3A_232 : i32 to vector<16xi32>
    %and3A_234 = arith.andi %add3A_226, %and3A_233 : vector<16xi32>
    %swap3A_235 = arith.constant 272 : index
    %swap3A_236 = tpu.vector_load %arg8[%swap3A_235] {strides = array<i32>} : memref<8192xi32, #tpu.memory_space<vmem>>, vector<16xi32>,
    tpu.vector_store %arg8[%swap3A_235], %and3A_234 {strides = array<i32>} : memref<8192xi32, #tpu.memory_space<vmem>>, vector<16xi32>,
    %add3A_237 = arith.constant 200000 : i32
    %add3A_238 = vector.broadcast %add3A_237 : i32 to vector<16xi32>
    %add3A_239 = arith.addi %get3A_210, %add3A_238 : vector<16xi32>
    %shift_right_arithmetic3A_240 = arith.constant 4 : i32
    %shift_right_arithmetic3A_241 = vector.broadcast %shift_right_arithmetic3A_240 : i32 to vector<16xi32>
    %shift_right_arithmetic3A_242 = arith.shrsi %add3A_239, %shift_right_arithmetic3A_241 : vector<16xi32>
    %swap3A_243 = arith.constant 288 : index
    %swap3A_244 = tpu.vector_load %arg7[%swap3A_243] {strides = array<i32>} : memref<8192xi32, #tpu.memory_space<vmem>>, vector<16xi32>,
    tpu.vector_store %arg7[%swap3A_243], %shift_right_arithmetic3A_242 {strides = array<i32>} : memref<8192xi32, #tpu.memory_space<vmem>>, vector<16xi32>,
    %and3A_245 = arith.constant 15 : i32
    %and3A_246 = vector.broadcast %and3A_245 : i32 to vector<16xi32>
    %and3A_247 = arith.andi %add3A_239, %and3A_246 : vector<16xi32>
    %swap3A_248 = arith.constant 288 : index
    %swap3A_249 = tpu.vector_load %arg8[%swap3A_248] {strides = array<i32>} : memref<8192xi32, #tpu.memory_space<vmem>>, vector<16xi32>,
    tpu.vector_store %arg8[%swap3A_248], %and3A_247 {strides = array<i32>} : memref<8192xi32, #tpu.memory_space<vmem>>, vector<16xi32>,
    %add3A_250 = arith.constant 300000 : i32
    %add3A_251 = vector.broadcast %add3A_250 : i32 to vector<16xi32>
    %add3A_252 = arith.addi %get3A_210, %add3A_251 : vector<16xi32>
    %shift_right_arithmetic3A_253 = arith.constant 4 : i32
    %shift_right_arithmetic3A_254 = vector.broadcast %shift_right_arithmetic3A_253 : i32 to vector<16xi32>
    %shift_right_arithmetic3A_255 = arith.shrsi %add3A_252, %shift_right_arithmetic3A_254 : vector<16xi32>
    %swap3A_256 = arith.constant 304 : index
    %swap3A_257 = tpu.vector_load %arg7[%swap3A_256] {strides = array<i32>} : memref<8192xi32, #tpu.memory_space<vmem>>, vector<16xi32>,
    tpu.vector_store %arg7[%swap3A_256], %shift_right_arithmetic3A_255 {strides = array<i32>} : memref<8192xi32, #tpu.memory_space<vmem>>, vector<16xi32>,
    %and3A_258 = arith.constant 15 : i32
    %and3A_259 = vector.broadcast %and3A_258 : i32 to vector<16xi32>
    %and3A_260 = arith.andi %add3A_252, %and3A_259 : vector<16xi32>
    %swap3A_261 = arith.constant 304 : index
    %swap3A_262 = tpu.vector_load %arg8[%swap3A_261] {strides = array<i32>} : memref<8192xi32, #tpu.memory_space<vmem>>, vector<16xi32>,
    tpu.vector_store %arg8[%swap3A_261], %and3A_260 {strides = array<i32>} : memref<8192xi32, #tpu.memory_space<vmem>>, vector<16xi32>,
    %add3A_263 = arith.constant 400000 : i32
    %add3A_264 = vector.broadcast %add3A_263 : i32 to vector<16xi32>
    %add3A_265 = arith.addi %get3A_210, %add3A_264 : vector<16xi32>
    %shift_right_arithmetic3A_266 = arith.constant 4 : i32
    %shift_right_arithmetic3A_267 = vector.broadcast %shift_right_arithmetic3A_266 : i32 to vector<16xi32>
    %shift_right_arithmetic3A_268 = arith.shrsi %add3A_265, %shift_right_arithmetic3A_267 : vector<16xi32>
    %swap3A_269 = arith.constant 320 : index
    %swap3A_270 = tpu.vector_load %arg7[%swap3A_269] {strides = array<i32>} : memref<8192xi32, #tpu.memory_space<vmem>>, vector<16xi32>,
    tpu.vector_store %arg7[%swap3A_269], %shift_right_arithmetic3A_268 {strides = array<i32>} : memref<8192xi32, #tpu.memory_space<vmem>>, vector<16xi32>,
    %and3A_271 = arith.constant 15 : i32
    %and3A_272 = vector.broadcast %and3A_271 : i32 to vector<16xi32>
    %and3A_273 = arith.andi %add3A_265, %and3A_272 : vector<16xi32>
    %swap3A_274 = arith.constant 320 : index
    %swap3A_275 = tpu.vector_load %arg8[%swap3A_274] {strides = array<i32>} : memref<8192xi32, #tpu.memory_space<vmem>>, vector<16xi32>,
    tpu.vector_store %arg8[%swap3A_274], %and3A_273 {strides = array<i32>} : memref<8192xi32, #tpu.memory_space<vmem>>, vector<16xi32>,
    %add3A_276 = arith.constant 500000 : i32
    %add3A_277 = vector.broadcast %add3A_276 : i32 to vector<16xi32>
    %add3A_278 = arith.addi %get3A_210, %add3A_277 : vector<16xi32>
    %shift_right_arithmetic3A_279 = arith.constant 4 : i32
    %shift_right_arithmetic3A_280 = vector.broadcast %shift_right_arithmetic3A_279 : i32 to vector<16xi32>
    %shift_right_arithmetic3A_281 = arith.shrsi %add3A_278, %shift_right_arithmetic3A_280 : vector<16xi32>
    %swap3A_282 = arith.constant 336 : index
    %swap3A_283 = tpu.vector_load %arg7[%swap3A_282] {strides = array<i32>} : memref<8192xi32, #tpu.memory_space<vmem>>, vector<16xi32>,
    tpu.vector_store %arg7[%swap3A_282], %shift_right_arithmetic3A_281 {strides = array<i32>} : memref<8192xi32, #tpu.memory_space<vmem>>, vector<16xi32>,
    %and3A_284 = arith.constant 15 : i32
    %and3A_285 = vector.broadcast %and3A_284 : i32 to vector<16xi32>
    %and3A_286 = arith.andi %add3A_278, %and3A_285 : vector<16xi32>
    %swap3A_287 = arith.constant 336 : index
    %swap3A_288 = tpu.vector_load %arg8[%swap3A_287] {strides = array<i32>} : memref<8192xi32, #tpu.memory_space<vmem>>, vector<16xi32>,
    tpu.vector_store %arg8[%swap3A_287], %and3A_286 {strides = array<i32>} : memref<8192xi32, #tpu.memory_space<vmem>>, vector<16xi32>,
    %add3A_289 = arith.constant 600000 : i32
    %add3A_290 = vector.broadcast %add3A_289 : i32 to vector<16xi32>
    %add3A_291 = arith.addi %get3A_210, %add3A_290 : vector<16xi32>
    %shift_right_arithmetic3A_292 = arith.constant 4 : i32
    %shift_right_arithmetic3A_293 = vector.broadcast %shift_right_arithmetic3A_292 : i32 to vector<16xi32>
    %shift_right_arithmetic3A_294 = arith.shrsi %add3A_291, %shift_right_arithmetic3A_293 : vector<16xi32>
    %swap3A_295 = arith.constant 352 : index
    %swap3A_296 = tpu.vector_load %arg7[%swap3A_295] {strides = array<i32>} : memref<8192xi32, #tpu.memory_space<vmem>>, vector<16xi32>,
    tpu.vector_store %arg7[%swap3A_295], %shift_right_arithmetic3A_294 {strides = array<i32>} : memref<8192xi32, #tpu.memory_space<vmem>>, vector<16xi32>,
    %and3A_297 = arith.constant 15 : i32
    %and3A_298 = vector.broadcast %and3A_297 : i32 to vector<16xi32>
    %and3A_299 = arith.andi %add3A_291, %and3A_298 : vector<16xi32>
    %swap3A_300 = arith.constant 352 : index
    %swap3A_301 = tpu.vector_load %arg8[%swap3A_300] {strides = array<i32>} : memref<8192xi32, #tpu.memory_space<vmem>>, vector<16xi32>,
    tpu.vector_store %arg8[%swap3A_300], %and3A_299 {strides = array<i32>} : memref<8192xi32, #tpu.memory_space<vmem>>, vector<16xi32>,
    %add3A_302 = arith.constant 700000 : i32
    %add3A_303 = vector.broadcast %add3A_302 : i32 to vector<16xi32>
    %add3A_304 = arith.addi %get3A_210, %add3A_303 : vector<16xi32>
    %shift_right_arithmetic3A_305 = arith.constant 4 : i32
    %shift_right_arithmetic3A_306 = vector.broadcast %shift_right_arithmetic3A_305 : i32 to vector<16xi32>
    %shift_right_arithmetic3A_307 = arith.shrsi %add3A_304, %shift_right_arithmetic3A_306 : vector<16xi32>
    %swap3A_308 = arith.constant 368 : index
    %swap3A_309 = tpu.vector_load %arg7[%swap3A_308] {strides = array<i32>} : memref<8192xi32, #tpu.memory_space<vmem>>, vector<16xi32>,
    tpu.vector_store %arg7[%swap3A_308], %shift_right_arithmetic3A_307 {strides = array<i32>} : memref<8192xi32, #tpu.memory_space<vmem>>, vector<16xi32>,
    %and3A_310 = arith.constant 15 : i32
    %and3A_311 = vector.broadcast %and3A_310 : i32 to vector<16xi32>
    %and3A_312 = arith.andi %add3A_304, %and3A_311 : vector<16xi32>
    %swap3A_313 = arith.constant 368 : index
    %swap3A_314 = tpu.vector_load %arg8[%swap3A_313] {strides = array<i32>} : memref<8192xi32, #tpu.memory_space<vmem>>, vector<16xi32>,
    tpu.vector_store %arg8[%swap3A_313], %and3A_312 {strides = array<i32>} : memref<8192xi32, #tpu.memory_space<vmem>>, vector<16xi32>,
    %add3A_315 = arith.constant 800000 : i32
    %add3A_316 = vector.broadcast %add3A_315 : i32 to vector<16xi32>
    %add3A_317 = arith.addi %get3A_210, %add3A_316 : vector<16xi32>
    %shift_right_arithmetic3A_318 = arith.constant 4 : i32
    %shift_right_arithmetic3A_319 = vector.broadcast %shift_right_arithmetic3A_318 : i32 to vector<16xi32>
    %shift_right_arithmetic3A_320 = arith.shrsi %add3A_317, %shift_right_arithmetic3A_319 : vector<16xi32>
    %swap3A_321 = arith.constant 384 : index
    %swap3A_322 = tpu.vector_load %arg7[%swap3A_321] {strides = array<i32>} : memref<8192xi32, #tpu.memory_space<vmem>>, vector<16xi32>,
    tpu.vector_store %arg7[%swap3A_321], %shift_right_arithmetic3A_320 {strides = array<i32>} : memref<8192xi32, #tpu.memory_space<vmem>>, vector<16xi32>,
    %and3A_323 = arith.constant 15 : i32
    %and3A_324 = vector.broadcast %and3A_323 : i32 to vector<16xi32>
    %and3A_325 = arith.andi %add3A_317, %and3A_324 : vector<16xi32>
    %swap3A_326 = arith.constant 384 : index
    %swap3A_327 = tpu.vector_load %arg8[%swap3A_326] {strides = array<i32>} : memref<8192xi32, #tpu.memory_space<vmem>>, vector<16xi32>,
    tpu.vector_store %arg8[%swap3A_326], %and3A_325 {strides = array<i32>} : memref<8192xi32, #tpu.memory_space<vmem>>, vector<16xi32>,
    %add3A_328 = arith.constant 900000 : i32
    %add3A_329 = vector.broadcast %add3A_328 : i32 to vector<16xi32>
    %add3A_330 = arith.addi %get3A_210, %add3A_329 : vector<16xi32>
    %shift_right_arithmetic3A_331 = arith.constant 4 : i32
    %shift_right_arithmetic3A_332 = vector.broadcast %shift_right_arithmetic3A_331 : i32 to vector<16xi32>
    %shift_right_arithmetic3A_333 = arith.shrsi %add3A_330, %shift_right_arithmetic3A_332 : vector<16xi32>
    %swap3A_334 = arith.constant 400 : index
    %swap3A_335 = tpu.vector_load %arg7[%swap3A_334] {strides = array<i32>} : memref<8192xi32, #tpu.memory_space<vmem>>, vector<16xi32>,
    tpu.vector_store %arg7[%swap3A_334], %shift_right_arithmetic3A_333 {strides = array<i32>} : memref<8192xi32, #tpu.memory_space<vmem>>, vector<16xi32>,
    %and3A_336 = arith.constant 15 : i32
    %and3A_337 = vector.broadcast %and3A_336 : i32 to vector<16xi32>
    %and3A_338 = arith.andi %add3A_330, %and3A_337 : vector<16xi32>
    %swap3A_339 = arith.constant 400 : index
    %swap3A_340 = tpu.vector_load %arg8[%swap3A_339] {strides = array<i32>} : memref<8192xi32, #tpu.memory_space<vmem>>, vector<16xi32>,
    tpu.vector_store %arg8[%swap3A_339], %and3A_338 {strides = array<i32>} : memref<8192xi32, #tpu.memory_space<vmem>>, vector<16xi32>,
    %add3A_341 = arith.constant 1000000 : i32
    %add3A_342 = vector.broadcast %add3A_341 : i32 to vector<16xi32>
    %add3A_343 = arith.addi %get3A_210, %add3A_342 : vector<16xi32>
    %shift_right_arithmetic3A_344 = arith.constant 4 : i32
    %shift_right_arithmetic3A_345 = vector.broadcast %shift_right_arithmetic3A_344 : i32 to vector<16xi32>
    %shift_right_arithmetic3A_346 = arith.shrsi %add3A_343, %shift_right_arithmetic3A_345 : vector<16xi32>
    %swap3A_347 = arith.constant 416 : index
    %swap3A_348 = tpu.vector_load %arg7[%swap3A_347] {strides = array<i32>} : memref<8192xi32, #tpu.memory_space<vmem>>, vector<16xi32>,
    tpu.vector_store %arg7[%swap3A_347], %shift_right_arithmetic3A_346 {strides = array<i32>} : memref<8192xi32, #tpu.memory_space<vmem>>, vector<16xi32>,
    %and3A_349 = arith.constant 15 : i32
    %and3A_350 = vector.broadcast %and3A_349 : i32 to vector<16xi32>
    %and3A_351 = arith.andi %add3A_343, %and3A_350 : vector<16xi32>
    %swap3A_352 = arith.constant 416 : index
    %swap3A_353 = tpu.vector_load %arg8[%swap3A_352] {strides = array<i32>} : memref<8192xi32, #tpu.memory_space<vmem>>, vector<16xi32>,
    tpu.vector_store %arg8[%swap3A_352], %and3A_351 {strides = array<i32>} : memref<8192xi32, #tpu.memory_space<vmem>>, vector<16xi32>,
    %add3A_354 = arith.constant 1100000 : i32
    %add3A_355 = vector.broadcast %add3A_354 : i32 to vector<16xi32>
    %add3A_356 = arith.addi %get3A_210, %add3A_355 : vector<16xi32>
    %shift_right_arithmetic3A_357 = arith.constant 4 : i32
    %shift_right_arithmetic3A_358 = vector.broadcast %shift_right_arithmetic3A_357 : i32 to vector<16xi32>
    %shift_right_arithmetic3A_359 = arith.shrsi %add3A_356, %shift_right_arithmetic3A_358 : vector<16xi32>
    %swap3A_360 = arith.constant 432 : index
    %swap3A_361 = tpu.vector_load %arg7[%swap3A_360] {strides = array<i32>} : memref<8192xi32, #tpu.memory_space<vmem>>, vector<16xi32>,
    tpu.vector_store %arg7[%swap3A_360], %shift_right_arithmetic3A_359 {strides = array<i32>} : memref<8192xi32, #tpu.memory_space<vmem>>, vector<16xi32>,
    %and3A_362 = arith.constant 15 : i32
    %and3A_363 = vector.broadcast %and3A_362 : i32 to vector<16xi32>
    %and3A_364 = arith.andi %add3A_356, %and3A_363 : vector<16xi32>
    %swap3A_365 = arith.constant 432 : index
    %swap3A_366 = tpu.vector_load %arg8[%swap3A_365] {strides = array<i32>} : memref<8192xi32, #tpu.memory_space<vmem>>, vector<16xi32>,
    tpu.vector_store %arg8[%swap3A_365], %and3A_364 {strides = array<i32>} : memref<8192xi32, #tpu.memory_space<vmem>>, vector<16xi32>,
    %add3A_367 = arith.constant 1200000 : i32
    %add3A_368 = vector.broadcast %add3A_367 : i32 to vector<16xi32>
    %add3A_369 = arith.addi %get3A_210, %add3A_368 : vector<16xi32>
    %shift_right_arithmetic3A_370 = arith.constant 4 : i32
    %shift_right_arithmetic3A_371 = vector.broadcast %shift_right_arithmetic3A_370 : i32 to vector<16xi32>
    %shift_right_arithmetic3A_372 = arith.shrsi %add3A_369, %shift_right_arithmetic3A_371 : vector<16xi32>
    %swap3A_373 = arith.constant 448 : index
    %swap3A_374 = tpu.vector_load %arg7[%swap3A_373] {strides = array<i32>} : memref<8192xi32, #tpu.memory_space<vmem>>, vector<16xi32>,
    tpu.vector_store %arg7[%swap3A_373], %shift_right_arithmetic3A_372 {strides = array<i32>} : memref<8192xi32, #tpu.memory_space<vmem>>, vector<16xi32>,
    %and3A_375 = arith.constant 15 : i32
    %and3A_376 = vector.broadcast %and3A_375 : i32 to vector<16xi32>
    %and3A_377 = arith.andi %add3A_369, %and3A_376 : vector<16xi32>
    %swap3A_378 = arith.constant 448 : index
    %swap3A_379 = tpu.vector_load %arg8[%swap3A_378] {strides = array<i32>} : memref<8192xi32, #tpu.memory_space<vmem>>, vector<16xi32>,
    tpu.vector_store %arg8[%swap3A_378], %and3A_377 {strides = array<i32>} : memref<8192xi32, #tpu.memory_space<vmem>>, vector<16xi32>,
    %add3A_380 = arith.constant 1300000 : i32
    %add3A_381 = vector.broadcast %add3A_380 : i32 to vector<16xi32>
    %add3A_382 = arith.addi %get3A_210, %add3A_381 : vector<16xi32>
    %shift_right_arithmetic3A_383 = arith.constant 4 : i32
    %shift_right_arithmetic3A_384 = vector.broadcast %shift_right_arithmetic3A_383 : i32 to vector<16xi32>
    %shift_right_arithmetic3A_385 = arith.shrsi %add3A_382, %shift_right_arithmetic3A_384 : vector<16xi32>
    %swap3A_386 = arith.constant 464 : index
    %swap3A_387 = tpu.vector_load %arg7[%swap3A_386] {strides = array<i32>} : memref<8192xi32, #tpu.memory_space<vmem>>, vector<16xi32>,
    tpu.vector_store %arg7[%swap3A_386], %shift_right_arithmetic3A_385 {strides = array<i32>} : memref<8192xi32, #tpu.memory_space<vmem>>, vector<16xi32>,
    %and3A_388 = arith.constant 15 : i32
    %and3A_389 = vector.broadcast %and3A_388 : i32 to vector<16xi32>
    %and3A_390 = arith.andi %add3A_382, %and3A_389 : vector<16xi32>
    %swap3A_391 = arith.constant 464 : index
    %swap3A_392 = tpu.vector_load %arg8[%swap3A_391] {strides = array<i32>} : memref<8192xi32, #tpu.memory_space<vmem>>, vector<16xi32>,
    tpu.vector_store %arg8[%swap3A_391], %and3A_390 {strides = array<i32>} : memref<8192xi32, #tpu.memory_space<vmem>>, vector<16xi32>,
    %add3A_393 = arith.constant 1400000 : i32
    %add3A_394 = vector.broadcast %add3A_393 : i32 to vector<16xi32>
    %add3A_395 = arith.addi %get3A_210, %add3A_394 : vector<16xi32>
    %shift_right_arithmetic3A_396 = arith.constant 4 : i32
    %shift_right_arithmetic3A_397 = vector.broadcast %shift_right_arithmetic3A_396 : i32 to vector<16xi32>
    %shift_right_arithmetic3A_398 = arith.shrsi %add3A_395, %shift_right_arithmetic3A_397 : vector<16xi32>
    %swap3A_399 = arith.constant 480 : index
    %swap3A_400 = tpu.vector_load %arg7[%swap3A_399] {strides = array<i32>} : memref<8192xi32, #tpu.memory_space<vmem>>, vector<16xi32>,
    tpu.vector_store %arg7[%swap3A_399], %shift_right_arithmetic3A_398 {strides = array<i32>} : memref<8192xi32, #tpu.memory_space<vmem>>, vector<16xi32>,
    %and3A_401 = arith.constant 15 : i32
    %and3A_402 = vector.broadcast %and3A_401 : i32 to vector<16xi32>
    %and3A_403 = arith.andi %add3A_395, %and3A_402 : vector<16xi32>
    %swap3A_404 = arith.constant 480 : index
    %swap3A_405 = tpu.vector_load %arg8[%swap3A_404] {strides = array<i32>} : memref<8192xi32, #tpu.memory_space<vmem>>, vector<16xi32>,
    tpu.vector_store %arg8[%swap3A_404], %and3A_403 {strides = array<i32>} : memref<8192xi32, #tpu.memory_space<vmem>>, vector<16xi32>,
    %add3A_406 = arith.constant 1500000 : i32
    %add3A_407 = vector.broadcast %add3A_406 : i32 to vector<16xi32>
    %add3A_408 = arith.addi %get3A_210, %add3A_407 : vector<16xi32>
    %shift_right_arithmetic3A_409 = arith.constant 4 : i32
    %shift_right_arithmetic3A_410 = vector.broadcast %shift_right_arithmetic3A_409 : i32 to vector<16xi32>
    %shift_right_arithmetic3A_411 = arith.shrsi %add3A_408, %shift_right_arithmetic3A_410 : vector<16xi32>
    %swap3A_412 = arith.constant 496 : index
    %swap3A_413 = tpu.vector_load %arg7[%swap3A_412] {strides = array<i32>} : memref<8192xi32, #tpu.memory_space<vmem>>, vector<16xi32>,
    tpu.vector_store %arg7[%swap3A_412], %shift_right_arithmetic3A_411 {strides = array<i32>} : memref<8192xi32, #tpu.memory_space<vmem>>, vector<16xi32>,
    %and3A_414 = arith.constant 15 : i32
    %and3A_415 = vector.broadcast %and3A_414 : i32 to vector<16xi32>
    %and3A_416 = arith.andi %add3A_408, %and3A_415 : vector<16xi32>
    %swap3A_417 = arith.constant 496 : index
    %swap3A_418 = tpu.vector_load %arg8[%swap3A_417] {strides = array<i32>} : memref<8192xi32, #tpu.memory_space<vmem>>, vector<16xi32>,
    tpu.vector_store %arg8[%swap3A_417], %and3A_416 {strides = array<i32>} : memref<8192xi32, #tpu.memory_space<vmem>>, vector<16xi32>,
    %dma_start3A = arith.constant 0 : i32
    %dma_start3A_419 = arith.constant 0 : i32
    %dma_start3A_420 = tpu.memref_slice %arg9[%dma_start3A, %dma_start3A_419] : memref<512x16xi32, #tpu.memory_space<vmem>> -> memref<128x16xi32, #tpu.memory_space<vmem>>
    %dma_start3A_421 = arith.constant 0 : i32
    %dma_start3A_422 = tpu.memref_slice %arg7[%dma_start3A_421] : memref<8192xi32, #tpu.memory_space<vmem>> -> memref<128xi32, #tpu.memory_space<vmem>>
    %dma_start3A_423 = arith.constant 0 : i32
    %dma_start3A_424 = arith.constant 0 : i32
    %dma_start3A_425 = tpu.memref_slice %arg2[%dma_start3A_423, %dma_start3A_424] : memref<100000x16xi32, #tpu.memory_space<hbm>> -> memref<100000x16xi32, #tpu.memory_space<hbm>>
    tpu.enqueue_indirect_dma source(%dma_start3A_425 : memref<100000x16xi32, #tpu.memory_space<hbm>>) target(%dma_start3A_420 : memref<128x16xi32, #tpu.memory_space<vmem>>) offsets(%dma_start3A_422 : memref<128xi32, #tpu.memory_space<vmem>>) semaphore(%arg11 : memref<!tpu.dma_semaphore, #tpu.memory_space<semaphore_mem>>)
    %dma_start3A_426 = arith.constant 128 : i32
    %dma_start3A_427 = arith.constant 0 : i32
    %dma_start3A_428 = tpu.memref_slice %arg9[%dma_start3A_426, %dma_start3A_427] : memref<512x16xi32, #tpu.memory_space<vmem>> -> memref<128x16xi32, #tpu.memory_space<vmem>>
    %dma_start3A_429 = arith.constant 128 : i32
    %dma_start3A_430 = tpu.memref_slice %arg7[%dma_start3A_429] : memref<8192xi32, #tpu.memory_space<vmem>> -> memref<128xi32, #tpu.memory_space<vmem>>
    %dma_start3A_431 = arith.constant 0 : i32
    %dma_start3A_432 = arith.constant 0 : i32
    %dma_start3A_433 = tpu.memref_slice %arg2[%dma_start3A_431, %dma_start3A_432] : memref<100000x16xi32, #tpu.memory_space<hbm>> -> memref<100000x16xi32, #tpu.memory_space<hbm>>
    tpu.enqueue_indirect_dma source(%dma_start3A_433 : memref<100000x16xi32, #tpu.memory_space<hbm>>) target(%dma_start3A_428 : memref<128x16xi32, #tpu.memory_space<vmem>>) offsets(%dma_start3A_430 : memref<128xi32, #tpu.memory_space<vmem>>) semaphore(%arg11 : memref<!tpu.dma_semaphore, #tpu.memory_space<semaphore_mem>>)
    %dma_start3A_434 = arith.constant 256 : i32
    %dma_start3A_435 = arith.constant 0 : i32
    %dma_start3A_436 = tpu.memref_slice %arg9[%dma_start3A_434, %dma_start3A_435] : memref<512x16xi32, #tpu.memory_space<vmem>> -> memref<128x16xi32, #tpu.memory_space<vmem>>
    %dma_start3A_437 = arith.constant 256 : i32
    %dma_start3A_438 = tpu.memref_slice %arg7[%dma_start3A_437] : memref<8192xi32, #tpu.memory_space<vmem>> -> memref<128xi32, #tpu.memory_space<vmem>>
    %dma_start3A_439 = arith.constant 0 : i32
    %dma_start3A_440 = arith.constant 0 : i32
    %dma_start3A_441 = tpu.memref_slice %arg2[%dma_start3A_439, %dma_start3A_440] : memref<100000x16xi32, #tpu.memory_space<hbm>> -> memref<100000x16xi32, #tpu.memory_space<hbm>>
    tpu.enqueue_indirect_dma source(%dma_start3A_441 : memref<100000x16xi32, #tpu.memory_space<hbm>>) target(%dma_start3A_436 : memref<128x16xi32, #tpu.memory_space<vmem>>) offsets(%dma_start3A_438 : memref<128xi32, #tpu.memory_space<vmem>>) semaphore(%arg11 : memref<!tpu.dma_semaphore, #tpu.memory_space<semaphore_mem>>)
    %dma_start3A_442 = arith.constant 384 : i32
    %dma_start3A_443 = arith.constant 0 : i32
    %dma_start3A_444 = tpu.memref_slice %arg9[%dma_start3A_442, %dma_start3A_443] : memref<512x16xi32, #tpu.memory_space<vmem>> -> memref<128x16xi32, #tpu.memory_space<vmem>>
    %dma_start3A_445 = arith.constant 384 : i32
    %dma_start3A_446 = tpu.memref_slice %arg7[%dma_start3A_445] : memref<8192xi32, #tpu.memory_space<vmem>> -> memref<128xi32, #tpu.memory_space<vmem>>
    %dma_start3A_447 = arith.constant 0 : i32
    %dma_start3A_448 = arith.constant 0 : i32
    %dma_start3A_449 = tpu.memref_slice %arg2[%dma_start3A_447, %dma_start3A_448] : memref<100000x16xi32, #tpu.memory_space<hbm>> -> memref<100000x16xi32, #tpu.memory_space<hbm>>
    tpu.enqueue_indirect_dma source(%dma_start3A_449 : memref<100000x16xi32, #tpu.memory_space<hbm>>) target(%dma_start3A_444 : memref<128x16xi32, #tpu.memory_space<vmem>>) offsets(%dma_start3A_446 : memref<128xi32, #tpu.memory_space<vmem>>) semaphore(%arg11 : memref<!tpu.dma_semaphore, #tpu.memory_space<semaphore_mem>>)
    %dma_wait3A = arith.constant 0 : i32
    %dma_wait3A_450 = arith.constant 0 : i32
    %dma_wait3A_451 = tpu.memref_slice %arg9[%dma_wait3A, %dma_wait3A_450] : memref<512x16xi32, #tpu.memory_space<vmem>> -> memref<128x16xi32, #tpu.memory_space<vmem>>
    %dma_wait3A_452 = arith.constant 0 : i32
    %dma_wait3A_453 = arith.constant 0 : i32
    %dma_wait3A_454 = tpu.memref_slice %arg2[%dma_wait3A_452, %dma_wait3A_453] : memref<100000x16xi32, #tpu.memory_space<hbm>> -> memref<128x16xi32, #tpu.memory_space<hbm>>
    %dma_wait3A_455 = arith.constant 0 : i32
    %dma_wait3A_456 = arith.constant 0 : i32
    %dma_wait3A_457 = tpu.memref_slice %arg9[%dma_wait3A_455, %dma_wait3A_456] : memref<512x16xi32, #tpu.memory_space<vmem>> -> memref<128x16xi32, #tpu.memory_space<vmem>>
    %dma_wait3A_458 = arith.constant 0 : i32
    %dma_wait3A_459 = arith.constant 0 : i32
    %dma_wait3A_460 = tpu.memref_slice %arg2[%dma_wait3A_458, %dma_wait3A_459] : memref<100000x16xi32, #tpu.memory_space<hbm>> -> memref<128x16xi32, #tpu.memory_space<hbm>>
    tpu.wait_dma2 semaphore(%arg11 : memref<!tpu.dma_semaphore, #tpu.memory_space<semaphore_mem>>) src(%dma_wait3A_460 : memref<128x16xi32, #tpu.memory_space<hbm>>) dst(%dma_wait3A_457 : memref<128x16xi32, #tpu.memory_space<vmem>>)
    %dma_wait3A_461 = arith.constant 128 : i32
    %dma_wait3A_462 = arith.constant 0 : i32
    %dma_wait3A_463 = tpu.memref_slice %arg9[%dma_wait3A_461, %dma_wait3A_462] : memref<512x16xi32, #tpu.memory_space<vmem>> -> memref<128x16xi32, #tpu.memory_space<vmem>>
    %dma_wait3A_464 = arith.constant 0 : i32
    %dma_wait3A_465 = arith.constant 0 : i32
    %dma_wait3A_466 = tpu.memref_slice %arg2[%dma_wait3A_464, %dma_wait3A_465] : memref<100000x16xi32, #tpu.memory_space<hbm>> -> memref<128x16xi32, #tpu.memory_space<hbm>>
    %dma_wait3A_467 = arith.constant 128 : i32
    %dma_wait3A_468 = arith.constant 0 : i32
    %dma_wait3A_469 = tpu.memref_slice %arg9[%dma_wait3A_467, %dma_wait3A_468] : memref<512x16xi32, #tpu.memory_space<vmem>> -> memref<128x16xi32, #tpu.memory_space<vmem>>
    %dma_wait3A_470 = arith.constant 0 : i32
    %dma_wait3A_471 = arith.constant 0 : i32
    %dma_wait3A_472 = tpu.memref_slice %arg2[%dma_wait3A_470, %dma_wait3A_471] : memref<100000x16xi32, #tpu.memory_space<hbm>> -> memref<128x16xi32, #tpu.memory_space<hbm>>
    tpu.wait_dma2 semaphore(%arg11 : memref<!tpu.dma_semaphore, #tpu.memory_space<semaphore_mem>>) src(%dma_wait3A_472 : memref<128x16xi32, #tpu.memory_space<hbm>>) dst(%dma_wait3A_469 : memref<128x16xi32, #tpu.memory_space<vmem>>)
    %dma_wait3A_473 = arith.constant 256 : i32
    %dma_wait3A_474 = arith.constant 0 : i32
    %dma_wait3A_475 = tpu.memref_slice %arg9[%dma_wait3A_473, %dma_wait3A_474] : memref<512x16xi32, #tpu.memory_space<vmem>> -> memref<128x16xi32, #tpu.memory_space<vmem>>
    %dma_wait3A_476 = arith.constant 0 : i32
    %dma_wait3A_477 = arith.constant 0 : i32
    %dma_wait3A_478 = tpu.memref_slice %arg2[%dma_wait3A_476, %dma_wait3A_477] : memref<100000x16xi32, #tpu.memory_space<hbm>> -> memref<128x16xi32, #tpu.memory_space<hbm>>
    %dma_wait3A_479 = arith.constant 256 : i32
    %dma_wait3A_480 = arith.constant 0 : i32
    %dma_wait3A_481 = tpu.memref_slice %arg9[%dma_wait3A_479, %dma_wait3A_480] : memref<512x16xi32, #tpu.memory_space<vmem>> -> memref<128x16xi32, #tpu.memory_space<vmem>>
    %dma_wait3A_482 = arith.constant 0 : i32
    %dma_wait3A_483 = arith.constant 0 : i32
    %dma_wait3A_484 = tpu.memref_slice %arg2[%dma_wait3A_482, %dma_wait3A_483] : memref<100000x16xi32, #tpu.memory_space<hbm>> -> memref<128x16xi32, #tpu.memory_space<hbm>>
    tpu.wait_dma2 semaphore(%arg11 : memref<!tpu.dma_semaphore, #tpu.memory_space<semaphore_mem>>) src(%dma_wait3A_484 : memref<128x16xi32, #tpu.memory_space<hbm>>) dst(%dma_wait3A_481 : memref<128x16xi32, #tpu.memory_space<vmem>>)
    %dma_wait3A_485 = arith.constant 384 : i32
    %dma_wait3A_486 = arith.constant 0 : i32
    %dma_wait3A_487 = tpu.memref_slice %arg9[%dma_wait3A_485, %dma_wait3A_486] : memref<512x16xi32, #tpu.memory_space<vmem>> -> memref<128x16xi32, #tpu.memory_space<vmem>>
    %dma_wait3A_488 = arith.constant 0 : i32
    %dma_wait3A_489 = arith.constant 0 : i32
    %dma_wait3A_490 = tpu.memref_slice %arg2[%dma_wait3A_488, %dma_wait3A_489] : memref<100000x16xi32, #tpu.memory_space<hbm>> -> memref<128x16xi32, #tpu.memory_space<hbm>>
    %dma_wait3A_491 = arith.constant 384 : i32
    %dma_wait3A_492 = arith.constant 0 : i32
    %dma_wait3A_493 = tpu.memref_slice %arg9[%dma_wait3A_491, %dma_wait3A_492] : memref<512x16xi32, #tpu.memory_space<vmem>> -> memref<128x16xi32, #tpu.memory_space<vmem>>
    %dma_wait3A_494 = arith.constant 0 : i32
    %dma_wait3A_495 = arith.constant 0 : i32
    %dma_wait3A_496 = tpu.memref_slice %arg2[%dma_wait3A_494, %dma_wait3A_495] : memref<100000x16xi32, #tpu.memory_space<hbm>> -> memref<128x16xi32, #tpu.memory_space<hbm>>
    tpu.wait_dma2 semaphore(%arg11 : memref<!tpu.dma_semaphore, #tpu.memory_space<semaphore_mem>>) src(%dma_wait3A_496 : memref<128x16xi32, #tpu.memory_space<hbm>>) dst(%dma_wait3A_493 : memref<128x16xi32, #tpu.memory_space<vmem>>)
    %get3A_497 = arith.constant 0 : index
    %get3A_498 = tpu.vector_load %arg8[%get3A_497] {strides = array<i32>} : memref<8192xi32, #tpu.memory_space<vmem>>, vector<16xi32>,
    %add3A_499 = arith.constant 0 : i32
    %add3A_500 = vector.broadcast %add3A_499 : i32 to vector<16xi32>
    %add3A_501 = arith.addi %add3A_500, %iota3A : vector<16xi32>
    %gather3A = tpu.vector_load_idx %arg9[%add3A_501, %get3A_498] : memref<512x16xi32, #tpu.memory_space<vmem>>[vector<16xi32>, vector<16xi32>], vector<16xi32>,
    %swap3A_502 = arith.constant 0 : index
    %swap3A_503 = tpu.vector_load %arg6[%swap3A_502] {strides = array<i32>} : memref<512xi32, #tpu.memory_space<vmem>>, vector<16xi32>,
    tpu.vector_store %arg6[%swap3A_502], %gather3A {strides = array<i32>} : memref<512xi32, #tpu.memory_space<vmem>>, vector<16xi32>,
    %get3A_504 = arith.constant 16 : index
    %get3A_505 = tpu.vector_load %arg8[%get3A_504] {strides = array<i32>} : memref<8192xi32, #tpu.memory_space<vmem>>, vector<16xi32>,
    %add3A_506 = arith.constant 16 : i32
    %add3A_507 = vector.broadcast %add3A_506 : i32 to vector<16xi32>
    %add3A_508 = arith.addi %add3A_507, %iota3A : vector<16xi32>
    %gather3A_509 = tpu.vector_load_idx %arg9[%add3A_508, %get3A_505] : memref<512x16xi32, #tpu.memory_space<vmem>>[vector<16xi32>, vector<16xi32>], vector<16xi32>,
    %swap3A_510 = arith.constant 16 : index
    %swap3A_511 = tpu.vector_load %arg6[%swap3A_510] {strides = array<i32>} : memref<512xi32, #tpu.memory_space<vmem>>, vector<16xi32>,
    tpu.vector_store %arg6[%swap3A_510], %gather3A_509 {strides = array<i32>} : memref<512xi32, #tpu.memory_space<vmem>>, vector<16xi32>,
    %get3A_512 = arith.constant 32 : index
    %get3A_513 = tpu.vector_load %arg8[%get3A_512] {strides = array<i32>} : memref<8192xi32, #tpu.memory_space<vmem>>, vector<16xi32>,
    %add3A_514 = arith.constant 32 : i32
    %add3A_515 = vector.broadcast %add3A_514 : i32 to vector<16xi32>
    %add3A_516 = arith.addi %add3A_515, %iota3A : vector<16xi32>
    %gather3A_517 = tpu.vector_load_idx %arg9[%add3A_516, %get3A_513] : memref<512x16xi32, #tpu.memory_space<vmem>>[vector<16xi32>, vector<16xi32>], vector<16xi32>,
    %swap3A_518 = arith.constant 32 : index
    %swap3A_519 = tpu.vector_load %arg6[%swap3A_518] {strides = array<i32>} : memref<512xi32, #tpu.memory_space<vmem>>, vector<16xi32>,
    tpu.vector_store %arg6[%swap3A_518], %gather3A_517 {strides = array<i32>} : memref<512xi32, #tpu.memory_space<vmem>>, vector<16xi32>,
    %get3A_520 = arith.constant 48 : index
    %get3A_521 = tpu.vector_load %arg8[%get3A_520] {strides = array<i32>} : memref<8192xi32, #tpu.memory_space<vmem>>, vector<16xi32>,
    %add3A_522 = arith.constant 48 : i32
    %add3A_523 = vector.broadcast %add3A_522 : i32 to vector<16xi32>
    %add3A_524 = arith.addi %add3A_523, %iota3A : vector<16xi32>
    %gather3A_525 = tpu.vector_load_idx %arg9[%add3A_524, %get3A_521] : memref<512x16xi32, #tpu.memory_space<vmem>>[vector<16xi32>, vector<16xi32>], vector<16xi32>,
    %swap3A_526 = arith.constant 48 : index
    %swap3A_527 = tpu.vector_load %arg6[%swap3A_526] {strides = array<i32>} : memref<512xi32, #tpu.memory_space<vmem>>, vector<16xi32>,
    tpu.vector_store %arg6[%swap3A_526], %gather3A_525 {strides = array<i32>} : memref<512xi32, #tpu.memory_space<vmem>>, vector<16xi32>,
    %get3A_528 = arith.constant 64 : index
    %get3A_529 = tpu.vector_load %arg8[%get3A_528] {strides = array<i32>} : memref<8192xi32, #tpu.memory_space<vmem>>, vector<16xi32>,
    %add3A_530 = arith.constant 64 : i32
    %add3A_531 = vector.broadcast %add3A_530 : i32 to vector<16xi32>
    %add3A_532 = arith.addi %add3A_531, %iota3A : vector<16xi32>
    %gather3A_533 = tpu.vector_load_idx %arg9[%add3A_532, %get3A_529] : memref<512x16xi32, #tpu.memory_space<vmem>>[vector<16xi32>, vector<16xi32>], vector<16xi32>,
    %swap3A_534 = arith.constant 64 : index
    %swap3A_535 = tpu.vector_load %arg6[%swap3A_534] {strides = array<i32>} : memref<512xi32, #tpu.memory_space<vmem>>, vector<16xi32>,
    tpu.vector_store %arg6[%swap3A_534], %gather3A_533 {strides = array<i32>} : memref<512xi32, #tpu.memory_space<vmem>>, vector<16xi32>,
    %get3A_536 = arith.constant 80 : index
    %get3A_537 = tpu.vector_load %arg8[%get3A_536] {strides = array<i32>} : memref<8192xi32, #tpu.memory_space<vmem>>, vector<16xi32>,
    %add3A_538 = arith.constant 80 : i32
    %add3A_539 = vector.broadcast %add3A_538 : i32 to vector<16xi32>
    %add3A_540 = arith.addi %add3A_539, %iota3A : vector<16xi32>
    %gather3A_541 = tpu.vector_load_idx %arg9[%add3A_540, %get3A_537] : memref<512x16xi32, #tpu.memory_space<vmem>>[vector<16xi32>, vector<16xi32>], vector<16xi32>,
    %swap3A_542 = arith.constant 80 : index
    %swap3A_543 = tpu.vector_load %arg6[%swap3A_542] {strides = array<i32>} : memref<512xi32, #tpu.memory_space<vmem>>, vector<16xi32>,
    tpu.vector_store %arg6[%swap3A_542], %gather3A_541 {strides = array<i32>} : memref<512xi32, #tpu.memory_space<vmem>>, vector<16xi32>,
    %get3A_544 = arith.constant 96 : index
    %get3A_545 = tpu.vector_load %arg8[%get3A_544] {strides = array<i32>} : memref<8192xi32, #tpu.memory_space<vmem>>, vector<16xi32>,
    %add3A_546 = arith.constant 96 : i32
    %add3A_547 = vector.broadcast %add3A_546 : i32 to vector<16xi32>
    %add3A_548 = arith.addi %add3A_547, %iota3A : vector<16xi32>
    %gather3A_549 = tpu.vector_load_idx %arg9[%add3A_548, %get3A_545] : memref<512x16xi32, #tpu.memory_space<vmem>>[vector<16xi32>, vector<16xi32>], vector<16xi32>,
    %swap3A_550 = arith.constant 96 : index
    %swap3A_551 = tpu.vector_load %arg6[%swap3A_550] {strides = array<i32>} : memref<512xi32, #tpu.memory_space<vmem>>, vector<16xi32>,
    tpu.vector_store %arg6[%swap3A_550], %gather3A_549 {strides = array<i32>} : memref<512xi32, #tpu.memory_space<vmem>>, vector<16xi32>,
    %get3A_552 = arith.constant 112 : index
    %get3A_553 = tpu.vector_load %arg8[%get3A_552] {strides = array<i32>} : memref<8192xi32, #tpu.memory_space<vmem>>, vector<16xi32>,
    %add3A_554 = arith.constant 112 : i32
    %add3A_555 = vector.broadcast %add3A_554 : i32 to vector<16xi32>
    %add3A_556 = arith.addi %add3A_555, %iota3A : vector<16xi32>
    %gather3A_557 = tpu.vector_load_idx %arg9[%add3A_556, %get3A_553] : memref<512x16xi32, #tpu.memory_space<vmem>>[vector<16xi32>, vector<16xi32>], vector<16xi32>,
    %swap3A_558 = arith.constant 112 : index
    %swap3A_559 = tpu.vector_load %arg6[%swap3A_558] {strides = array<i32>} : memref<512xi32, #tpu.memory_space<vmem>>, vector<16xi32>,
    tpu.vector_store %arg6[%swap3A_558], %gather3A_557 {strides = array<i32>} : memref<512xi32, #tpu.memory_space<vmem>>, vector<16xi32>,
    %get3A_560 = arith.constant 128 : index
    %get3A_561 = tpu.vector_load %arg8[%get3A_560] {strides = array<i32>} : memref<8192xi32, #tpu.memory_space<vmem>>, vector<16xi32>,
    %add3A_562 = arith.constant 128 : i32
    %add3A_563 = vector.broadcast %add3A_562 : i32 to vector<16xi32>
    %add3A_564 = arith.addi %add3A_563, %iota3A : vector<16xi32>
    %gather3A_565 = tpu.vector_load_idx %arg9[%add3A_564, %get3A_561] : memref<512x16xi32, #tpu.memory_space<vmem>>[vector<16xi32>, vector<16xi32>], vector<16xi32>,
    %swap3A_566 = arith.constant 128 : index
    %swap3A_567 = tpu.vector_load %arg6[%swap3A_566] {strides = array<i32>} : memref<512xi32, #tpu.memory_space<vmem>>, vector<16xi32>,
    tpu.vector_store %arg6[%swap3A_566], %gather3A_565 {strides = array<i32>} : memref<512xi32, #tpu.memory_space<vmem>>, vector<16xi32>,
    %get3A_568 = arith.constant 144 : index
    %get3A_569 = tpu.vector_load %arg8[%get3A_568] {strides = array<i32>} : memref<8192xi32, #tpu.memory_space<vmem>>, vector<16xi32>,
    %add3A_570 = arith.constant 144 : i32
    %add3A_571 = vector.broadcast %add3A_570 : i32 to vector<16xi32>
    %add3A_572 = arith.addi %add3A_571, %iota3A : vector<16xi32>
    %gather3A_573 = tpu.vector_load_idx %arg9[%add3A_572, %get3A_569] : memref<512x16xi32, #tpu.memory_space<vmem>>[vector<16xi32>, vector<16xi32>], vector<16xi32>,
    %swap3A_574 = arith.constant 144 : index
    %swap3A_575 = tpu.vector_load %arg6[%swap3A_574] {strides = array<i32>} : memref<512xi32, #tpu.memory_space<vmem>>, vector<16xi32>,
    tpu.vector_store %arg6[%swap3A_574], %gather3A_573 {strides = array<i32>} : memref<512xi32, #tpu.memory_space<vmem>>, vector<16xi32>,
    %get3A_576 = arith.constant 160 : index
    %get3A_577 = tpu.vector_load %arg8[%get3A_576] {strides = array<i32>} : memref<8192xi32, #tpu.memory_space<vmem>>, vector<16xi32>,
    %add3A_578 = arith.constant 160 : i32
    %add3A_579 = vector.broadcast %add3A_578 : i32 to vector<16xi32>
    %add3A_580 = arith.addi %add3A_579, %iota3A : vector<16xi32>
    %gather3A_581 = tpu.vector_load_idx %arg9[%add3A_580, %get3A_577] : memref<512x16xi32, #tpu.memory_space<vmem>>[vector<16xi32>, vector<16xi32>], vector<16xi32>,
    %swap3A_582 = arith.constant 160 : index
    %swap3A_583 = tpu.vector_load %arg6[%swap3A_582] {strides = array<i32>} : memref<512xi32, #tpu.memory_space<vmem>>, vector<16xi32>,
    tpu.vector_store %arg6[%swap3A_582], %gather3A_581 {strides = array<i32>} : memref<512xi32, #tpu.memory_space<vmem>>, vector<16xi32>,
    %get3A_584 = arith.constant 176 : index
    %get3A_585 = tpu.vector_load %arg8[%get3A_584] {strides = array<i32>} : memref<8192xi32, #tpu.memory_space<vmem>>, vector<16xi32>,
    %add3A_586 = arith.constant 176 : i32
    %add3A_587 = vector.broadcast %add3A_586 : i32 to vector<16xi32>
    %add3A_588 = arith.addi %add3A_587, %iota3A : vector<16xi32>
    %gather3A_589 = tpu.vector_load_idx %arg9[%add3A_588, %get3A_585] : memref<512x16xi32, #tpu.memory_space<vmem>>[vector<16xi32>, vector<16xi32>], vector<16xi32>,
    %swap3A_590 = arith.constant 176 : index
    %swap3A_591 = tpu.vector_load %arg6[%swap3A_590] {strides = array<i32>} : memref<512xi32, #tpu.memory_space<vmem>>, vector<16xi32>,
    tpu.vector_store %arg6[%swap3A_590], %gather3A_589 {strides = array<i32>} : memref<512xi32, #tpu.memory_space<vmem>>, vector<16xi32>,
    %get3A_592 = arith.constant 192 : index
    %get3A_593 = tpu.vector_load %arg8[%get3A_592] {strides = array<i32>} : memref<8192xi32, #tpu.memory_space<vmem>>, vector<16xi32>,
    %add3A_594 = arith.constant 192 : i32
    %add3A_595 = vector.broadcast %add3A_594 : i32 to vector<16xi32>
    %add3A_596 = arith.addi %add3A_595, %iota3A : vector<16xi32>
    %gather3A_597 = tpu.vector_load_idx %arg9[%add3A_596, %get3A_593] : memref<512x16xi32, #tpu.memory_space<vmem>>[vector<16xi32>, vector<16xi32>], vector<16xi32>,
    %swap3A_598 = arith.constant 192 : index
    %swap3A_599 = tpu.vector_load %arg6[%swap3A_598] {strides = array<i32>} : memref<512xi32, #tpu.memory_space<vmem>>, vector<16xi32>,
    tpu.vector_store %arg6[%swap3A_598], %gather3A_597 {strides = array<i32>} : memref<512xi32, #tpu.memory_space<vmem>>, vector<16xi32>,
    %get3A_600 = arith.constant 208 : index
    %get3A_601 = tpu.vector_load %arg8[%get3A_600] {strides = array<i32>} : memref<8192xi32, #tpu.memory_space<vmem>>, vector<16xi32>,
    %add3A_602 = arith.constant 208 : i32
    %add3A_603 = vector.broadcast %add3A_602 : i32 to vector<16xi32>
    %add3A_604 = arith.addi %add3A_603, %iota3A : vector<16xi32>
    %gather3A_605 = tpu.vector_load_idx %arg9[%add3A_604, %get3A_601] : memref<512x16xi32, #tpu.memory_space<vmem>>[vector<16xi32>, vector<16xi32>], vector<16xi32>,
    %swap3A_606 = arith.constant 208 : index
    %swap3A_607 = tpu.vector_load %arg6[%swap3A_606] {strides = array<i32>} : memref<512xi32, #tpu.memory_space<vmem>>, vector<16xi32>,
    tpu.vector_store %arg6[%swap3A_606], %gather3A_605 {strides = array<i32>} : memref<512xi32, #tpu.memory_space<vmem>>, vector<16xi32>,
    %get3A_608 = arith.constant 224 : index
    %get3A_609 = tpu.vector_load %arg8[%get3A_608] {strides = array<i32>} : memref<8192xi32, #tpu.memory_space<vmem>>, vector<16xi32>,
    %add3A_610 = arith.constant 224 : i32
    %add3A_611 = vector.broadcast %add3A_610 : i32 to vector<16xi32>
    %add3A_612 = arith.addi %add3A_611, %iota3A : vector<16xi32>
    %gather3A_613 = tpu.vector_load_idx %arg9[%add3A_612, %get3A_609] : memref<512x16xi32, #tpu.memory_space<vmem>>[vector<16xi32>, vector<16xi32>], vector<16xi32>,
    %swap3A_614 = arith.constant 224 : index
    %swap3A_615 = tpu.vector_load %arg6[%swap3A_614] {strides = array<i32>} : memref<512xi32, #tpu.memory_space<vmem>>, vector<16xi32>,
    tpu.vector_store %arg6[%swap3A_614], %gather3A_613 {strides = array<i32>} : memref<512xi32, #tpu.memory_space<vmem>>, vector<16xi32>,
    %get3A_616 = arith.constant 240 : index
    %get3A_617 = tpu.vector_load %arg8[%get3A_616] {strides = array<i32>} : memref<8192xi32, #tpu.memory_space<vmem>>, vector<16xi32>,
    %add3A_618 = arith.constant 240 : i32
    %add3A_619 = vector.broadcast %add3A_618 : i32 to vector<16xi32>
    %add3A_620 = arith.addi %add3A_619, %iota3A : vector<16xi32>
    %gather3A_621 = tpu.vector_load_idx %arg9[%add3A_620, %get3A_617] : memref<512x16xi32, #tpu.memory_space<vmem>>[vector<16xi32>, vector<16xi32>], vector<16xi32>,
    %swap3A_622 = arith.constant 240 : index
    %swap3A_623 = tpu.vector_load %arg6[%swap3A_622] {strides = array<i32>} : memref<512xi32, #tpu.memory_space<vmem>>, vector<16xi32>,
    tpu.vector_store %arg6[%swap3A_622], %gather3A_621 {strides = array<i32>} : memref<512xi32, #tpu.memory_space<vmem>>, vector<16xi32>,
    %get3A_624 = arith.constant 256 : index
    %get3A_625 = tpu.vector_load %arg8[%get3A_624] {strides = array<i32>} : memref<8192xi32, #tpu.memory_space<vmem>>, vector<16xi32>,
    %add3A_626 = arith.constant 256 : i32
    %add3A_627 = vector.broadcast %add3A_626 : i32 to vector<16xi32>
    %add3A_628 = arith.addi %add3A_627, %iota3A : vector<16xi32>
    %gather3A_629 = tpu.vector_load_idx %arg9[%add3A_628, %get3A_625] : memref<512x16xi32, #tpu.memory_space<vmem>>[vector<16xi32>, vector<16xi32>], vector<16xi32>,
    %swap3A_630 = arith.constant 256 : index
    %swap3A_631 = tpu.vector_load %arg6[%swap3A_630] {strides = array<i32>} : memref<512xi32, #tpu.memory_space<vmem>>, vector<16xi32>,
    tpu.vector_store %arg6[%swap3A_630], %gather3A_629 {strides = array<i32>} : memref<512xi32, #tpu.memory_space<vmem>>, vector<16xi32>,
    %get3A_632 = arith.constant 272 : index
    %get3A_633 = tpu.vector_load %arg8[%get3A_632] {strides = array<i32>} : memref<8192xi32, #tpu.memory_space<vmem>>, vector<16xi32>,
    %add3A_634 = arith.constant 272 : i32
    %add3A_635 = vector.broadcast %add3A_634 : i32 to vector<16xi32>
    %add3A_636 = arith.addi %add3A_635, %iota3A : vector<16xi32>
    %gather3A_637 = tpu.vector_load_idx %arg9[%add3A_636, %get3A_633] : memref<512x16xi32, #tpu.memory_space<vmem>>[vector<16xi32>, vector<16xi32>], vector<16xi32>,
    %swap3A_638 = arith.constant 272 : index
    %swap3A_639 = tpu.vector_load %arg6[%swap3A_638] {strides = array<i32>} : memref<512xi32, #tpu.memory_space<vmem>>, vector<16xi32>,
    tpu.vector_store %arg6[%swap3A_638], %gather3A_637 {strides = array<i32>} : memref<512xi32, #tpu.memory_space<vmem>>, vector<16xi32>,
    %get3A_640 = arith.constant 288 : index
    %get3A_641 = tpu.vector_load %arg8[%get3A_640] {strides = array<i32>} : memref<8192xi32, #tpu.memory_space<vmem>>, vector<16xi32>,
    %add3A_642 = arith.constant 288 : i32
    %add3A_643 = vector.broadcast %add3A_642 : i32 to vector<16xi32>
    %add3A_644 = arith.addi %add3A_643, %iota3A : vector<16xi32>
    %gather3A_645 = tpu.vector_load_idx %arg9[%add3A_644, %get3A_641] : memref<512x16xi32, #tpu.memory_space<vmem>>[vector<16xi32>, vector<16xi32>], vector<16xi32>,
    %swap3A_646 = arith.constant 288 : index
    %swap3A_647 = tpu.vector_load %arg6[%swap3A_646] {strides = array<i32>} : memref<512xi32, #tpu.memory_space<vmem>>, vector<16xi32>,
    tpu.vector_store %arg6[%swap3A_646], %gather3A_645 {strides = array<i32>} : memref<512xi32, #tpu.memory_space<vmem>>, vector<16xi32>,
    %get3A_648 = arith.constant 304 : index
    %get3A_649 = tpu.vector_load %arg8[%get3A_648] {strides = array<i32>} : memref<8192xi32, #tpu.memory_space<vmem>>, vector<16xi32>,
    %add3A_650 = arith.constant 304 : i32
    %add3A_651 = vector.broadcast %add3A_650 : i32 to vector<16xi32>
    %add3A_652 = arith.addi %add3A_651, %iota3A : vector<16xi32>
    %gather3A_653 = tpu.vector_load_idx %arg9[%add3A_652, %get3A_649] : memref<512x16xi32, #tpu.memory_space<vmem>>[vector<16xi32>, vector<16xi32>], vector<16xi32>,
    %swap3A_654 = arith.constant 304 : index
    %swap3A_655 = tpu.vector_load %arg6[%swap3A_654] {strides = array<i32>} : memref<512xi32, #tpu.memory_space<vmem>>, vector<16xi32>,
    tpu.vector_store %arg6[%swap3A_654], %gather3A_653 {strides = array<i32>} : memref<512xi32, #tpu.memory_space<vmem>>, vector<16xi32>,
    %get3A_656 = arith.constant 320 : index
    %get3A_657 = tpu.vector_load %arg8[%get3A_656] {strides = array<i32>} : memref<8192xi32, #tpu.memory_space<vmem>>, vector<16xi32>,
    %add3A_658 = arith.constant 320 : i32
    %add3A_659 = vector.broadcast %add3A_658 : i32 to vector<16xi32>
    %add3A_660 = arith.addi %add3A_659, %iota3A : vector<16xi32>
    %gather3A_661 = tpu.vector_load_idx %arg9[%add3A_660, %get3A_657] : memref<512x16xi32, #tpu.memory_space<vmem>>[vector<16xi32>, vector<16xi32>], vector<16xi32>,
    %swap3A_662 = arith.constant 320 : index
    %swap3A_663 = tpu.vector_load %arg6[%swap3A_662] {strides = array<i32>} : memref<512xi32, #tpu.memory_space<vmem>>, vector<16xi32>,
    tpu.vector_store %arg6[%swap3A_662], %gather3A_661 {strides = array<i32>} : memref<512xi32, #tpu.memory_space<vmem>>, vector<16xi32>,
    %get3A_664 = arith.constant 336 : index
    %get3A_665 = tpu.vector_load %arg8[%get3A_664] {strides = array<i32>} : memref<8192xi32, #tpu.memory_space<vmem>>, vector<16xi32>,
    %add3A_666 = arith.constant 336 : i32
    %add3A_667 = vector.broadcast %add3A_666 : i32 to vector<16xi32>
    %add3A_668 = arith.addi %add3A_667, %iota3A : vector<16xi32>
    %gather3A_669 = tpu.vector_load_idx %arg9[%add3A_668, %get3A_665] : memref<512x16xi32, #tpu.memory_space<vmem>>[vector<16xi32>, vector<16xi32>], vector<16xi32>,
    %swap3A_670 = arith.constant 336 : index
    %swap3A_671 = tpu.vector_load %arg6[%swap3A_670] {strides = array<i32>} : memref<512xi32, #tpu.memory_space<vmem>>, vector<16xi32>,
    tpu.vector_store %arg6[%swap3A_670], %gather3A_669 {strides = array<i32>} : memref<512xi32, #tpu.memory_space<vmem>>, vector<16xi32>,
    %get3A_672 = arith.constant 352 : index
    %get3A_673 = tpu.vector_load %arg8[%get3A_672] {strides = array<i32>} : memref<8192xi32, #tpu.memory_space<vmem>>, vector<16xi32>,
    %add3A_674 = arith.constant 352 : i32
    %add3A_675 = vector.broadcast %add3A_674 : i32 to vector<16xi32>
    %add3A_676 = arith.addi %add3A_675, %iota3A : vector<16xi32>
    %gather3A_677 = tpu.vector_load_idx %arg9[%add3A_676, %get3A_673] : memref<512x16xi32, #tpu.memory_space<vmem>>[vector<16xi32>, vector<16xi32>], vector<16xi32>,
    %swap3A_678 = arith.constant 352 : index
    %swap3A_679 = tpu.vector_load %arg6[%swap3A_678] {strides = array<i32>} : memref<512xi32, #tpu.memory_space<vmem>>, vector<16xi32>,
    tpu.vector_store %arg6[%swap3A_678], %gather3A_677 {strides = array<i32>} : memref<512xi32, #tpu.memory_space<vmem>>, vector<16xi32>,
    %get3A_680 = arith.constant 368 : index
    %get3A_681 = tpu.vector_load %arg8[%get3A_680] {strides = array<i32>} : memref<8192xi32, #tpu.memory_space<vmem>>, vector<16xi32>,
    %add3A_682 = arith.constant 368 : i32
    %add3A_683 = vector.broadcast %add3A_682 : i32 to vector<16xi32>
    %add3A_684 = arith.addi %add3A_683, %iota3A : vector<16xi32>
    %gather3A_685 = tpu.vector_load_idx %arg9[%add3A_684, %get3A_681] : memref<512x16xi32, #tpu.memory_space<vmem>>[vector<16xi32>, vector<16xi32>], vector<16xi32>,
    %swap3A_686 = arith.constant 368 : index
    %swap3A_687 = tpu.vector_load %arg6[%swap3A_686] {strides = array<i32>} : memref<512xi32, #tpu.memory_space<vmem>>, vector<16xi32>,
    tpu.vector_store %arg6[%swap3A_686], %gather3A_685 {strides = array<i32>} : memref<512xi32, #tpu.memory_space<vmem>>, vector<16xi32>,
    %get3A_688 = arith.constant 384 : index
    %get3A_689 = tpu.vector_load %arg8[%get3A_688] {strides = array<i32>} : memref<8192xi32, #tpu.memory_space<vmem>>, vector<16xi32>,
    %add3A_690 = arith.constant 384 : i32
    %add3A_691 = vector.broadcast %add3A_690 : i32 to vector<16xi32>
    %add3A_692 = arith.addi %add3A_691, %iota3A : vector<16xi32>
    %gather3A_693 = tpu.vector_load_idx %arg9[%add3A_692, %get3A_689] : memref<512x16xi32, #tpu.memory_space<vmem>>[vector<16xi32>, vector<16xi32>], vector<16xi32>,
    %swap3A_694 = arith.constant 384 : index
    %swap3A_695 = tpu.vector_load %arg6[%swap3A_694] {strides = array<i32>} : memref<512xi32, #tpu.memory_space<vmem>>, vector<16xi32>,
    tpu.vector_store %arg6[%swap3A_694], %gather3A_693 {strides = array<i32>} : memref<512xi32, #tpu.memory_space<vmem>>, vector<16xi32>,
    %get3A_696 = arith.constant 400 : index
    %get3A_697 = tpu.vector_load %arg8[%get3A_696] {strides = array<i32>} : memref<8192xi32, #tpu.memory_space<vmem>>, vector<16xi32>,
    %add3A_698 = arith.constant 400 : i32
    %add3A_699 = vector.broadcast %add3A_698 : i32 to vector<16xi32>
    %add3A_700 = arith.addi %add3A_699, %iota3A : vector<16xi32>
    %gather3A_701 = tpu.vector_load_idx %arg9[%add3A_700, %get3A_697] : memref<512x16xi32, #tpu.memory_space<vmem>>[vector<16xi32>, vector<16xi32>], vector<16xi32>,
    %swap3A_702 = arith.constant 400 : index
    %swap3A_703 = tpu.vector_load %arg6[%swap3A_702] {strides = array<i32>} : memref<512xi32, #tpu.memory_space<vmem>>, vector<16xi32>,
    tpu.vector_store %arg6[%swap3A_702], %gather3A_701 {strides = array<i32>} : memref<512xi32, #tpu.memory_space<vmem>>, vector<16xi32>,
    %get3A_704 = arith.constant 416 : index
    %get3A_705 = tpu.vector_load %arg8[%get3A_704] {strides = array<i32>} : memref<8192xi32, #tpu.memory_space<vmem>>, vector<16xi32>,
    %add3A_706 = arith.constant 416 : i32
    %add3A_707 = vector.broadcast %add3A_706 : i32 to vector<16xi32>
    %add3A_708 = arith.addi %add3A_707, %iota3A : vector<16xi32>
    %gather3A_709 = tpu.vector_load_idx %arg9[%add3A_708, %get3A_705] : memref<512x16xi32, #tpu.memory_space<vmem>>[vector<16xi32>, vector<16xi32>], vector<16xi32>,
    %swap3A_710 = arith.constant 416 : index
    %swap3A_711 = tpu.vector_load %arg6[%swap3A_710] {strides = array<i32>} : memref<512xi32, #tpu.memory_space<vmem>>, vector<16xi32>,
    tpu.vector_store %arg6[%swap3A_710], %gather3A_709 {strides = array<i32>} : memref<512xi32, #tpu.memory_space<vmem>>, vector<16xi32>,
    %get3A_712 = arith.constant 432 : index
    %get3A_713 = tpu.vector_load %arg8[%get3A_712] {strides = array<i32>} : memref<8192xi32, #tpu.memory_space<vmem>>, vector<16xi32>,
    %add3A_714 = arith.constant 432 : i32
    %add3A_715 = vector.broadcast %add3A_714 : i32 to vector<16xi32>
    %add3A_716 = arith.addi %add3A_715, %iota3A : vector<16xi32>
    %gather3A_717 = tpu.vector_load_idx %arg9[%add3A_716, %get3A_713] : memref<512x16xi32, #tpu.memory_space<vmem>>[vector<16xi32>, vector<16xi32>], vector<16xi32>,
    %swap3A_718 = arith.constant 432 : index
    %swap3A_719 = tpu.vector_load %arg6[%swap3A_718] {strides = array<i32>} : memref<512xi32, #tpu.memory_space<vmem>>, vector<16xi32>,
    tpu.vector_store %arg6[%swap3A_718], %gather3A_717 {strides = array<i32>} : memref<512xi32, #tpu.memory_space<vmem>>, vector<16xi32>,
    %get3A_720 = arith.constant 448 : index
    %get3A_721 = tpu.vector_load %arg8[%get3A_720] {strides = array<i32>} : memref<8192xi32, #tpu.memory_space<vmem>>, vector<16xi32>,
    %add3A_722 = arith.constant 448 : i32
    %add3A_723 = vector.broadcast %add3A_722 : i32 to vector<16xi32>
    %add3A_724 = arith.addi %add3A_723, %iota3A : vector<16xi32>
    %gather3A_725 = tpu.vector_load_idx %arg9[%add3A_724, %get3A_721] : memref<512x16xi32, #tpu.memory_space<vmem>>[vector<16xi32>, vector<16xi32>], vector<16xi32>,
    %swap3A_726 = arith.constant 448 : index
    %swap3A_727 = tpu.vector_load %arg6[%swap3A_726] {strides = array<i32>} : memref<512xi32, #tpu.memory_space<vmem>>, vector<16xi32>,
    tpu.vector_store %arg6[%swap3A_726], %gather3A_725 {strides = array<i32>} : memref<512xi32, #tpu.memory_space<vmem>>, vector<16xi32>,
    %get3A_728 = arith.constant 464 : index
    %get3A_729 = tpu.vector_load %arg8[%get3A_728] {strides = array<i32>} : memref<8192xi32, #tpu.memory_space<vmem>>, vector<16xi32>,
    %add3A_730 = arith.constant 464 : i32
    %add3A_731 = vector.broadcast %add3A_730 : i32 to vector<16xi32>
    %add3A_732 = arith.addi %add3A_731, %iota3A : vector<16xi32>
    %gather3A_733 = tpu.vector_load_idx %arg9[%add3A_732, %get3A_729] : memref<512x16xi32, #tpu.memory_space<vmem>>[vector<16xi32>, vector<16xi32>], vector<16xi32>,
    %swap3A_734 = arith.constant 464 : index
    %swap3A_735 = tpu.vector_load %arg6[%swap3A_734] {strides = array<i32>} : memref<512xi32, #tpu.memory_space<vmem>>, vector<16xi32>,
    tpu.vector_store %arg6[%swap3A_734], %gather3A_733 {strides = array<i32>} : memref<512xi32, #tpu.memory_space<vmem>>, vector<16xi32>,
    %get3A_736 = arith.constant 480 : index
    %get3A_737 = tpu.vector_load %arg8[%get3A_736] {strides = array<i32>} : memref<8192xi32, #tpu.memory_space<vmem>>, vector<16xi32>,
    %add3A_738 = arith.constant 480 : i32
    %add3A_739 = vector.broadcast %add3A_738 : i32 to vector<16xi32>
    %add3A_740 = arith.addi %add3A_739, %iota3A : vector<16xi32>
    %gather3A_741 = tpu.vector_load_idx %arg9[%add3A_740, %get3A_737] : memref<512x16xi32, #tpu.memory_space<vmem>>[vector<16xi32>, vector<16xi32>], vector<16xi32>,
    %swap3A_742 = arith.constant 480 : index
    %swap3A_743 = tpu.vector_load %arg6[%swap3A_742] {strides = array<i32>} : memref<512xi32, #tpu.memory_space<vmem>>, vector<16xi32>,
    tpu.vector_store %arg6[%swap3A_742], %gather3A_741 {strides = array<i32>} : memref<512xi32, #tpu.memory_space<vmem>>, vector<16xi32>,
    %get3A_744 = arith.constant 496 : index
    %get3A_745 = tpu.vector_load %arg8[%get3A_744] {strides = array<i32>} : memref<8192xi32, #tpu.memory_space<vmem>>, vector<16xi32>,
    %add3A_746 = arith.constant 496 : i32
    %add3A_747 = vector.broadcast %add3A_746 : i32 to vector<16xi32>
    %add3A_748 = arith.addi %add3A_747, %iota3A : vector<16xi32>
    %gather3A_749 = tpu.vector_load_idx %arg9[%add3A_748, %get3A_745] : memref<512x16xi32, #tpu.memory_space<vmem>>[vector<16xi32>, vector<16xi32>], vector<16xi32>,
    %swap3A_750 = arith.constant 496 : index
    %swap3A_751 = tpu.vector_load %arg6[%swap3A_750] {strides = array<i32>} : memref<512xi32, #tpu.memory_space<vmem>>, vector<16xi32>,
    tpu.vector_store %arg6[%swap3A_750], %gather3A_749 {strides = array<i32>} : memref<512xi32, #tpu.memory_space<vmem>>, vector<16xi32>,
    %scan3A = arith.constant 0 : i32
    %scan3A_752 = arith.constant 0 : i32
    %scan3A_753 = arith.constant 32 : i32
    %scan3A_754 = arith.addi %scan3A_752, %scan3A_753 : i32
    %scan3A_755 = arith.constant 1 : i32
    scf.for %scan3A_818 = %scan3A_752 to %scan3A_754 step %scan3A_755  : i32 {
      %mul3A_819 = arith.constant 16 : i32
      %mul3A_820 = arith.muli %scan3A_818, %mul3A_819 : i32
      %get3A_821 = arith.index_cast %mul3A_820 : i32 to index
      %get3A_822 = tpu.vector_load %arg6[%get3A_821] {strides = array<i32>} : memref<512xi32, #tpu.memory_space<vmem>>, vector<16xi32>,
      %add3A_823 = arith.constant 0 : i32
      %add3A_824 = vector.broadcast %add3A_823 : i32 to vector<16xi32>
      %add3A_825 = arith.addi %get3A_822, %add3A_824 : vector<16xi32>
      %mul3A_826 = arith.constant 256 : i32
      %mul3A_827 = arith.muli %scan3A_818, %mul3A_826 : i32
      %add3A_828 = arith.constant 0 : i32
      %add3A_829 = arith.addi %mul3A_827, %add3A_828 : i32
      %shift_right_arithmetic3A_830 = arith.constant 4 : i32
      %shift_right_arithmetic3A_831 = vector.broadcast %shift_right_arithmetic3A_830 : i32 to vector<16xi32>
      %shift_right_arithmetic3A_832 = arith.shrsi %add3A_825, %shift_right_arithmetic3A_831 : vector<16xi32>
      %swap3A_833 = arith.index_cast %add3A_829 : i32 to index
      %swap3A_834 = tpu.vector_load %arg7[%swap3A_833] {strides = array<i32>} : memref<8192xi32, #tpu.memory_space<vmem>>, vector<16xi32>,
      tpu.vector_store %arg7[%swap3A_833], %shift_right_arithmetic3A_832 {strides = array<i32>} : memref<8192xi32, #tpu.memory_space<vmem>>, vector<16xi32>,
      %and3A_835 = arith.constant 15 : i32
      %and3A_836 = vector.broadcast %and3A_835 : i32 to vector<16xi32>
      %and3A_837 = arith.andi %add3A_825, %and3A_836 : vector<16xi32>
      %swap3A_838 = arith.index_cast %add3A_829 : i32 to index
      %swap3A_839 = tpu.vector_load %arg8[%swap3A_838] {strides = array<i32>} : memref<8192xi32, #tpu.memory_space<vmem>>, vector<16xi32>,
      tpu.vector_store %arg8[%swap3A_838], %and3A_837 {strides = array<i32>} : memref<8192xi32, #tpu.memory_space<vmem>>, vector<16xi32>,
      %add3A_840 = arith.constant 100000 : i32
      %add3A_841 = vector.broadcast %add3A_840 : i32 to vector<16xi32>
      %add3A_842 = arith.addi %get3A_822, %add3A_841 : vector<16xi32>
      %mul3A_843 = arith.constant 256 : i32
      %mul3A_844 = arith.muli %scan3A_818, %mul3A_843 : i32
      %add3A_845 = arith.constant 16 : i32
      %add3A_846 = arith.addi %mul3A_844, %add3A_845 : i32
      %shift_right_arithmetic3A_847 = arith.constant 4 : i32
      %shift_right_arithmetic3A_848 = vector.broadcast %shift_right_arithmetic3A_847 : i32 to vector<16xi32>
      %shift_right_arithmetic3A_849 = arith.shrsi %add3A_842, %shift_right_arithmetic3A_848 : vector<16xi32>
      %swap3A_850 = arith.index_cast %add3A_846 : i32 to index
      %swap3A_851 = tpu.vector_load %arg7[%swap3A_850] {strides = array<i32>} : memref<8192xi32, #tpu.memory_space<vmem>>, vector<16xi32>,
      tpu.vector_store %arg7[%swap3A_850], %shift_right_arithmetic3A_849 {strides = array<i32>} : memref<8192xi32, #tpu.memory_space<vmem>>, vector<16xi32>,
      %and3A_852 = arith.constant 15 : i32
      %and3A_853 = vector.broadcast %and3A_852 : i32 to vector<16xi32>
      %and3A_854 = arith.andi %add3A_842, %and3A_853 : vector<16xi32>
      %swap3A_855 = arith.index_cast %add3A_846 : i32 to index
      %swap3A_856 = tpu.vector_load %arg8[%swap3A_855] {strides = array<i32>} : memref<8192xi32, #tpu.memory_space<vmem>>, vector<16xi32>,
      tpu.vector_store %arg8[%swap3A_855], %and3A_854 {strides = array<i32>} : memref<8192xi32, #tpu.memory_space<vmem>>, vector<16xi32>,
      %add3A_857 = arith.constant 200000 : i32
      %add3A_858 = vector.broadcast %add3A_857 : i32 to vector<16xi32>
      %add3A_859 = arith.addi %get3A_822, %add3A_858 : vector<16xi32>
      %mul3A_860 = arith.constant 256 : i32
      %mul3A_861 = arith.muli %scan3A_818, %mul3A_860 : i32
      %add3A_862 = arith.constant 32 : i32
      %add3A_863 = arith.addi %mul3A_861, %add3A_862 : i32
      %shift_right_arithmetic3A_864 = arith.constant 4 : i32
      %shift_right_arithmetic3A_865 = vector.broadcast %shift_right_arithmetic3A_864 : i32 to vector<16xi32>
      %shift_right_arithmetic3A_866 = arith.shrsi %add3A_859, %shift_right_arithmetic3A_865 : vector<16xi32>
      %swap3A_867 = arith.index_cast %add3A_863 : i32 to index
      %swap3A_868 = tpu.vector_load %arg7[%swap3A_867] {strides = array<i32>} : memref<8192xi32, #tpu.memory_space<vmem>>, vector<16xi32>,
      tpu.vector_store %arg7[%swap3A_867], %shift_right_arithmetic3A_866 {strides = array<i32>} : memref<8192xi32, #tpu.memory_space<vmem>>, vector<16xi32>,
      %and3A_869 = arith.constant 15 : i32
      %and3A_870 = vector.broadcast %and3A_869 : i32 to vector<16xi32>
      %and3A_871 = arith.andi %add3A_859, %and3A_870 : vector<16xi32>
      %swap3A_872 = arith.index_cast %add3A_863 : i32 to index
      %swap3A_873 = tpu.vector_load %arg8[%swap3A_872] {strides = array<i32>} : memref<8192xi32, #tpu.memory_space<vmem>>, vector<16xi32>,
      tpu.vector_store %arg8[%swap3A_872], %and3A_871 {strides = array<i32>} : memref<8192xi32, #tpu.memory_space<vmem>>, vector<16xi32>,
      %add3A_874 = arith.constant 300000 : i32
      %add3A_875 = vector.broadcast %add3A_874 : i32 to vector<16xi32>
      %add3A_876 = arith.addi %get3A_822, %add3A_875 : vector<16xi32>
      %mul3A_877 = arith.constant 256 : i32
      %mul3A_878 = arith.muli %scan3A_818, %mul3A_877 : i32
      %add3A_879 = arith.constant 48 : i32
      %add3A_880 = arith.addi %mul3A_878, %add3A_879 : i32
      %shift_right_arithmetic3A_881 = arith.constant 4 : i32
      %shift_right_arithmetic3A_882 = vector.broadcast %shift_right_arithmetic3A_881 : i32 to vector<16xi32>
      %shift_right_arithmetic3A_883 = arith.shrsi %add3A_876, %shift_right_arithmetic3A_882 : vector<16xi32>
      %swap3A_884 = arith.index_cast %add3A_880 : i32 to index
      %swap3A_885 = tpu.vector_load %arg7[%swap3A_884] {strides = array<i32>} : memref<8192xi32, #tpu.memory_space<vmem>>, vector<16xi32>,
      tpu.vector_store %arg7[%swap3A_884], %shift_right_arithmetic3A_883 {strides = array<i32>} : memref<8192xi32, #tpu.memory_space<vmem>>, vector<16xi32>,
      %and3A_886 = arith.constant 15 : i32
      %and3A_887 = vector.broadcast %and3A_886 : i32 to vector<16xi32>
      %and3A_888 = arith.andi %add3A_876, %and3A_887 : vector<16xi32>
      %swap3A_889 = arith.index_cast %add3A_880 : i32 to index
      %swap3A_890 = tpu.vector_load %arg8[%swap3A_889] {strides = array<i32>} : memref<8192xi32, #tpu.memory_space<vmem>>, vector<16xi32>,
      tpu.vector_store %arg8[%swap3A_889], %and3A_888 {strides = array<i32>} : memref<8192xi32, #tpu.memory_space<vmem>>, vector<16xi32>,
      %add3A_891 = arith.constant 400000 : i32
      %add3A_892 = vector.broadcast %add3A_891 : i32 to vector<16xi32>
      %add3A_893 = arith.addi %get3A_822, %add3A_892 : vector<16xi32>
      %mul3A_894 = arith.constant 256 : i32
      %mul3A_895 = arith.muli %scan3A_818, %mul3A_894 : i32
      %add3A_896 = arith.constant 64 : i32
      %add3A_897 = arith.addi %mul3A_895, %add3A_896 : i32
      %shift_right_arithmetic3A_898 = arith.constant 4 : i32
      %shift_right_arithmetic3A_899 = vector.broadcast %shift_right_arithmetic3A_898 : i32 to vector<16xi32>
      %shift_right_arithmetic3A_900 = arith.shrsi %add3A_893, %shift_right_arithmetic3A_899 : vector<16xi32>
      %swap3A_901 = arith.index_cast %add3A_897 : i32 to index
      %swap3A_902 = tpu.vector_load %arg7[%swap3A_901] {strides = array<i32>} : memref<8192xi32, #tpu.memory_space<vmem>>, vector<16xi32>,
      tpu.vector_store %arg7[%swap3A_901], %shift_right_arithmetic3A_900 {strides = array<i32>} : memref<8192xi32, #tpu.memory_space<vmem>>, vector<16xi32>,
      %and3A_903 = arith.constant 15 : i32
      %and3A_904 = vector.broadcast %and3A_903 : i32 to vector<16xi32>
      %and3A_905 = arith.andi %add3A_893, %and3A_904 : vector<16xi32>
      %swap3A_906 = arith.index_cast %add3A_897 : i32 to index
      %swap3A_907 = tpu.vector_load %arg8[%swap3A_906] {strides = array<i32>} : memref<8192xi32, #tpu.memory_space<vmem>>, vector<16xi32>,
      tpu.vector_store %arg8[%swap3A_906], %and3A_905 {strides = array<i32>} : memref<8192xi32, #tpu.memory_space<vmem>>, vector<16xi32>,
      %add3A_908 = arith.constant 500000 : i32
      %add3A_909 = vector.broadcast %add3A_908 : i32 to vector<16xi32>
      %add3A_910 = arith.addi %get3A_822, %add3A_909 : vector<16xi32>
      %mul3A_911 = arith.constant 256 : i32
      %mul3A_912 = arith.muli %scan3A_818, %mul3A_911 : i32
      %add3A_913 = arith.constant 80 : i32
      %add3A_914 = arith.addi %mul3A_912, %add3A_913 : i32
      %shift_right_arithmetic3A_915 = arith.constant 4 : i32
      %shift_right_arithmetic3A_916 = vector.broadcast %shift_right_arithmetic3A_915 : i32 to vector<16xi32>
      %shift_right_arithmetic3A_917 = arith.shrsi %add3A_910, %shift_right_arithmetic3A_916 : vector<16xi32>
      %swap3A_918 = arith.index_cast %add3A_914 : i32 to index
      %swap3A_919 = tpu.vector_load %arg7[%swap3A_918] {strides = array<i32>} : memref<8192xi32, #tpu.memory_space<vmem>>, vector<16xi32>,
      tpu.vector_store %arg7[%swap3A_918], %shift_right_arithmetic3A_917 {strides = array<i32>} : memref<8192xi32, #tpu.memory_space<vmem>>, vector<16xi32>,
      %and3A_920 = arith.constant 15 : i32
      %and3A_921 = vector.broadcast %and3A_920 : i32 to vector<16xi32>
      %and3A_922 = arith.andi %add3A_910, %and3A_921 : vector<16xi32>
      %swap3A_923 = arith.index_cast %add3A_914 : i32 to index
      %swap3A_924 = tpu.vector_load %arg8[%swap3A_923] {strides = array<i32>} : memref<8192xi32, #tpu.memory_space<vmem>>, vector<16xi32>,
      tpu.vector_store %arg8[%swap3A_923], %and3A_922 {strides = array<i32>} : memref<8192xi32, #tpu.memory_space<vmem>>, vector<16xi32>,
      %add3A_925 = arith.constant 600000 : i32
      %add3A_926 = vector.broadcast %add3A_925 : i32 to vector<16xi32>
      %add3A_927 = arith.addi %get3A_822, %add3A_926 : vector<16xi32>
      %mul3A_928 = arith.constant 256 : i32
      %mul3A_929 = arith.muli %scan3A_818, %mul3A_928 : i32
      %add3A_930 = arith.constant 96 : i32
      %add3A_931 = arith.addi %mul3A_929, %add3A_930 : i32
      %shift_right_arithmetic3A_932 = arith.constant 4 : i32
      %shift_right_arithmetic3A_933 = vector.broadcast %shift_right_arithmetic3A_932 : i32 to vector<16xi32>
      %shift_right_arithmetic3A_934 = arith.shrsi %add3A_927, %shift_right_arithmetic3A_933 : vector<16xi32>
      %swap3A_935 = arith.index_cast %add3A_931 : i32 to index
      %swap3A_936 = tpu.vector_load %arg7[%swap3A_935] {strides = array<i32>} : memref<8192xi32, #tpu.memory_space<vmem>>, vector<16xi32>,
      tpu.vector_store %arg7[%swap3A_935], %shift_right_arithmetic3A_934 {strides = array<i32>} : memref<8192xi32, #tpu.memory_space<vmem>>, vector<16xi32>,
      %and3A_937 = arith.constant 15 : i32
      %and3A_938 = vector.broadcast %and3A_937 : i32 to vector<16xi32>
      %and3A_939 = arith.andi %add3A_927, %and3A_938 : vector<16xi32>
      %swap3A_940 = arith.index_cast %add3A_931 : i32 to index
      %swap3A_941 = tpu.vector_load %arg8[%swap3A_940] {strides = array<i32>} : memref<8192xi32, #tpu.memory_space<vmem>>, vector<16xi32>,
      tpu.vector_store %arg8[%swap3A_940], %and3A_939 {strides = array<i32>} : memref<8192xi32, #tpu.memory_space<vmem>>, vector<16xi32>,
      %add3A_942 = arith.constant 700000 : i32
      %add3A_943 = vector.broadcast %add3A_942 : i32 to vector<16xi32>
      %add3A_944 = arith.addi %get3A_822, %add3A_943 : vector<16xi32>
      %mul3A_945 = arith.constant 256 : i32
      %mul3A_946 = arith.muli %scan3A_818, %mul3A_945 : i32
      %add3A_947 = arith.constant 112 : i32
      %add3A_948 = arith.addi %mul3A_946, %add3A_947 : i32
      %shift_right_arithmetic3A_949 = arith.constant 4 : i32
      %shift_right_arithmetic3A_950 = vector.broadcast %shift_right_arithmetic3A_949 : i32 to vector<16xi32>
      %shift_right_arithmetic3A_951 = arith.shrsi %add3A_944, %shift_right_arithmetic3A_950 : vector<16xi32>
      %swap3A_952 = arith.index_cast %add3A_948 : i32 to index
      %swap3A_953 = tpu.vector_load %arg7[%swap3A_952] {strides = array<i32>} : memref<8192xi32, #tpu.memory_space<vmem>>, vector<16xi32>,
      tpu.vector_store %arg7[%swap3A_952], %shift_right_arithmetic3A_951 {strides = array<i32>} : memref<8192xi32, #tpu.memory_space<vmem>>, vector<16xi32>,
      %and3A_954 = arith.constant 15 : i32
      %and3A_955 = vector.broadcast %and3A_954 : i32 to vector<16xi32>
      %and3A_956 = arith.andi %add3A_944, %and3A_955 : vector<16xi32>
      %swap3A_957 = arith.index_cast %add3A_948 : i32 to index
      %swap3A_958 = tpu.vector_load %arg8[%swap3A_957] {strides = array<i32>} : memref<8192xi32, #tpu.memory_space<vmem>>, vector<16xi32>,
      tpu.vector_store %arg8[%swap3A_957], %and3A_956 {strides = array<i32>} : memref<8192xi32, #tpu.memory_space<vmem>>, vector<16xi32>,
      %add3A_959 = arith.constant 800000 : i32
      %add3A_960 = vector.broadcast %add3A_959 : i32 to vector<16xi32>
      %add3A_961 = arith.addi %get3A_822, %add3A_960 : vector<16xi32>
      %mul3A_962 = arith.constant 256 : i32
      %mul3A_963 = arith.muli %scan3A_818, %mul3A_962 : i32
      %add3A_964 = arith.constant 128 : i32
      %add3A_965 = arith.addi %mul3A_963, %add3A_964 : i32
      %shift_right_arithmetic3A_966 = arith.constant 4 : i32
      %shift_right_arithmetic3A_967 = vector.broadcast %shift_right_arithmetic3A_966 : i32 to vector<16xi32>
      %shift_right_arithmetic3A_968 = arith.shrsi %add3A_961, %shift_right_arithmetic3A_967 : vector<16xi32>
      %swap3A_969 = arith.index_cast %add3A_965 : i32 to index
      %swap3A_970 = tpu.vector_load %arg7[%swap3A_969] {strides = array<i32>} : memref<8192xi32, #tpu.memory_space<vmem>>, vector<16xi32>,
      tpu.vector_store %arg7[%swap3A_969], %shift_right_arithmetic3A_968 {strides = array<i32>} : memref<8192xi32, #tpu.memory_space<vmem>>, vector<16xi32>,
      %and3A_971 = arith.constant 15 : i32
      %and3A_972 = vector.broadcast %and3A_971 : i32 to vector<16xi32>
      %and3A_973 = arith.andi %add3A_961, %and3A_972 : vector<16xi32>
      %swap3A_974 = arith.index_cast %add3A_965 : i32 to index
      %swap3A_975 = tpu.vector_load %arg8[%swap3A_974] {strides = array<i32>} : memref<8192xi32, #tpu.memory_space<vmem>>, vector<16xi32>,
      tpu.vector_store %arg8[%swap3A_974], %and3A_973 {strides = array<i32>} : memref<8192xi32, #tpu.memory_space<vmem>>, vector<16xi32>,
      %add3A_976 = arith.constant 900000 : i32
      %add3A_977 = vector.broadcast %add3A_976 : i32 to vector<16xi32>
      %add3A_978 = arith.addi %get3A_822, %add3A_977 : vector<16xi32>
      %mul3A_979 = arith.constant 256 : i32
      %mul3A_980 = arith.muli %scan3A_818, %mul3A_979 : i32
      %add3A_981 = arith.constant 144 : i32
      %add3A_982 = arith.addi %mul3A_980, %add3A_981 : i32
      %shift_right_arithmetic3A_983 = arith.constant 4 : i32
      %shift_right_arithmetic3A_984 = vector.broadcast %shift_right_arithmetic3A_983 : i32 to vector<16xi32>
      %shift_right_arithmetic3A_985 = arith.shrsi %add3A_978, %shift_right_arithmetic3A_984 : vector<16xi32>
      %swap3A_986 = arith.index_cast %add3A_982 : i32 to index
      %swap3A_987 = tpu.vector_load %arg7[%swap3A_986] {strides = array<i32>} : memref<8192xi32, #tpu.memory_space<vmem>>, vector<16xi32>,
      tpu.vector_store %arg7[%swap3A_986], %shift_right_arithmetic3A_985 {strides = array<i32>} : memref<8192xi32, #tpu.memory_space<vmem>>, vector<16xi32>,
      %and3A_988 = arith.constant 15 : i32
      %and3A_989 = vector.broadcast %and3A_988 : i32 to vector<16xi32>
      %and3A_990 = arith.andi %add3A_978, %and3A_989 : vector<16xi32>
      %swap3A_991 = arith.index_cast %add3A_982 : i32 to index
      %swap3A_992 = tpu.vector_load %arg8[%swap3A_991] {strides = array<i32>} : memref<8192xi32, #tpu.memory_space<vmem>>, vector<16xi32>,
      tpu.vector_store %arg8[%swap3A_991], %and3A_990 {strides = array<i32>} : memref<8192xi32, #tpu.memory_space<vmem>>, vector<16xi32>,
      %add3A_993 = arith.constant 1000000 : i32
      %add3A_994 = vector.broadcast %add3A_993 : i32 to vector<16xi32>
      %add3A_995 = arith.addi %get3A_822, %add3A_994 : vector<16xi32>
      %mul3A_996 = arith.constant 256 : i32
      %mul3A_997 = arith.muli %scan3A_818, %mul3A_996 : i32
      %add3A_998 = arith.constant 160 : i32
      %add3A_999 = arith.addi %mul3A_997, %add3A_998 : i32
      %shift_right_arithmetic3A_1000 = arith.constant 4 : i32
      %shift_right_arithmetic3A_1001 = vector.broadcast %shift_right_arithmetic3A_1000 : i32 to vector<16xi32>
      %shift_right_arithmetic3A_1002 = arith.shrsi %add3A_995, %shift_right_arithmetic3A_1001 : vector<16xi32>
      %swap3A_1003 = arith.index_cast %add3A_999 : i32 to index
      %swap3A_1004 = tpu.vector_load %arg7[%swap3A_1003] {strides = array<i32>} : memref<8192xi32, #tpu.memory_space<vmem>>, vector<16xi32>,
      tpu.vector_store %arg7[%swap3A_1003], %shift_right_arithmetic3A_1002 {strides = array<i32>} : memref<8192xi32, #tpu.memory_space<vmem>>, vector<16xi32>,
      %and3A_1005 = arith.constant 15 : i32
      %and3A_1006 = vector.broadcast %and3A_1005 : i32 to vector<16xi32>
      %and3A_1007 = arith.andi %add3A_995, %and3A_1006 : vector<16xi32>
      %swap3A_1008 = arith.index_cast %add3A_999 : i32 to index
      %swap3A_1009 = tpu.vector_load %arg8[%swap3A_1008] {strides = array<i32>} : memref<8192xi32, #tpu.memory_space<vmem>>, vector<16xi32>,
      tpu.vector_store %arg8[%swap3A_1008], %and3A_1007 {strides = array<i32>} : memref<8192xi32, #tpu.memory_space<vmem>>, vector<16xi32>,
      %add3A_1010 = arith.constant 1100000 : i32
      %add3A_1011 = vector.broadcast %add3A_1010 : i32 to vector<16xi32>
      %add3A_1012 = arith.addi %get3A_822, %add3A_1011 : vector<16xi32>
      %mul3A_1013 = arith.constant 256 : i32
      %mul3A_1014 = arith.muli %scan3A_818, %mul3A_1013 : i32
      %add3A_1015 = arith.constant 176 : i32
      %add3A_1016 = arith.addi %mul3A_1014, %add3A_1015 : i32
      %shift_right_arithmetic3A_1017 = arith.constant 4 : i32
      %shift_right_arithmetic3A_1018 = vector.broadcast %shift_right_arithmetic3A_1017 : i32 to vector<16xi32>
      %shift_right_arithmetic3A_1019 = arith.shrsi %add3A_1012, %shift_right_arithmetic3A_1018 : vector<16xi32>
      %swap3A_1020 = arith.index_cast %add3A_1016 : i32 to index
      %swap3A_1021 = tpu.vector_load %arg7[%swap3A_1020] {strides = array<i32>} : memref<8192xi32, #tpu.memory_space<vmem>>, vector<16xi32>,
      tpu.vector_store %arg7[%swap3A_1020], %shift_right_arithmetic3A_1019 {strides = array<i32>} : memref<8192xi32, #tpu.memory_space<vmem>>, vector<16xi32>,
      %and3A_1022 = arith.constant 15 : i32
      %and3A_1023 = vector.broadcast %and3A_1022 : i32 to vector<16xi32>
      %and3A_1024 = arith.andi %add3A_1012, %and3A_1023 : vector<16xi32>
      %swap3A_1025 = arith.index_cast %add3A_1016 : i32 to index
      %swap3A_1026 = tpu.vector_load %arg8[%swap3A_1025] {strides = array<i32>} : memref<8192xi32, #tpu.memory_space<vmem>>, vector<16xi32>,
      tpu.vector_store %arg8[%swap3A_1025], %and3A_1024 {strides = array<i32>} : memref<8192xi32, #tpu.memory_space<vmem>>, vector<16xi32>,
      %add3A_1027 = arith.constant 1200000 : i32
      %add3A_1028 = vector.broadcast %add3A_1027 : i32 to vector<16xi32>
      %add3A_1029 = arith.addi %get3A_822, %add3A_1028 : vector<16xi32>
      %mul3A_1030 = arith.constant 256 : i32
      %mul3A_1031 = arith.muli %scan3A_818, %mul3A_1030 : i32
      %add3A_1032 = arith.constant 192 : i32
      %add3A_1033 = arith.addi %mul3A_1031, %add3A_1032 : i32
      %shift_right_arithmetic3A_1034 = arith.constant 4 : i32
      %shift_right_arithmetic3A_1035 = vector.broadcast %shift_right_arithmetic3A_1034 : i32 to vector<16xi32>
      %shift_right_arithmetic3A_1036 = arith.shrsi %add3A_1029, %shift_right_arithmetic3A_1035 : vector<16xi32>
      %swap3A_1037 = arith.index_cast %add3A_1033 : i32 to index
      %swap3A_1038 = tpu.vector_load %arg7[%swap3A_1037] {strides = array<i32>} : memref<8192xi32, #tpu.memory_space<vmem>>, vector<16xi32>,
      tpu.vector_store %arg7[%swap3A_1037], %shift_right_arithmetic3A_1036 {strides = array<i32>} : memref<8192xi32, #tpu.memory_space<vmem>>, vector<16xi32>,
      %and3A_1039 = arith.constant 15 : i32
      %and3A_1040 = vector.broadcast %and3A_1039 : i32 to vector<16xi32>
      %and3A_1041 = arith.andi %add3A_1029, %and3A_1040 : vector<16xi32>
      %swap3A_1042 = arith.index_cast %add3A_1033 : i32 to index
      %swap3A_1043 = tpu.vector_load %arg8[%swap3A_1042] {strides = array<i32>} : memref<8192xi32, #tpu.memory_space<vmem>>, vector<16xi32>,
      tpu.vector_store %arg8[%swap3A_1042], %and3A_1041 {strides = array<i32>} : memref<8192xi32, #tpu.memory_space<vmem>>, vector<16xi32>,
      %add3A_1044 = arith.constant 1300000 : i32
      %add3A_1045 = vector.broadcast %add3A_1044 : i32 to vector<16xi32>
      %add3A_1046 = arith.addi %get3A_822, %add3A_1045 : vector<16xi32>
      %mul3A_1047 = arith.constant 256 : i32
      %mul3A_1048 = arith.muli %scan3A_818, %mul3A_1047 : i32
      %add3A_1049 = arith.constant 208 : i32
      %add3A_1050 = arith.addi %mul3A_1048, %add3A_1049 : i32
      %shift_right_arithmetic3A_1051 = arith.constant 4 : i32
      %shift_right_arithmetic3A_1052 = vector.broadcast %shift_right_arithmetic3A_1051 : i32 to vector<16xi32>
      %shift_right_arithmetic3A_1053 = arith.shrsi %add3A_1046, %shift_right_arithmetic3A_1052 : vector<16xi32>
      %swap3A_1054 = arith.index_cast %add3A_1050 : i32 to index
      %swap3A_1055 = tpu.vector_load %arg7[%swap3A_1054] {strides = array<i32>} : memref<8192xi32, #tpu.memory_space<vmem>>, vector<16xi32>,
      tpu.vector_store %arg7[%swap3A_1054], %shift_right_arithmetic3A_1053 {strides = array<i32>} : memref<8192xi32, #tpu.memory_space<vmem>>, vector<16xi32>,
      %and3A_1056 = arith.constant 15 : i32
      %and3A_1057 = vector.broadcast %and3A_1056 : i32 to vector<16xi32>
      %and3A_1058 = arith.andi %add3A_1046, %and3A_1057 : vector<16xi32>
      %swap3A_1059 = arith.index_cast %add3A_1050 : i32 to index
      %swap3A_1060 = tpu.vector_load %arg8[%swap3A_1059] {strides = array<i32>} : memref<8192xi32, #tpu.memory_space<vmem>>, vector<16xi32>,
      tpu.vector_store %arg8[%swap3A_1059], %and3A_1058 {strides = array<i32>} : memref<8192xi32, #tpu.memory_space<vmem>>, vector<16xi32>,
      %add3A_1061 = arith.constant 1400000 : i32
      %add3A_1062 = vector.broadcast %add3A_1061 : i32 to vector<16xi32>
      %add3A_1063 = arith.addi %get3A_822, %add3A_1062 : vector<16xi32>
      %mul3A_1064 = arith.constant 256 : i32
      %mul3A_1065 = arith.muli %scan3A_818, %mul3A_1064 : i32
      %add3A_1066 = arith.constant 224 : i32
      %add3A_1067 = arith.addi %mul3A_1065, %add3A_1066 : i32
      %shift_right_arithmetic3A_1068 = arith.constant 4 : i32
      %shift_right_arithmetic3A_1069 = vector.broadcast %shift_right_arithmetic3A_1068 : i32 to vector<16xi32>
      %shift_right_arithmetic3A_1070 = arith.shrsi %add3A_1063, %shift_right_arithmetic3A_1069 : vector<16xi32>
      %swap3A_1071 = arith.index_cast %add3A_1067 : i32 to index
      %swap3A_1072 = tpu.vector_load %arg7[%swap3A_1071] {strides = array<i32>} : memref<8192xi32, #tpu.memory_space<vmem>>, vector<16xi32>,
      tpu.vector_store %arg7[%swap3A_1071], %shift_right_arithmetic3A_1070 {strides = array<i32>} : memref<8192xi32, #tpu.memory_space<vmem>>, vector<16xi32>,
      %and3A_1073 = arith.constant 15 : i32
      %and3A_1074 = vector.broadcast %and3A_1073 : i32 to vector<16xi32>
      %and3A_1075 = arith.andi %add3A_1063, %and3A_1074 : vector<16xi32>
      %swap3A_1076 = arith.index_cast %add3A_1067 : i32 to index
      %swap3A_1077 = tpu.vector_load %arg8[%swap3A_1076] {strides = array<i32>} : memref<8192xi32, #tpu.memory_space<vmem>>, vector<16xi32>,
      tpu.vector_store %arg8[%swap3A_1076], %and3A_1075 {strides = array<i32>} : memref<8192xi32, #tpu.memory_space<vmem>>, vector<16xi32>,
      %add3A_1078 = arith.constant 1500000 : i32
      %add3A_1079 = vector.broadcast %add3A_1078 : i32 to vector<16xi32>
      %add3A_1080 = arith.addi %get3A_822, %add3A_1079 : vector<16xi32>
      %mul3A_1081 = arith.constant 256 : i32
      %mul3A_1082 = arith.muli %scan3A_818, %mul3A_1081 : i32
      %add3A_1083 = arith.constant 240 : i32
      %add3A_1084 = arith.addi %mul3A_1082, %add3A_1083 : i32
      %shift_right_arithmetic3A_1085 = arith.constant 4 : i32
      %shift_right_arithmetic3A_1086 = vector.broadcast %shift_right_arithmetic3A_1085 : i32 to vector<16xi32>
      %shift_right_arithmetic3A_1087 = arith.shrsi %add3A_1080, %shift_right_arithmetic3A_1086 : vector<16xi32>
      %swap3A_1088 = arith.index_cast %add3A_1084 : i32 to index
      %swap3A_1089 = tpu.vector_load %arg7[%swap3A_1088] {strides = array<i32>} : memref<8192xi32, #tpu.memory_space<vmem>>, vector<16xi32>,
      tpu.vector_store %arg7[%swap3A_1088], %shift_right_arithmetic3A_1087 {strides = array<i32>} : memref<8192xi32, #tpu.memory_space<vmem>>, vector<16xi32>,
      %and3A_1090 = arith.constant 15 : i32
      %and3A_1091 = vector.broadcast %and3A_1090 : i32 to vector<16xi32>
      %and3A_1092 = arith.andi %add3A_1080, %and3A_1091 : vector<16xi32>
      %swap3A_1093 = arith.index_cast %add3A_1084 : i32 to index
      %swap3A_1094 = tpu.vector_load %arg8[%swap3A_1093] {strides = array<i32>} : memref<8192xi32, #tpu.memory_space<vmem>>, vector<16xi32>,
      tpu.vector_store %arg8[%swap3A_1093], %and3A_1092 {strides = array<i32>} : memref<8192xi32, #tpu.memory_space<vmem>>, vector<16xi32>,
    }
    %scan3A_756 = arith.constant 32 : i32
    %rem3A = arith.constant 0 : i32
    %rem3A_757 = arith.constant 4 : i32
    %rem3A_758 = arith.remsi %rem3A, %rem3A_757 : i32
    %mul3A_759 = arith.constant 128 : i32
    %mul3A_760 = arith.muli %rem3A_758, %mul3A_759 : i32
    %dma_start3A_761 = arith.constant 0 : i32
    %dma_start3A_762 = tpu.memref_slice %arg9[%mul3A_760, %dma_start3A_761] : memref<512x16xi32, #tpu.memory_space<vmem>> -> memref<128x16xi32, #tpu.memory_space<vmem>>
    %dma_start3A_763 = arith.constant 0 : i32
    %dma_start3A_764 = tpu.memref_slice %arg7[%dma_start3A_763] : memref<8192xi32, #tpu.memory_space<vmem>> -> memref<128xi32, #tpu.memory_space<vmem>>
    %dma_start3A_765 = arith.constant 0 : i32
    %dma_start3A_766 = arith.constant 0 : i32
    %dma_start3A_767 = tpu.memref_slice %arg2[%dma_start3A_765, %dma_start3A_766] : memref<100000x16xi32, #tpu.memory_space<hbm>> -> memref<100000x16xi32, #tpu.memory_space<hbm>>
    tpu.enqueue_indirect_dma source(%dma_start3A_767 : memref<100000x16xi32, #tpu.memory_space<hbm>>) target(%dma_start3A_762 : memref<128x16xi32, #tpu.memory_space<vmem>>) offsets(%dma_start3A_764 : memref<128xi32, #tpu.memory_space<vmem>>) semaphore(%arg12 : memref<!tpu.dma_semaphore, #tpu.memory_space<semaphore_mem>>)
    %rem3A_768 = arith.constant 1 : i32
    %rem3A_769 = arith.constant 4 : i32
    %rem3A_770 = arith.remsi %rem3A_768, %rem3A_769 : i32
    %mul3A_771 = arith.constant 128 : i32
    %mul3A_772 = arith.muli %rem3A_770, %mul3A_771 : i32
    %dma_start3A_773 = arith.constant 0 : i32
    %dma_start3A_774 = tpu.memref_slice %arg9[%mul3A_772, %dma_start3A_773] : memref<512x16xi32, #tpu.memory_space<vmem>> -> memref<128x16xi32, #tpu.memory_space<vmem>>
    %dma_start3A_775 = arith.constant 128 : i32
    %dma_start3A_776 = tpu.memref_slice %arg7[%dma_start3A_775] : memref<8192xi32, #tpu.memory_space<vmem>> -> memref<128xi32, #tpu.memory_space<vmem>>
    %dma_start3A_777 = arith.constant 0 : i32
    %dma_start3A_778 = arith.constant 0 : i32
    %dma_start3A_779 = tpu.memref_slice %arg2[%dma_start3A_777, %dma_start3A_778] : memref<100000x16xi32, #tpu.memory_space<hbm>> -> memref<100000x16xi32, #tpu.memory_space<hbm>>
    tpu.enqueue_indirect_dma source(%dma_start3A_779 : memref<100000x16xi32, #tpu.memory_space<hbm>>) target(%dma_start3A_774 : memref<128x16xi32, #tpu.memory_space<vmem>>) offsets(%dma_start3A_776 : memref<128xi32, #tpu.memory_space<vmem>>) semaphore(%arg12 : memref<!tpu.dma_semaphore, #tpu.memory_space<semaphore_mem>>)
    %rem3A_780 = arith.constant 2 : i32
    %rem3A_781 = arith.constant 4 : i32
    %rem3A_782 = arith.remsi %rem3A_780, %rem3A_781 : i32
    %mul3A_783 = arith.constant 128 : i32
    %mul3A_784 = arith.muli %rem3A_782, %mul3A_783 : i32
    %dma_start3A_785 = arith.constant 0 : i32
    %dma_start3A_786 = tpu.memref_slice %arg9[%mul3A_784, %dma_start3A_785] : memref<512x16xi32, #tpu.memory_space<vmem>> -> memref<128x16xi32, #tpu.memory_space<vmem>>
    %dma_start3A_787 = arith.constant 256 : i32
    %dma_start3A_788 = tpu.memref_slice %arg7[%dma_start3A_787] : memref<8192xi32, #tpu.memory_space<vmem>> -> memref<128xi32, #tpu.memory_space<vmem>>
    %dma_start3A_789 = arith.constant 0 : i32
    %dma_start3A_790 = arith.constant 0 : i32
    %dma_start3A_791 = tpu.memref_slice %arg2[%dma_start3A_789, %dma_start3A_790] : memref<100000x16xi32, #tpu.memory_space<hbm>> -> memref<100000x16xi32, #tpu.memory_space<hbm>>
    tpu.enqueue_indirect_dma source(%dma_start3A_791 : memref<100000x16xi32, #tpu.memory_space<hbm>>) target(%dma_start3A_786 : memref<128x16xi32, #tpu.memory_space<vmem>>) offsets(%dma_start3A_788 : memref<128xi32, #tpu.memory_space<vmem>>) semaphore(%arg12 : memref<!tpu.dma_semaphore, #tpu.memory_space<semaphore_mem>>)
    %rem3A_792 = arith.constant 3 : i32
    %rem3A_793 = arith.constant 4 : i32
    %rem3A_794 = arith.remsi %rem3A_792, %rem3A_793 : i32
    %mul3A_795 = arith.constant 128 : i32
    %mul3A_796 = arith.muli %rem3A_794, %mul3A_795 : i32
    %dma_start3A_797 = arith.constant 0 : i32
    %dma_start3A_798 = tpu.memref_slice %arg9[%mul3A_796, %dma_start3A_797] : memref<512x16xi32, #tpu.memory_space<vmem>> -> memref<128x16xi32, #tpu.memory_space<vmem>>
    %dma_start3A_799 = arith.constant 384 : i32
    %dma_start3A_800 = tpu.memref_slice %arg7[%dma_start3A_799] : memref<8192xi32, #tpu.memory_space<vmem>> -> memref<128xi32, #tpu.memory_space<vmem>>
    %dma_start3A_801 = arith.constant 0 : i32
    %dma_start3A_802 = arith.constant 0 : i32
    %dma_start3A_803 = tpu.memref_slice %arg2[%dma_start3A_801, %dma_start3A_802] : memref<100000x16xi32, #tpu.memory_space<hbm>> -> memref<100000x16xi32, #tpu.memory_space<hbm>>
    tpu.enqueue_indirect_dma source(%dma_start3A_803 : memref<100000x16xi32, #tpu.memory_space<hbm>>) target(%dma_start3A_798 : memref<128x16xi32, #tpu.memory_space<vmem>>) offsets(%dma_start3A_800 : memref<128xi32, #tpu.memory_space<vmem>>) semaphore(%arg12 : memref<!tpu.dma_semaphore, #tpu.memory_space<semaphore_mem>>)
    %scan3A_804 = arith.constant 0 : i32
    %scan3A_805 = arith.constant 0 : i32
    %scan3A_806 = arith.constant 60 : i32
    %scan3A_807 = arith.addi %scan3A_805, %scan3A_806 : i32
    %scan3A_808 = arith.constant 1 : i32
    scf.for %scan3A_818 = %scan3A_805 to %scan3A_807 step %scan3A_808  : i32 {
      %rem3A_819 = arith.constant 4 : i32
      %rem3A_820 = arith.remsi %scan3A_818, %rem3A_819 : i32
      %mul3A_821 = arith.constant 128 : i32
      %mul3A_822 = arith.muli %rem3A_820, %mul3A_821 : i32
      %dma_wait3A_823 = arith.constant 0 : i32
      %dma_wait3A_824 = tpu.memref_slice %arg9[%mul3A_822, %dma_wait3A_823] : memref<512x16xi32, #tpu.memory_space<vmem>> -> memref<128x16xi32, #tpu.memory_space<vmem>>
      %dma_wait3A_825 = arith.constant 0 : i32
      %dma_wait3A_826 = arith.constant 0 : i32
      %dma_wait3A_827 = tpu.memref_slice %arg2[%dma_wait3A_825, %dma_wait3A_826] : memref<100000x16xi32, #tpu.memory_space<hbm>> -> memref<128x16xi32, #tpu.memory_space<hbm>>
      %dma_wait3A_828 = arith.constant 0 : i32
      %dma_wait3A_829 = tpu.memref_slice %arg9[%mul3A_822, %dma_wait3A_828] : memref<512x16xi32, #tpu.memory_space<vmem>> -> memref<128x16xi32, #tpu.memory_space<vmem>>
      %dma_wait3A_830 = arith.constant 0 : i32
      %dma_wait3A_831 = arith.constant 0 : i32
      %dma_wait3A_832 = tpu.memref_slice %arg2[%dma_wait3A_830, %dma_wait3A_831] : memref<100000x16xi32, #tpu.memory_space<hbm>> -> memref<128x16xi32, #tpu.memory_space<hbm>>
      tpu.wait_dma2 semaphore(%arg12 : memref<!tpu.dma_semaphore, #tpu.memory_space<semaphore_mem>>) src(%dma_wait3A_832 : memref<128x16xi32, #tpu.memory_space<hbm>>) dst(%dma_wait3A_829 : memref<128x16xi32, #tpu.memory_space<vmem>>)
      %rem3A_833 = arith.constant 4 : i32
      %rem3A_834 = arith.remsi %scan3A_818, %rem3A_833 : i32
      %mul3A_835 = arith.constant 128 : i32
      %mul3A_836 = arith.muli %scan3A_818, %mul3A_835 : i32
      %shift_right_arithmetic3A_837 = arith.constant 12 : i32
      %shift_right_arithmetic3A_838 = arith.shrsi %mul3A_836, %shift_right_arithmetic3A_837 : i32
      %add3A_839 = arith.constant 0 : i32
      %add3A_840 = arith.addi %mul3A_836, %add3A_839 : i32
      %shift_right_arithmetic3A_841 = arith.constant 8 : i32
      %shift_right_arithmetic3A_842 = arith.shrsi %add3A_840, %shift_right_arithmetic3A_841 : i32
      %and3A_843 = arith.constant 15 : i32
      %and3A_844 = arith.andi %shift_right_arithmetic3A_842, %and3A_843 : i32
      %shift_right_arithmetic3A_845 = arith.constant 4 : i32
      %shift_right_arithmetic3A_846 = arith.shrsi %add3A_840, %shift_right_arithmetic3A_845 : i32
      %and3A_847 = arith.constant 15 : i32
      %and3A_848 = arith.andi %shift_right_arithmetic3A_846, %and3A_847 : i32
      %get3A_849 = arith.index_cast %add3A_840 : i32 to index
      %get3A_850 = tpu.vector_load %arg8[%get3A_849] {strides = array<i32>} : memref<8192xi32, #tpu.memory_space<vmem>>, vector<16xi32>,
      %mul3A_851 = arith.constant 128 : i32
      %mul3A_852 = arith.muli %rem3A_834, %mul3A_851 : i32
      %add3A_853 = arith.constant 0 : i32
      %add3A_854 = arith.addi %mul3A_852, %add3A_853 : i32
      %add3A_855 = vector.broadcast %add3A_854 : i32 to vector<16xi32>
      %add3A_856 = arith.addi %add3A_855, %iota3A : vector<16xi32>
      %gather3A_857 = tpu.vector_load_idx %arg9[%add3A_856, %get3A_850] : memref<512x16xi32, #tpu.memory_space<vmem>>[vector<16xi32>, vector<16xi32>], vector<16xi32>,
      %mul3A_858 = arith.constant 16 : i32
      %mul3A_859 = arith.muli %shift_right_arithmetic3A_838, %mul3A_858 : i32
      %add3A_860 = vector.broadcast %mul3A_859 : i32 to vector<16xi32>
      %add3A_861 = arith.addi %add3A_860, %iota3A : vector<16xi32>
      %mul3A_862 = arith.constant 256 : i32
      %mul3A_863 = vector.broadcast %mul3A_862 : i32 to vector<16xi32>
      %mul3A_864 = arith.muli %add3A_861, %mul3A_863 : vector<16xi32>
      %mul3A_865 = arith.constant 16 : i32
      %mul3A_866 = arith.muli %and3A_844, %mul3A_865 : i32
      %add3A_867 = arith.addi %mul3A_866, %and3A_848 : i32
      %add3A_868 = vector.broadcast %add3A_867 : i32 to vector<16xi32>
      %add3A_869 = arith.addi %mul3A_864, %add3A_868 : vector<16xi32>
      tpu.vector_store_idx %arg10[%add3A_869], %gather3A_857 : memref<8192xi32, #tpu.memory_space<vmem>>[vector<16xi32>], vector<16xi32>,
      %add3A_870 = arith.constant 16 : i32
      %add3A_871 = arith.addi %mul3A_836, %add3A_870 : i32
      %shift_right_arithmetic3A_872 = arith.constant 8 : i32
      %shift_right_arithmetic3A_873 = arith.shrsi %add3A_871, %shift_right_arithmetic3A_872 : i32
      %and3A_874 = arith.constant 15 : i32
      %and3A_875 = arith.andi %shift_right_arithmetic3A_873, %and3A_874 : i32
      %shift_right_arithmetic3A_876 = arith.constant 4 : i32
      %shift_right_arithmetic3A_877 = arith.shrsi %add3A_871, %shift_right_arithmetic3A_876 : i32
      %and3A_878 = arith.constant 15 : i32
      %and3A_879 = arith.andi %shift_right_arithmetic3A_877, %and3A_878 : i32
      %get3A_880 = arith.index_cast %add3A_871 : i32 to index
      %get3A_881 = tpu.vector_load %arg8[%get3A_880] {strides = array<i32>} : memref<8192xi32, #tpu.memory_space<vmem>>, vector<16xi32>,
      %mul3A_882 = arith.constant 128 : i32
      %mul3A_883 = arith.muli %rem3A_834, %mul3A_882 : i32
      %add3A_884 = arith.constant 16 : i32
      %add3A_885 = arith.addi %mul3A_883, %add3A_884 : i32
      %add3A_886 = vector.broadcast %add3A_885 : i32 to vector<16xi32>
      %add3A_887 = arith.addi %add3A_886, %iota3A : vector<16xi32>
      %gather3A_888 = tpu.vector_load_idx %arg9[%add3A_887, %get3A_881] : memref<512x16xi32, #tpu.memory_space<vmem>>[vector<16xi32>, vector<16xi32>], vector<16xi32>,
      %mul3A_889 = arith.constant 16 : i32
      %mul3A_890 = arith.muli %shift_right_arithmetic3A_838, %mul3A_889 : i32
      %add3A_891 = vector.broadcast %mul3A_890 : i32 to vector<16xi32>
      %add3A_892 = arith.addi %add3A_891, %iota3A : vector<16xi32>
      %mul3A_893 = arith.constant 256 : i32
      %mul3A_894 = vector.broadcast %mul3A_893 : i32 to vector<16xi32>
      %mul3A_895 = arith.muli %add3A_892, %mul3A_894 : vector<16xi32>
      %mul3A_896 = arith.constant 16 : i32
      %mul3A_897 = arith.muli %and3A_875, %mul3A_896 : i32
      %add3A_898 = arith.addi %mul3A_897, %and3A_879 : i32
      %add3A_899 = vector.broadcast %add3A_898 : i32 to vector<16xi32>
      %add3A_900 = arith.addi %mul3A_895, %add3A_899 : vector<16xi32>
      tpu.vector_store_idx %arg10[%add3A_900], %gather3A_888 : memref<8192xi32, #tpu.memory_space<vmem>>[vector<16xi32>], vector<16xi32>,
      %add3A_901 = arith.constant 32 : i32
      %add3A_902 = arith.addi %mul3A_836, %add3A_901 : i32
      %shift_right_arithmetic3A_903 = arith.constant 8 : i32
      %shift_right_arithmetic3A_904 = arith.shrsi %add3A_902, %shift_right_arithmetic3A_903 : i32
      %and3A_905 = arith.constant 15 : i32
      %and3A_906 = arith.andi %shift_right_arithmetic3A_904, %and3A_905 : i32
      %shift_right_arithmetic3A_907 = arith.constant 4 : i32
      %shift_right_arithmetic3A_908 = arith.shrsi %add3A_902, %shift_right_arithmetic3A_907 : i32
      %and3A_909 = arith.constant 15 : i32
      %and3A_910 = arith.andi %shift_right_arithmetic3A_908, %and3A_909 : i32
      %get3A_911 = arith.index_cast %add3A_902 : i32 to index
      %get3A_912 = tpu.vector_load %arg8[%get3A_911] {strides = array<i32>} : memref<8192xi32, #tpu.memory_space<vmem>>, vector<16xi32>,
      %mul3A_913 = arith.constant 128 : i32
      %mul3A_914 = arith.muli %rem3A_834, %mul3A_913 : i32
      %add3A_915 = arith.constant 32 : i32
      %add3A_916 = arith.addi %mul3A_914, %add3A_915 : i32
      %add3A_917 = vector.broadcast %add3A_916 : i32 to vector<16xi32>
      %add3A_918 = arith.addi %add3A_917, %iota3A : vector<16xi32>
      %gather3A_919 = tpu.vector_load_idx %arg9[%add3A_918, %get3A_912] : memref<512x16xi32, #tpu.memory_space<vmem>>[vector<16xi32>, vector<16xi32>], vector<16xi32>,
      %mul3A_920 = arith.constant 16 : i32
      %mul3A_921 = arith.muli %shift_right_arithmetic3A_838, %mul3A_920 : i32
      %add3A_922 = vector.broadcast %mul3A_921 : i32 to vector<16xi32>
      %add3A_923 = arith.addi %add3A_922, %iota3A : vector<16xi32>
      %mul3A_924 = arith.constant 256 : i32
      %mul3A_925 = vector.broadcast %mul3A_924 : i32 to vector<16xi32>
      %mul3A_926 = arith.muli %add3A_923, %mul3A_925 : vector<16xi32>
      %mul3A_927 = arith.constant 16 : i32
      %mul3A_928 = arith.muli %and3A_906, %mul3A_927 : i32
      %add3A_929 = arith.addi %mul3A_928, %and3A_910 : i32
      %add3A_930 = vector.broadcast %add3A_929 : i32 to vector<16xi32>
      %add3A_931 = arith.addi %mul3A_926, %add3A_930 : vector<16xi32>
      tpu.vector_store_idx %arg10[%add3A_931], %gather3A_919 : memref<8192xi32, #tpu.memory_space<vmem>>[vector<16xi32>], vector<16xi32>,
      %add3A_932 = arith.constant 48 : i32
      %add3A_933 = arith.addi %mul3A_836, %add3A_932 : i32
      %shift_right_arithmetic3A_934 = arith.constant 8 : i32
      %shift_right_arithmetic3A_935 = arith.shrsi %add3A_933, %shift_right_arithmetic3A_934 : i32
      %and3A_936 = arith.constant 15 : i32
      %and3A_937 = arith.andi %shift_right_arithmetic3A_935, %and3A_936 : i32
      %shift_right_arithmetic3A_938 = arith.constant 4 : i32
      %shift_right_arithmetic3A_939 = arith.shrsi %add3A_933, %shift_right_arithmetic3A_938 : i32
      %and3A_940 = arith.constant 15 : i32
      %and3A_941 = arith.andi %shift_right_arithmetic3A_939, %and3A_940 : i32
      %get3A_942 = arith.index_cast %add3A_933 : i32 to index
      %get3A_943 = tpu.vector_load %arg8[%get3A_942] {strides = array<i32>} : memref<8192xi32, #tpu.memory_space<vmem>>, vector<16xi32>,
      %mul3A_944 = arith.constant 128 : i32
      %mul3A_945 = arith.muli %rem3A_834, %mul3A_944 : i32
      %add3A_946 = arith.constant 48 : i32
      %add3A_947 = arith.addi %mul3A_945, %add3A_946 : i32
      %add3A_948 = vector.broadcast %add3A_947 : i32 to vector<16xi32>
      %add3A_949 = arith.addi %add3A_948, %iota3A : vector<16xi32>
      %gather3A_950 = tpu.vector_load_idx %arg9[%add3A_949, %get3A_943] : memref<512x16xi32, #tpu.memory_space<vmem>>[vector<16xi32>, vector<16xi32>], vector<16xi32>,
      %mul3A_951 = arith.constant 16 : i32
      %mul3A_952 = arith.muli %shift_right_arithmetic3A_838, %mul3A_951 : i32
      %add3A_953 = vector.broadcast %mul3A_952 : i32 to vector<16xi32>
      %add3A_954 = arith.addi %add3A_953, %iota3A : vector<16xi32>
      %mul3A_955 = arith.constant 256 : i32
      %mul3A_956 = vector.broadcast %mul3A_955 : i32 to vector<16xi32>
      %mul3A_957 = arith.muli %add3A_954, %mul3A_956 : vector<16xi32>
      %mul3A_958 = arith.constant 16 : i32
      %mul3A_959 = arith.muli %and3A_937, %mul3A_958 : i32
      %add3A_960 = arith.addi %mul3A_959, %and3A_941 : i32
      %add3A_961 = vector.broadcast %add3A_960 : i32 to vector<16xi32>
      %add3A_962 = arith.addi %mul3A_957, %add3A_961 : vector<16xi32>
      tpu.vector_store_idx %arg10[%add3A_962], %gather3A_950 : memref<8192xi32, #tpu.memory_space<vmem>>[vector<16xi32>], vector<16xi32>,
      %add3A_963 = arith.constant 64 : i32
      %add3A_964 = arith.addi %mul3A_836, %add3A_963 : i32
      %shift_right_arithmetic3A_965 = arith.constant 8 : i32
      %shift_right_arithmetic3A_966 = arith.shrsi %add3A_964, %shift_right_arithmetic3A_965 : i32
      %and3A_967 = arith.constant 15 : i32
      %and3A_968 = arith.andi %shift_right_arithmetic3A_966, %and3A_967 : i32
      %shift_right_arithmetic3A_969 = arith.constant 4 : i32
      %shift_right_arithmetic3A_970 = arith.shrsi %add3A_964, %shift_right_arithmetic3A_969 : i32
      %and3A_971 = arith.constant 15 : i32
      %and3A_972 = arith.andi %shift_right_arithmetic3A_970, %and3A_971 : i32
      %get3A_973 = arith.index_cast %add3A_964 : i32 to index
      %get3A_974 = tpu.vector_load %arg8[%get3A_973] {strides = array<i32>} : memref<8192xi32, #tpu.memory_space<vmem>>, vector<16xi32>,
      %mul3A_975 = arith.constant 128 : i32
      %mul3A_976 = arith.muli %rem3A_834, %mul3A_975 : i32
      %add3A_977 = arith.constant 64 : i32
      %add3A_978 = arith.addi %mul3A_976, %add3A_977 : i32
      %add3A_979 = vector.broadcast %add3A_978 : i32 to vector<16xi32>
      %add3A_980 = arith.addi %add3A_979, %iota3A : vector<16xi32>
      %gather3A_981 = tpu.vector_load_idx %arg9[%add3A_980, %get3A_974] : memref<512x16xi32, #tpu.memory_space<vmem>>[vector<16xi32>, vector<16xi32>], vector<16xi32>,
      %mul3A_982 = arith.constant 16 : i32
      %mul3A_983 = arith.muli %shift_right_arithmetic3A_838, %mul3A_982 : i32
      %add3A_984 = vector.broadcast %mul3A_983 : i32 to vector<16xi32>
      %add3A_985 = arith.addi %add3A_984, %iota3A : vector<16xi32>
      %mul3A_986 = arith.constant 256 : i32
      %mul3A_987 = vector.broadcast %mul3A_986 : i32 to vector<16xi32>
      %mul3A_988 = arith.muli %add3A_985, %mul3A_987 : vector<16xi32>
      %mul3A_989 = arith.constant 16 : i32
      %mul3A_990 = arith.muli %and3A_968, %mul3A_989 : i32
      %add3A_991 = arith.addi %mul3A_990, %and3A_972 : i32
      %add3A_992 = vector.broadcast %add3A_991 : i32 to vector<16xi32>
      %add3A_993 = arith.addi %mul3A_988, %add3A_992 : vector<16xi32>
      tpu.vector_store_idx %arg10[%add3A_993], %gather3A_981 : memref<8192xi32, #tpu.memory_space<vmem>>[vector<16xi32>], vector<16xi32>,
      %add3A_994 = arith.constant 80 : i32
      %add3A_995 = arith.addi %mul3A_836, %add3A_994 : i32
      %shift_right_arithmetic3A_996 = arith.constant 8 : i32
      %shift_right_arithmetic3A_997 = arith.shrsi %add3A_995, %shift_right_arithmetic3A_996 : i32
      %and3A_998 = arith.constant 15 : i32
      %and3A_999 = arith.andi %shift_right_arithmetic3A_997, %and3A_998 : i32
      %shift_right_arithmetic3A_1000 = arith.constant 4 : i32
      %shift_right_arithmetic3A_1001 = arith.shrsi %add3A_995, %shift_right_arithmetic3A_1000 : i32
      %and3A_1002 = arith.constant 15 : i32
      %and3A_1003 = arith.andi %shift_right_arithmetic3A_1001, %and3A_1002 : i32
      %get3A_1004 = arith.index_cast %add3A_995 : i32 to index
      %get3A_1005 = tpu.vector_load %arg8[%get3A_1004] {strides = array<i32>} : memref<8192xi32, #tpu.memory_space<vmem>>, vector<16xi32>,
      %mul3A_1006 = arith.constant 128 : i32
      %mul3A_1007 = arith.muli %rem3A_834, %mul3A_1006 : i32
      %add3A_1008 = arith.constant 80 : i32
      %add3A_1009 = arith.addi %mul3A_1007, %add3A_1008 : i32
      %add3A_1010 = vector.broadcast %add3A_1009 : i32 to vector<16xi32>
      %add3A_1011 = arith.addi %add3A_1010, %iota3A : vector<16xi32>
      %gather3A_1012 = tpu.vector_load_idx %arg9[%add3A_1011, %get3A_1005] : memref<512x16xi32, #tpu.memory_space<vmem>>[vector<16xi32>, vector<16xi32>], vector<16xi32>,
      %mul3A_1013 = arith.constant 16 : i32
      %mul3A_1014 = arith.muli %shift_right_arithmetic3A_838, %mul3A_1013 : i32
      %add3A_1015 = vector.broadcast %mul3A_1014 : i32 to vector<16xi32>
      %add3A_1016 = arith.addi %add3A_1015, %iota3A : vector<16xi32>
      %mul3A_1017 = arith.constant 256 : i32
      %mul3A_1018 = vector.broadcast %mul3A_1017 : i32 to vector<16xi32>
      %mul3A_1019 = arith.muli %add3A_1016, %mul3A_1018 : vector<16xi32>
      %mul3A_1020 = arith.constant 16 : i32
      %mul3A_1021 = arith.muli %and3A_999, %mul3A_1020 : i32
      %add3A_1022 = arith.addi %mul3A_1021, %and3A_1003 : i32
      %add3A_1023 = vector.broadcast %add3A_1022 : i32 to vector<16xi32>
      %add3A_1024 = arith.addi %mul3A_1019, %add3A_1023 : vector<16xi32>
      tpu.vector_store_idx %arg10[%add3A_1024], %gather3A_1012 : memref<8192xi32, #tpu.memory_space<vmem>>[vector<16xi32>], vector<16xi32>,
      %add3A_1025 = arith.constant 96 : i32
      %add3A_1026 = arith.addi %mul3A_836, %add3A_1025 : i32
      %shift_right_arithmetic3A_1027 = arith.constant 8 : i32
      %shift_right_arithmetic3A_1028 = arith.shrsi %add3A_1026, %shift_right_arithmetic3A_1027 : i32
      %and3A_1029 = arith.constant 15 : i32
      %and3A_1030 = arith.andi %shift_right_arithmetic3A_1028, %and3A_1029 : i32
      %shift_right_arithmetic3A_1031 = arith.constant 4 : i32
      %shift_right_arithmetic3A_1032 = arith.shrsi %add3A_1026, %shift_right_arithmetic3A_1031 : i32
      %and3A_1033 = arith.constant 15 : i32
      %and3A_1034 = arith.andi %shift_right_arithmetic3A_1032, %and3A_1033 : i32
      %get3A_1035 = arith.index_cast %add3A_1026 : i32 to index
      %get3A_1036 = tpu.vector_load %arg8[%get3A_1035] {strides = array<i32>} : memref<8192xi32, #tpu.memory_space<vmem>>, vector<16xi32>,
      %mul3A_1037 = arith.constant 128 : i32
      %mul3A_1038 = arith.muli %rem3A_834, %mul3A_1037 : i32
      %add3A_1039 = arith.constant 96 : i32
      %add3A_1040 = arith.addi %mul3A_1038, %add3A_1039 : i32
      %add3A_1041 = vector.broadcast %add3A_1040 : i32 to vector<16xi32>
      %add3A_1042 = arith.addi %add3A_1041, %iota3A : vector<16xi32>
      %gather3A_1043 = tpu.vector_load_idx %arg9[%add3A_1042, %get3A_1036] : memref<512x16xi32, #tpu.memory_space<vmem>>[vector<16xi32>, vector<16xi32>], vector<16xi32>,
      %mul3A_1044 = arith.constant 16 : i32
      %mul3A_1045 = arith.muli %shift_right_arithmetic3A_838, %mul3A_1044 : i32
      %add3A_1046 = vector.broadcast %mul3A_1045 : i32 to vector<16xi32>
      %add3A_1047 = arith.addi %add3A_1046, %iota3A : vector<16xi32>
      %mul3A_1048 = arith.constant 256 : i32
      %mul3A_1049 = vector.broadcast %mul3A_1048 : i32 to vector<16xi32>
      %mul3A_1050 = arith.muli %add3A_1047, %mul3A_1049 : vector<16xi32>
      %mul3A_1051 = arith.constant 16 : i32
      %mul3A_1052 = arith.muli %and3A_1030, %mul3A_1051 : i32
      %add3A_1053 = arith.addi %mul3A_1052, %and3A_1034 : i32
      %add3A_1054 = vector.broadcast %add3A_1053 : i32 to vector<16xi32>
      %add3A_1055 = arith.addi %mul3A_1050, %add3A_1054 : vector<16xi32>
      tpu.vector_store_idx %arg10[%add3A_1055], %gather3A_1043 : memref<8192xi32, #tpu.memory_space<vmem>>[vector<16xi32>], vector<16xi32>,
      %add3A_1056 = arith.constant 112 : i32
      %add3A_1057 = arith.addi %mul3A_836, %add3A_1056 : i32
      %shift_right_arithmetic3A_1058 = arith.constant 8 : i32
      %shift_right_arithmetic3A_1059 = arith.shrsi %add3A_1057, %shift_right_arithmetic3A_1058 : i32
      %and3A_1060 = arith.constant 15 : i32
      %and3A_1061 = arith.andi %shift_right_arithmetic3A_1059, %and3A_1060 : i32
      %shift_right_arithmetic3A_1062 = arith.constant 4 : i32
      %shift_right_arithmetic3A_1063 = arith.shrsi %add3A_1057, %shift_right_arithmetic3A_1062 : i32
      %and3A_1064 = arith.constant 15 : i32
      %and3A_1065 = arith.andi %shift_right_arithmetic3A_1063, %and3A_1064 : i32
      %get3A_1066 = arith.index_cast %add3A_1057 : i32 to index
      %get3A_1067 = tpu.vector_load %arg8[%get3A_1066] {strides = array<i32>} : memref<8192xi32, #tpu.memory_space<vmem>>, vector<16xi32>,
      %mul3A_1068 = arith.constant 128 : i32
      %mul3A_1069 = arith.muli %rem3A_834, %mul3A_1068 : i32
      %add3A_1070 = arith.constant 112 : i32
      %add3A_1071 = arith.addi %mul3A_1069, %add3A_1070 : i32
      %add3A_1072 = vector.broadcast %add3A_1071 : i32 to vector<16xi32>
      %add3A_1073 = arith.addi %add3A_1072, %iota3A : vector<16xi32>
      %gather3A_1074 = tpu.vector_load_idx %arg9[%add3A_1073, %get3A_1067] : memref<512x16xi32, #tpu.memory_space<vmem>>[vector<16xi32>, vector<16xi32>], vector<16xi32>,
      %mul3A_1075 = arith.constant 16 : i32
      %mul3A_1076 = arith.muli %shift_right_arithmetic3A_838, %mul3A_1075 : i32
      %add3A_1077 = vector.broadcast %mul3A_1076 : i32 to vector<16xi32>
      %add3A_1078 = arith.addi %add3A_1077, %iota3A : vector<16xi32>
      %mul3A_1079 = arith.constant 256 : i32
      %mul3A_1080 = vector.broadcast %mul3A_1079 : i32 to vector<16xi32>
      %mul3A_1081 = arith.muli %add3A_1078, %mul3A_1080 : vector<16xi32>
      %mul3A_1082 = arith.constant 16 : i32
      %mul3A_1083 = arith.muli %and3A_1061, %mul3A_1082 : i32
      %add3A_1084 = arith.addi %mul3A_1083, %and3A_1065 : i32
      %add3A_1085 = vector.broadcast %add3A_1084 : i32 to vector<16xi32>
      %add3A_1086 = arith.addi %mul3A_1081, %add3A_1085 : vector<16xi32>
      tpu.vector_store_idx %arg10[%add3A_1086], %gather3A_1074 : memref<8192xi32, #tpu.memory_space<vmem>>[vector<16xi32>], vector<16xi32>,
      %add3A_1087 = arith.constant 4 : i32
      %add3A_1088 = arith.addi %scan3A_818, %add3A_1087 : i32
      %rem3A_1089 = arith.constant 4 : i32
      %rem3A_1090 = arith.remsi %add3A_1088, %rem3A_1089 : i32
      %mul3A_1091 = arith.constant 128 : i32
      %mul3A_1092 = arith.muli %add3A_1088, %mul3A_1091 : i32
      %mul3A_1093 = arith.constant 128 : i32
      %mul3A_1094 = arith.muli %rem3A_1090, %mul3A_1093 : i32
      %dma_start3A_1095 = arith.constant 0 : i32
      %dma_start3A_1096 = tpu.memref_slice %arg9[%mul3A_1094, %dma_start3A_1095] : memref<512x16xi32, #tpu.memory_space<vmem>> -> memref<128x16xi32, #tpu.memory_space<vmem>>
      %dma_start3A_1097 = tpu.memref_slice %arg7[%mul3A_1092] : memref<8192xi32, #tpu.memory_space<vmem>> -> memref<128xi32, #tpu.memory_space<vmem>>
      %dma_start3A_1098 = arith.constant 0 : i32
      %dma_start3A_1099 = arith.constant 0 : i32
      %dma_start3A_1100 = tpu.memref_slice %arg2[%dma_start3A_1098, %dma_start3A_1099] : memref<100000x16xi32, #tpu.memory_space<hbm>> -> memref<100000x16xi32, #tpu.memory_space<hbm>>
      tpu.enqueue_indirect_dma source(%dma_start3A_1100 : memref<100000x16xi32, #tpu.memory_space<hbm>>) target(%dma_start3A_1096 : memref<128x16xi32, #tpu.memory_space<vmem>>) offsets(%dma_start3A_1097 : memref<128xi32, #tpu.memory_space<vmem>>) semaphore(%arg12 : memref<!tpu.dma_semaphore, #tpu.memory_space<semaphore_mem>>)
    }
    %scan3A_809 = arith.constant 60 : i32
    %scan3A_810 = arith.constant 0 : i32
    %scan3A_811 = arith.constant 60 : i32
    %scan3A_812 = arith.constant 4 : i32
    %scan3A_813 = arith.addi %scan3A_811, %scan3A_812 : i32
    %scan3A_814 = arith.constant 1 : i32
    scf.for %scan3A_818 = %scan3A_811 to %scan3A_813 step %scan3A_814  : i32 {
      %rem3A_819 = arith.constant 4 : i32
      %rem3A_820 = arith.remsi %scan3A_818, %rem3A_819 : i32
      %mul3A_821 = arith.constant 128 : i32
      %mul3A_822 = arith.muli %rem3A_820, %mul3A_821 : i32
      %dma_wait3A_823 = arith.constant 0 : i32
      %dma_wait3A_824 = tpu.memref_slice %arg9[%mul3A_822, %dma_wait3A_823] : memref<512x16xi32, #tpu.memory_space<vmem>> -> memref<128x16xi32, #tpu.memory_space<vmem>>
      %dma_wait3A_825 = arith.constant 0 : i32
      %dma_wait3A_826 = arith.constant 0 : i32
      %dma_wait3A_827 = tpu.memref_slice %arg2[%dma_wait3A_825, %dma_wait3A_826] : memref<100000x16xi32, #tpu.memory_space<hbm>> -> memref<128x16xi32, #tpu.memory_space<hbm>>
      %dma_wait3A_828 = arith.constant 0 : i32
      %dma_wait3A_829 = tpu.memref_slice %arg9[%mul3A_822, %dma_wait3A_828] : memref<512x16xi32, #tpu.memory_space<vmem>> -> memref<128x16xi32, #tpu.memory_space<vmem>>
      %dma_wait3A_830 = arith.constant 0 : i32
      %dma_wait3A_831 = arith.constant 0 : i32
      %dma_wait3A_832 = tpu.memref_slice %arg2[%dma_wait3A_830, %dma_wait3A_831] : memref<100000x16xi32, #tpu.memory_space<hbm>> -> memref<128x16xi32, #tpu.memory_space<hbm>>
      tpu.wait_dma2 semaphore(%arg12 : memref<!tpu.dma_semaphore, #tpu.memory_space<semaphore_mem>>) src(%dma_wait3A_832 : memref<128x16xi32, #tpu.memory_space<hbm>>) dst(%dma_wait3A_829 : memref<128x16xi32, #tpu.memory_space<vmem>>)
      %rem3A_833 = arith.constant 4 : i32
      %rem3A_834 = arith.remsi %scan3A_818, %rem3A_833 : i32
      %mul3A_835 = arith.constant 128 : i32
      %mul3A_836 = arith.muli %scan3A_818, %mul3A_835 : i32
      %shift_right_arithmetic3A_837 = arith.constant 12 : i32
      %shift_right_arithmetic3A_838 = arith.shrsi %mul3A_836, %shift_right_arithmetic3A_837 : i32
      %add3A_839 = arith.constant 0 : i32
      %add3A_840 = arith.addi %mul3A_836, %add3A_839 : i32
      %shift_right_arithmetic3A_841 = arith.constant 8 : i32
      %shift_right_arithmetic3A_842 = arith.shrsi %add3A_840, %shift_right_arithmetic3A_841 : i32
      %and3A_843 = arith.constant 15 : i32
      %and3A_844 = arith.andi %shift_right_arithmetic3A_842, %and3A_843 : i32
      %shift_right_arithmetic3A_845 = arith.constant 4 : i32
      %shift_right_arithmetic3A_846 = arith.shrsi %add3A_840, %shift_right_arithmetic3A_845 : i32
      %and3A_847 = arith.constant 15 : i32
      %and3A_848 = arith.andi %shift_right_arithmetic3A_846, %and3A_847 : i32
      %get3A_849 = arith.index_cast %add3A_840 : i32 to index
      %get3A_850 = tpu.vector_load %arg8[%get3A_849] {strides = array<i32>} : memref<8192xi32, #tpu.memory_space<vmem>>, vector<16xi32>,
      %mul3A_851 = arith.constant 128 : i32
      %mul3A_852 = arith.muli %rem3A_834, %mul3A_851 : i32
      %add3A_853 = arith.constant 0 : i32
      %add3A_854 = arith.addi %mul3A_852, %add3A_853 : i32
      %add3A_855 = vector.broadcast %add3A_854 : i32 to vector<16xi32>
      %add3A_856 = arith.addi %add3A_855, %iota3A : vector<16xi32>
      %gather3A_857 = tpu.vector_load_idx %arg9[%add3A_856, %get3A_850] : memref<512x16xi32, #tpu.memory_space<vmem>>[vector<16xi32>, vector<16xi32>], vector<16xi32>,
      %mul3A_858 = arith.constant 16 : i32
      %mul3A_859 = arith.muli %shift_right_arithmetic3A_838, %mul3A_858 : i32
      %add3A_860 = vector.broadcast %mul3A_859 : i32 to vector<16xi32>
      %add3A_861 = arith.addi %add3A_860, %iota3A : vector<16xi32>
      %mul3A_862 = arith.constant 256 : i32
      %mul3A_863 = vector.broadcast %mul3A_862 : i32 to vector<16xi32>
      %mul3A_864 = arith.muli %add3A_861, %mul3A_863 : vector<16xi32>
      %mul3A_865 = arith.constant 16 : i32
      %mul3A_866 = arith.muli %and3A_844, %mul3A_865 : i32
      %add3A_867 = arith.addi %mul3A_866, %and3A_848 : i32
      %add3A_868 = vector.broadcast %add3A_867 : i32 to vector<16xi32>
      %add3A_869 = arith.addi %mul3A_864, %add3A_868 : vector<16xi32>
      tpu.vector_store_idx %arg10[%add3A_869], %gather3A_857 : memref<8192xi32, #tpu.memory_space<vmem>>[vector<16xi32>], vector<16xi32>,
      %add3A_870 = arith.constant 16 : i32
      %add3A_871 = arith.addi %mul3A_836, %add3A_870 : i32
      %shift_right_arithmetic3A_872 = arith.constant 8 : i32
      %shift_right_arithmetic3A_873 = arith.shrsi %add3A_871, %shift_right_arithmetic3A_872 : i32
      %and3A_874 = arith.constant 15 : i32
      %and3A_875 = arith.andi %shift_right_arithmetic3A_873, %and3A_874 : i32
      %shift_right_arithmetic3A_876 = arith.constant 4 : i32
      %shift_right_arithmetic3A_877 = arith.shrsi %add3A_871, %shift_right_arithmetic3A_876 : i32
      %and3A_878 = arith.constant 15 : i32
      %and3A_879 = arith.andi %shift_right_arithmetic3A_877, %and3A_878 : i32
      %get3A_880 = arith.index_cast %add3A_871 : i32 to index
      %get3A_881 = tpu.vector_load %arg8[%get3A_880] {strides = array<i32>} : memref<8192xi32, #tpu.memory_space<vmem>>, vector<16xi32>,
      %mul3A_882 = arith.constant 128 : i32
      %mul3A_883 = arith.muli %rem3A_834, %mul3A_882 : i32
      %add3A_884 = arith.constant 16 : i32
      %add3A_885 = arith.addi %mul3A_883, %add3A_884 : i32
      %add3A_886 = vector.broadcast %add3A_885 : i32 to vector<16xi32>
      %add3A_887 = arith.addi %add3A_886, %iota3A : vector<16xi32>
      %gather3A_888 = tpu.vector_load_idx %arg9[%add3A_887, %get3A_881] : memref<512x16xi32, #tpu.memory_space<vmem>>[vector<16xi32>, vector<16xi32>], vector<16xi32>,
      %mul3A_889 = arith.constant 16 : i32
      %mul3A_890 = arith.muli %shift_right_arithmetic3A_838, %mul3A_889 : i32
      %add3A_891 = vector.broadcast %mul3A_890 : i32 to vector<16xi32>
      %add3A_892 = arith.addi %add3A_891, %iota3A : vector<16xi32>
      %mul3A_893 = arith.constant 256 : i32
      %mul3A_894 = vector.broadcast %mul3A_893 : i32 to vector<16xi32>
      %mul3A_895 = arith.muli %add3A_892, %mul3A_894 : vector<16xi32>
      %mul3A_896 = arith.constant 16 : i32
      %mul3A_897 = arith.muli %and3A_875, %mul3A_896 : i32
      %add3A_898 = arith.addi %mul3A_897, %and3A_879 : i32
      %add3A_899 = vector.broadcast %add3A_898 : i32 to vector<16xi32>
      %add3A_900 = arith.addi %mul3A_895, %add3A_899 : vector<16xi32>
      tpu.vector_store_idx %arg10[%add3A_900], %gather3A_888 : memref<8192xi32, #tpu.memory_space<vmem>>[vector<16xi32>], vector<16xi32>,
      %add3A_901 = arith.constant 32 : i32
      %add3A_902 = arith.addi %mul3A_836, %add3A_901 : i32
      %shift_right_arithmetic3A_903 = arith.constant 8 : i32
      %shift_right_arithmetic3A_904 = arith.shrsi %add3A_902, %shift_right_arithmetic3A_903 : i32
      %and3A_905 = arith.constant 15 : i32
      %and3A_906 = arith.andi %shift_right_arithmetic3A_904, %and3A_905 : i32
      %shift_right_arithmetic3A_907 = arith.constant 4 : i32
      %shift_right_arithmetic3A_908 = arith.shrsi %add3A_902, %shift_right_arithmetic3A_907 : i32
      %and3A_909 = arith.constant 15 : i32
      %and3A_910 = arith.andi %shift_right_arithmetic3A_908, %and3A_909 : i32
      %get3A_911 = arith.index_cast %add3A_902 : i32 to index
      %get3A_912 = tpu.vector_load %arg8[%get3A_911] {strides = array<i32>} : memref<8192xi32, #tpu.memory_space<vmem>>, vector<16xi32>,
      %mul3A_913 = arith.constant 128 : i32
      %mul3A_914 = arith.muli %rem3A_834, %mul3A_913 : i32
      %add3A_915 = arith.constant 32 : i32
      %add3A_916 = arith.addi %mul3A_914, %add3A_915 : i32
      %add3A_917 = vector.broadcast %add3A_916 : i32 to vector<16xi32>
      %add3A_918 = arith.addi %add3A_917, %iota3A : vector<16xi32>
      %gather3A_919 = tpu.vector_load_idx %arg9[%add3A_918, %get3A_912] : memref<512x16xi32, #tpu.memory_space<vmem>>[vector<16xi32>, vector<16xi32>], vector<16xi32>,
      %mul3A_920 = arith.constant 16 : i32
      %mul3A_921 = arith.muli %shift_right_arithmetic3A_838, %mul3A_920 : i32
      %add3A_922 = vector.broadcast %mul3A_921 : i32 to vector<16xi32>
      %add3A_923 = arith.addi %add3A_922, %iota3A : vector<16xi32>
      %mul3A_924 = arith.constant 256 : i32
      %mul3A_925 = vector.broadcast %mul3A_924 : i32 to vector<16xi32>
      %mul3A_926 = arith.muli %add3A_923, %mul3A_925 : vector<16xi32>
      %mul3A_927 = arith.constant 16 : i32
      %mul3A_928 = arith.muli %and3A_906, %mul3A_927 : i32
      %add3A_929 = arith.addi %mul3A_928, %and3A_910 : i32
      %add3A_930 = vector.broadcast %add3A_929 : i32 to vector<16xi32>
      %add3A_931 = arith.addi %mul3A_926, %add3A_930 : vector<16xi32>
      tpu.vector_store_idx %arg10[%add3A_931], %gather3A_919 : memref<8192xi32, #tpu.memory_space<vmem>>[vector<16xi32>], vector<16xi32>,
      %add3A_932 = arith.constant 48 : i32
      %add3A_933 = arith.addi %mul3A_836, %add3A_932 : i32
      %shift_right_arithmetic3A_934 = arith.constant 8 : i32
      %shift_right_arithmetic3A_935 = arith.shrsi %add3A_933, %shift_right_arithmetic3A_934 : i32
      %and3A_936 = arith.constant 15 : i32
      %and3A_937 = arith.andi %shift_right_arithmetic3A_935, %and3A_936 : i32
      %shift_right_arithmetic3A_938 = arith.constant 4 : i32
      %shift_right_arithmetic3A_939 = arith.shrsi %add3A_933, %shift_right_arithmetic3A_938 : i32
      %and3A_940 = arith.constant 15 : i32
      %and3A_941 = arith.andi %shift_right_arithmetic3A_939, %and3A_940 : i32
      %get3A_942 = arith.index_cast %add3A_933 : i32 to index
      %get3A_943 = tpu.vector_load %arg8[%get3A_942] {strides = array<i32>} : memref<8192xi32, #tpu.memory_space<vmem>>, vector<16xi32>,
      %mul3A_944 = arith.constant 128 : i32
      %mul3A_945 = arith.muli %rem3A_834, %mul3A_944 : i32
      %add3A_946 = arith.constant 48 : i32
      %add3A_947 = arith.addi %mul3A_945, %add3A_946 : i32
      %add3A_948 = vector.broadcast %add3A_947 : i32 to vector<16xi32>
      %add3A_949 = arith.addi %add3A_948, %iota3A : vector<16xi32>
      %gather3A_950 = tpu.vector_load_idx %arg9[%add3A_949, %get3A_943] : memref<512x16xi32, #tpu.memory_space<vmem>>[vector<16xi32>, vector<16xi32>], vector<16xi32>,
      %mul3A_951 = arith.constant 16 : i32
      %mul3A_952 = arith.muli %shift_right_arithmetic3A_838, %mul3A_951 : i32
      %add3A_953 = vector.broadcast %mul3A_952 : i32 to vector<16xi32>
      %add3A_954 = arith.addi %add3A_953, %iota3A : vector<16xi32>
      %mul3A_955 = arith.constant 256 : i32
      %mul3A_956 = vector.broadcast %mul3A_955 : i32 to vector<16xi32>
      %mul3A_957 = arith.muli %add3A_954, %mul3A_956 : vector<16xi32>
      %mul3A_958 = arith.constant 16 : i32
      %mul3A_959 = arith.muli %and3A_937, %mul3A_958 : i32
      %add3A_960 = arith.addi %mul3A_959, %and3A_941 : i32
      %add3A_961 = vector.broadcast %add3A_960 : i32 to vector<16xi32>
      %add3A_962 = arith.addi %mul3A_957, %add3A_961 : vector<16xi32>
      tpu.vector_store_idx %arg10[%add3A_962], %gather3A_950 : memref<8192xi32, #tpu.memory_space<vmem>>[vector<16xi32>], vector<16xi32>,
      %add3A_963 = arith.constant 64 : i32
      %add3A_964 = arith.addi %mul3A_836, %add3A_963 : i32
      %shift_right_arithmetic3A_965 = arith.constant 8 : i32
      %shift_right_arithmetic3A_966 = arith.shrsi %add3A_964, %shift_right_arithmetic3A_965 : i32
      %and3A_967 = arith.constant 15 : i32
      %and3A_968 = arith.andi %shift_right_arithmetic3A_966, %and3A_967 : i32
      %shift_right_arithmetic3A_969 = arith.constant 4 : i32
      %shift_right_arithmetic3A_970 = arith.shrsi %add3A_964, %shift_right_arithmetic3A_969 : i32
      %and3A_971 = arith.constant 15 : i32
      %and3A_972 = arith.andi %shift_right_arithmetic3A_970, %and3A_971 : i32
      %get3A_973 = arith.index_cast %add3A_964 : i32 to index
      %get3A_974 = tpu.vector_load %arg8[%get3A_973] {strides = array<i32>} : memref<8192xi32, #tpu.memory_space<vmem>>, vector<16xi32>,
      %mul3A_975 = arith.constant 128 : i32
      %mul3A_976 = arith.muli %rem3A_834, %mul3A_975 : i32
      %add3A_977 = arith.constant 64 : i32
      %add3A_978 = arith.addi %mul3A_976, %add3A_977 : i32
      %add3A_979 = vector.broadcast %add3A_978 : i32 to vector<16xi32>
      %add3A_980 = arith.addi %add3A_979, %iota3A : vector<16xi32>
      %gather3A_981 = tpu.vector_load_idx %arg9[%add3A_980, %get3A_974] : memref<512x16xi32, #tpu.memory_space<vmem>>[vector<16xi32>, vector<16xi32>], vector<16xi32>,
      %mul3A_982 = arith.constant 16 : i32
      %mul3A_983 = arith.muli %shift_right_arithmetic3A_838, %mul3A_982 : i32
      %add3A_984 = vector.broadcast %mul3A_983 : i32 to vector<16xi32>
      %add3A_985 = arith.addi %add3A_984, %iota3A : vector<16xi32>
      %mul3A_986 = arith.constant 256 : i32
      %mul3A_987 = vector.broadcast %mul3A_986 : i32 to vector<16xi32>
      %mul3A_988 = arith.muli %add3A_985, %mul3A_987 : vector<16xi32>
      %mul3A_989 = arith.constant 16 : i32
      %mul3A_990 = arith.muli %and3A_968, %mul3A_989 : i32
      %add3A_991 = arith.addi %mul3A_990, %and3A_972 : i32
      %add3A_992 = vector.broadcast %add3A_991 : i32 to vector<16xi32>
      %add3A_993 = arith.addi %mul3A_988, %add3A_992 : vector<16xi32>
      tpu.vector_store_idx %arg10[%add3A_993], %gather3A_981 : memref<8192xi32, #tpu.memory_space<vmem>>[vector<16xi32>], vector<16xi32>,
      %add3A_994 = arith.constant 80 : i32
      %add3A_995 = arith.addi %mul3A_836, %add3A_994 : i32
      %shift_right_arithmetic3A_996 = arith.constant 8 : i32
      %shift_right_arithmetic3A_997 = arith.shrsi %add3A_995, %shift_right_arithmetic3A_996 : i32
      %and3A_998 = arith.constant 15 : i32
      %and3A_999 = arith.andi %shift_right_arithmetic3A_997, %and3A_998 : i32
      %shift_right_arithmetic3A_1000 = arith.constant 4 : i32
      %shift_right_arithmetic3A_1001 = arith.shrsi %add3A_995, %shift_right_arithmetic3A_1000 : i32
      %and3A_1002 = arith.constant 15 : i32
      %and3A_1003 = arith.andi %shift_right_arithmetic3A_1001, %and3A_1002 : i32
      %get3A_1004 = arith.index_cast %add3A_995 : i32 to index
      %get3A_1005 = tpu.vector_load %arg8[%get3A_1004] {strides = array<i32>} : memref<8192xi32, #tpu.memory_space<vmem>>, vector<16xi32>,
      %mul3A_1006 = arith.constant 128 : i32
      %mul3A_1007 = arith.muli %rem3A_834, %mul3A_1006 : i32
      %add3A_1008 = arith.constant 80 : i32
      %add3A_1009 = arith.addi %mul3A_1007, %add3A_1008 : i32
      %add3A_1010 = vector.broadcast %add3A_1009 : i32 to vector<16xi32>
      %add3A_1011 = arith.addi %add3A_1010, %iota3A : vector<16xi32>
      %gather3A_1012 = tpu.vector_load_idx %arg9[%add3A_1011, %get3A_1005] : memref<512x16xi32, #tpu.memory_space<vmem>>[vector<16xi32>, vector<16xi32>], vector<16xi32>,
      %mul3A_1013 = arith.constant 16 : i32
      %mul3A_1014 = arith.muli %shift_right_arithmetic3A_838, %mul3A_1013 : i32
      %add3A_1015 = vector.broadcast %mul3A_1014 : i32 to vector<16xi32>
      %add3A_1016 = arith.addi %add3A_1015, %iota3A : vector<16xi32>
      %mul3A_1017 = arith.constant 256 : i32
      %mul3A_1018 = vector.broadcast %mul3A_1017 : i32 to vector<16xi32>
      %mul3A_1019 = arith.muli %add3A_1016, %mul3A_1018 : vector<16xi32>
      %mul3A_1020 = arith.constant 16 : i32
      %mul3A_1021 = arith.muli %and3A_999, %mul3A_1020 : i32
      %add3A_1022 = arith.addi %mul3A_1021, %and3A_1003 : i32
      %add3A_1023 = vector.broadcast %add3A_1022 : i32 to vector<16xi32>
      %add3A_1024 = arith.addi %mul3A_1019, %add3A_1023 : vector<16xi32>
      tpu.vector_store_idx %arg10[%add3A_1024], %gather3A_1012 : memref<8192xi32, #tpu.memory_space<vmem>>[vector<16xi32>], vector<16xi32>,
      %add3A_1025 = arith.constant 96 : i32
      %add3A_1026 = arith.addi %mul3A_836, %add3A_1025 : i32
      %shift_right_arithmetic3A_1027 = arith.constant 8 : i32
      %shift_right_arithmetic3A_1028 = arith.shrsi %add3A_1026, %shift_right_arithmetic3A_1027 : i32
      %and3A_1029 = arith.constant 15 : i32
      %and3A_1030 = arith.andi %shift_right_arithmetic3A_1028, %and3A_1029 : i32
      %shift_right_arithmetic3A_1031 = arith.constant 4 : i32
      %shift_right_arithmetic3A_1032 = arith.shrsi %add3A_1026, %shift_right_arithmetic3A_1031 : i32
      %and3A_1033 = arith.constant 15 : i32
      %and3A_1034 = arith.andi %shift_right_arithmetic3A_1032, %and3A_1033 : i32
      %get3A_1035 = arith.index_cast %add3A_1026 : i32 to index
      %get3A_1036 = tpu.vector_load %arg8[%get3A_1035] {strides = array<i32>} : memref<8192xi32, #tpu.memory_space<vmem>>, vector<16xi32>,
      %mul3A_1037 = arith.constant 128 : i32
      %mul3A_1038 = arith.muli %rem3A_834, %mul3A_1037 : i32
      %add3A_1039 = arith.constant 96 : i32
      %add3A_1040 = arith.addi %mul3A_1038, %add3A_1039 : i32
      %add3A_1041 = vector.broadcast %add3A_1040 : i32 to vector<16xi32>
      %add3A_1042 = arith.addi %add3A_1041, %iota3A : vector<16xi32>
      %gather3A_1043 = tpu.vector_load_idx %arg9[%add3A_1042, %get3A_1036] : memref<512x16xi32, #tpu.memory_space<vmem>>[vector<16xi32>, vector<16xi32>], vector<16xi32>,
      %mul3A_1044 = arith.constant 16 : i32
      %mul3A_1045 = arith.muli %shift_right_arithmetic3A_838, %mul3A_1044 : i32
      %add3A_1046 = vector.broadcast %mul3A_1045 : i32 to vector<16xi32>
      %add3A_1047 = arith.addi %add3A_1046, %iota3A : vector<16xi32>
      %mul3A_1048 = arith.constant 256 : i32
      %mul3A_1049 = vector.broadcast %mul3A_1048 : i32 to vector<16xi32>
      %mul3A_1050 = arith.muli %add3A_1047, %mul3A_1049 : vector<16xi32>
      %mul3A_1051 = arith.constant 16 : i32
      %mul3A_1052 = arith.muli %and3A_1030, %mul3A_1051 : i32
      %add3A_1053 = arith.addi %mul3A_1052, %and3A_1034 : i32
      %add3A_1054 = vector.broadcast %add3A_1053 : i32 to vector<16xi32>
      %add3A_1055 = arith.addi %mul3A_1050, %add3A_1054 : vector<16xi32>
      tpu.vector_store_idx %arg10[%add3A_1055], %gather3A_1043 : memref<8192xi32, #tpu.memory_space<vmem>>[vector<16xi32>], vector<16xi32>,
      %add3A_1056 = arith.constant 112 : i32
      %add3A_1057 = arith.addi %mul3A_836, %add3A_1056 : i32
      %shift_right_arithmetic3A_1058 = arith.constant 8 : i32
      %shift_right_arithmetic3A_1059 = arith.shrsi %add3A_1057, %shift_right_arithmetic3A_1058 : i32
      %and3A_1060 = arith.constant 15 : i32
      %and3A_1061 = arith.andi %shift_right_arithmetic3A_1059, %and3A_1060 : i32
      %shift_right_arithmetic3A_1062 = arith.constant 4 : i32
      %shift_right_arithmetic3A_1063 = arith.shrsi %add3A_1057, %shift_right_arithmetic3A_1062 : i32
      %and3A_1064 = arith.constant 15 : i32
      %and3A_1065 = arith.andi %shift_right_arithmetic3A_1063, %and3A_1064 : i32
      %get3A_1066 = arith.index_cast %add3A_1057 : i32 to index
      %get3A_1067 = tpu.vector_load %arg8[%get3A_1066] {strides = array<i32>} : memref<8192xi32, #tpu.memory_space<vmem>>, vector<16xi32>,
      %mul3A_1068 = arith.constant 128 : i32
      %mul3A_1069 = arith.muli %rem3A_834, %mul3A_1068 : i32
      %add3A_1070 = arith.constant 112 : i32
      %add3A_1071 = arith.addi %mul3A_1069, %add3A_1070 : i32
      %add3A_1072 = vector.broadcast %add3A_1071 : i32 to vector<16xi32>
      %add3A_1073 = arith.addi %add3A_1072, %iota3A : vector<16xi32>
      %gather3A_1074 = tpu.vector_load_idx %arg9[%add3A_1073, %get3A_1067] : memref<512x16xi32, #tpu.memory_space<vmem>>[vector<16xi32>, vector<16xi32>], vector<16xi32>,
      %mul3A_1075 = arith.constant 16 : i32
      %mul3A_1076 = arith.muli %shift_right_arithmetic3A_838, %mul3A_1075 : i32
      %add3A_1077 = vector.broadcast %mul3A_1076 : i32 to vector<16xi32>
      %add3A_1078 = arith.addi %add3A_1077, %iota3A : vector<16xi32>
      %mul3A_1079 = arith.constant 256 : i32
      %mul3A_1080 = vector.broadcast %mul3A_1079 : i32 to vector<16xi32>
      %mul3A_1081 = arith.muli %add3A_1078, %mul3A_1080 : vector<16xi32>
      %mul3A_1082 = arith.constant 16 : i32
      %mul3A_1083 = arith.muli %and3A_1061, %mul3A_1082 : i32
      %add3A_1084 = arith.addi %mul3A_1083, %and3A_1065 : i32
      %add3A_1085 = vector.broadcast %add3A_1084 : i32 to vector<16xi32>
      %add3A_1086 = arith.addi %mul3A_1081, %add3A_1085 : vector<16xi32>
      tpu.vector_store_idx %arg10[%add3A_1086], %gather3A_1074 : memref<8192xi32, #tpu.memory_space<vmem>>[vector<16xi32>], vector<16xi32>,
    }
    %scan3A_815 = arith.constant 4 : i32
    %mul3A_816 = arith.constant 256 : i32
    %mul3A_817 = arith.muli %mul3A_2, %mul3A_816 : i32
    "tpu.region"() ({
      %run_scoped3A = tpu.sem_alloc : memref<!tpu.dma_semaphore, #tpu.memory_space<semaphore_mem>>
      %dma_start3A_818 = tpu.memref_slice %arg4[%mul3A_817] : memref<262144xi32, #tpu.memory_space<hbm>> -> memref<8192xi32, #tpu.memory_space<hbm>>
      %dma_start3A_819 = tpu.memref_slice %arg4[%mul3A_817] : memref<262144xi32, #tpu.memory_space<hbm>> -> memref<8192xi32, #tpu.memory_space<hbm>>
      tpu.enqueue_dma source(%arg10 : memref<8192xi32, #tpu.memory_space<vmem>>) target(%dma_start3A_819 : memref<8192xi32, #tpu.memory_space<hbm>>) target_semaphore(%run_scoped3A : memref<!tpu.dma_semaphore, #tpu.memory_space<semaphore_mem>>)
      %dma_wait3A_820 = tpu.memref_slice %arg4[%mul3A_817] : memref<262144xi32, #tpu.memory_space<hbm>> -> memref<8192xi32, #tpu.memory_space<hbm>>
      %dma_wait3A_821 = tpu.memref_slice %arg4[%mul3A_817] : memref<262144xi32, #tpu.memory_space<hbm>> -> memref<8192xi32, #tpu.memory_space<hbm>>
      tpu.wait_dma2 semaphore(%run_scoped3A : memref<!tpu.dma_semaphore, #tpu.memory_space<semaphore_mem>>) src(%arg10 : memref<8192xi32, #tpu.memory_space<vmem>>) dst(%dma_wait3A_821 : memref<8192xi32, #tpu.memory_space<hbm>>)
      tpu.yield
    }) : () -> ()
    return
  }
}

module attributes {stable_mosaic.version = 14 : i64} {
  func.func @_row_mean_body(%arg0: i32, %arg1: memref<4096x128xf32, #tpu.memory_space<vmem>>, %arg2: memref<4096xf32, #tpu.memory_space<vmem>>) attributes {dimension_semantics = [#tpu.dimension_semantics<arbitrary>], iteration_bounds = array<i64: 25>, scalar_prefetch = 0 : i64, scratch_operands = 0 : i64, tpu.core_type = #tpu.core_type<tc>, window_params = [{transform_indices = @transform_0, window_bounds = array<i64: 4096, 128>}, {transform_indices = @transform_1, window_bounds = array<i64: 4096>}]} {
    %broadcast_in_dim3A = arith.constant 7.812500e-03 : f32
    %broadcast_in_dim3A_0 = vector.broadcast %broadcast_in_dim3A : f32 to vector<128x1xf32>
    %get3A = arith.constant 0 : index
    %get3A_1 = arith.constant 0 : index
    %get3A_2 = vector.load %arg1[%get3A, %get3A_1] : memref<4096x128xf32, #tpu.memory_space<vmem>>, vector<4096x128xf32>
    %dot_general3A = arith.constant dense<0.000000e+00> : vector<4096x1xf32>
    %dot_general3A_3 = tpu.matmul %get3A_2, %broadcast_in_dim3A_0, %dot_general3A {dimension_numbers = #tpu.dot_dimension_numbers<[1], [0], [0], [1], [0, 0, 1, 1], [], []>, transpose_lhs_hint = false} : vector<4096x128xf32>, vector<128x1xf32>, vector<4096x1xf32> -> vector<4096x1xf32>
    %transpose3A = tpu.transpose %dot_general3A_3, [1, 0] : vector<4096x1xf32> -> vector<1x4096xf32>
    %reshape3A = vector.shape_cast %transpose3A : vector<1x4096xf32> to vector<4096xf32>
    %swap3A = arith.constant 0 : index
    %swap3A_4 = vector.load %arg2[%swap3A] : memref<4096xf32, #tpu.memory_space<vmem>>, vector<4096xf32>
    tpu.vector_store %arg2[%swap3A], %reshape3A {strides = array<i32>} : memref<4096xf32, #tpu.memory_space<vmem>>, vector<4096xf32>,
    return
  }
  func.func @transform_0(%arg0: i32) -> (i32, i32) {
    %c0_i32 = arith.constant 0 : i32
    %c0_i32_0 = arith.constant 0 : i32
    return %arg0, %c0_i32 : i32, i32
  }
  func.func @transform_1(%arg0: i32) -> i32 {
    %c0_i32 = arith.constant 0 : i32
    return %arg0 : i32
  }
}

</mosaic_0001>

<sc_bundles>
// kernel: kernel.5.cloned.1.call-start
scs
__scs_entry_jumppad:
0x0: {  	(pc) =	sbr.rel $0x88, $3  }
0x1: {  	(tag) =	ssettag $0x0;
	lr =	simm.s32 $0x1  }
0x2: {  	[smem:$0x3F9E] =	sst lr;
	_ =	strace $0xD0000000  }
0x3: {  	_ = 	snop  }
0x4: {  	_ = 	snop  }
0x5: {  	_ = 	snop  }
0x6: {  	_ = 	snop  }
0x7: {  	_ = 	snop  }
__scs_overlays_trampoline_lowered:
0x8: {  	[smem:$0x3FAD] =	sst s0  }
0x9: {  	[smem:$0x3FAE] =	sst s1  }
0xa: {  	[smem:$0x3FAF] =	sst s2  }
0xb: {  	[smem:$0x3FB0] =	sst s3  }
0xc: {  	[smem:$0x3FB1] =	sst s4  }
0xd: {  	[smem:$0x3FB2] =	sst s5  }
0xe: {  	[smem:$0x3FB3] =	sst s6  }
0xf: {  	[smem:$0x3FB4] =	sst s7  }
0x10: {  	[smem:$0x3FB5] =	sst s8  }
0x11: {  	[smem:$0x3FB6] =	sst s9;
	s0 =	simm.s32 @!p0 $0x0  }
0x12: {  	s1 =	sld [smem:$0x3F9C];
	s0 =	simm.s32 @p0 $0x1  }
0x13: {  	[smem:$0x3FB7] =	sst s0;
	s0 =	simm.s32 @!p1 $0x0  }
0x14: {  	s2 =	sld [smem:$0x3F9B];
	s0 =	simm.s32 @p1 $0x1  }
0x15: {  	[smem:$0x3FB8] =	sst s0;
	s0 =	simm.s32 @!p2 $0x0  }
0x16: {  	s3 =	sld [smem:$0x3FDB];
	s0 =	simm.s32 @p2 $0x1  }
0x17: {  	s4 =	simm.s32 $0x1BF5;
	[smem:$0x3FBA] =	sst s0  }
0x18: {  	s0 =	sld [smem:$0x3F9D];
	_ =	swait.ge [sflag:s4], $0x0  }
0x19: {  	s7 =	sld [smem:$0x3F9E]  }
0x1a: {  	s8 =	sadd.s32 $0xFFFFE003, lr  }
0x1b: {  	s9 =	sadd.s32 $0xFFFFFEF7, lr;
	s5 =	simm.s32 $0xFFFFFFFF;
	p2 =	slt.u32 s8, $0xFFFFF086  }
0x1c: {  	p1 =	slt.u32 s9, $0xF7A;
	s5 =	simm.s32 @!p2 $0x0  }
0x1d: {  	s5 =	simm.s32 @p1 $0x1;
	p0 =	seq.s32 s7, s2  }
0x1e: {  	s7 =	smul.u32 @!p0 $0xF7A, s2;
	p2 =	seq.s32 @!p0 s5, $0x0  }
0x1f: {  	s9 =	smul.u32 $0xF7A, s1;
	s8 =	simm.s32 @!p0 $0x1BF5;
	p2 =	por !p2, p0  }
0x20: {  	[sflag:s8] =	ssyncset.s32 @!p0 $0xFFFFF086;
	s6 =	sadd.s32 @!p0 s3, s7;
	s7 =	simm.s32 @!p0 $0x108  }
0x21: {  	s3 =	sadd.s32 s3, s9;
	s6 =	sadd.s32 @!p0 $0x88, s6;
	s7 =	simm.s32 @p2 $0x1082  }
0x22: {  	[simem:s7], [sflag:s8] =	dma.local @!p0 [hbm:s6], $0xF7A  }
0x23: {  	s9 =	sor.u32 $0xD0000000, s2;
	s6 =	simm.s32 $0x108;
	_ =	swait.ge @!p0 [sflag:s8], $0x0  }
0x24: {  	s3 =	sadd.s32 $0x88, s3;
	s6 =	simm.s32 @!p1 $0x1082;
	[sflag:s4] =	ssyncset.s32 $0xFFFFF086  }
0x25: {  	[simem:s6], [sflag:s4] =	dma.local [hbm:s3], $0xF7A  }
0x26: {  	[smem:$0x3F9E] =	sst s1;
	(tag) =	ssettag s2;
	_ =	strace s9  }
0x27: {  	s1 =	sld [smem:$0x3FAE]  }
0x28: {  	s2 =	sld [smem:$0x3FAF]  }
0x29: {  	s4 =	sld [smem:$0x3FB1]  }
0x2a: {  	p0 =	seq.s32 s5, $0x0;
	s5 =	sld [smem:$0x3FB2]  }
0x2b: {  	s6 =	sld [smem:$0x3FB3]  }
0x2c: {  	s7 =	sld [smem:$0x3FB4]  }
0x2d: {  	s3 =	simm.s32 $0x108;
	s8 =	sld [smem:$0x3FB5]  }
0x2e: {  	s3 =	simm.s32 @!p0 $0x1082;
	s9 =	sld [smem:$0x3FB6]  }
0x2f: {  	lr =	sadd.s32 s0, s3;
	s0 =	sld [smem:$0x3FAD]  }
0x30: {  	s3 =	sld [smem:$0x3FB0]  }
0x31: {  	[smem:$0x3FB9] =	sst s10  }
0x32: {  	s10 =	sld [smem:$0x3FB7];
	_ =	sdelay $0x3  }
0x33: {  	p0 =	seq.s32 s10, $0x1;
	s10 =	sld [smem:$0x3FB9];
	_ =	sdelay $0x3  }
0x34: {  	[smem:$0x3FB9] =	sst s10  }
0x35: {  	s10 =	sld [smem:$0x3FB8];
	_ =	sdelay $0x3  }
0x36: {  	p1 =	seq.s32 s10, $0x1;
	s10 =	sld [smem:$0x3FB9];
	_ =	sdelay $0x3  }
0x37: {  	[smem:$0x3FB9] =	sst s10  }
0x38: {  	s10 =	sld [smem:$0x3FBA]  }
0x39: {  	_ = 	snop;
	(pc) =	sbr.ind lr, $3  }
0x3a: {  	_ = 	snop  }
0x3b: {  	_ = 	snop  }
0x3c: {  	p2 =	seq.s32 s10, $0x1;
	s10 =	sld [smem:$0x3FB9]  }
0x3d: {  	_ =	shalt  }
0x3e: {  	_ =	shalt  }
0x3f: {  	_ =	shalt  }
0x40: {  	_ =	shalt  }
0x41: {  	_ =	shalt  }
0x42: {  	_ =	shalt  }
0x43: {  	_ =	shalt  }
0x44: {  	_ =	shalt  }
0x45: {  	_ =	shalt  }
0x46: {  	_ =	shalt  }
0x47: {  	_ =	shalt  }
0x48: {  	_ =	shalt  }
0x49: {  	_ =	shalt  }
0x4a: {  	_ =	shalt  }
0x4b: {  	_ =	shalt  }
0x4c: {  	_ =	shalt  }
0x4d: {  	_ =	shalt  }
0x4e: {  	_ =	shalt  }
0x4f: {  	_ =	shalt  }
0x50: {  	_ =	shalt  }
0x51: {  	_ =	shalt  }
0x52: {  	_ =	shalt  }
0x53: {  	_ =	shalt  }
0x54: {  	_ =	shalt  }
0x55: {  	_ =	shalt  }
0x56: {  	_ =	shalt  }
0x57: {  	_ =	shalt  }
0x58: {  	_ =	shalt  }
0x59: {  	_ =	shalt  }
0x5a: {  	_ =	shalt  }
0x5b: {  	_ =	shalt  }
0x5c: {  	_ =	shalt  }
0x5d: {  	_ =	shalt  }
0x5e: {  	_ =	shalt  }
0x5f: {  	_ =	shalt  }
0x60: {  	_ =	shalt  }
0x61: {  	_ =	shalt  }
0x62: {  	_ =	shalt  }
0x63: {  	_ =	shalt  }
0x64: {  	_ =	shalt  }
0x65: {  	_ =	shalt  }
0x66: {  	_ =	shalt  }
0x67: {  	_ =	shalt  }
0x68: {  	_ =	shalt  }
0x69: {  	_ =	shalt  }
0x6a: {  	_ =	shalt  }
0x6b: {  	_ =	shalt  }
0x6c: {  	_ =	shalt  }
0x6d: {  	_ =	shalt  }
0x6e: {  	_ =	shalt  }
0x6f: {  	_ =	shalt  }
0x70: {  	_ =	shalt  }
0x71: {  	_ =	shalt  }
0x72: {  	_ =	shalt  }
0x73: {  	_ =	shalt  }
0x74: {  	_ =	shalt  }
0x75: {  	_ =	shalt  }
0x76: {  	_ =	shalt  }
0x77: {  	_ =	shalt  }
0x78: {  	_ =	shalt  }
0x79: {  	_ =	shalt  }
0x7a: {  	_ =	shalt  }
0x7b: {  	_ =	shalt  }
0x7c: {  	_ =	shalt  }
0x7d: {  	_ =	shalt  }
0x7e: {  	_ =	shalt  }
0x7f: {  	_ =	shalt  }
0x80: {  	_ =	shalt  }
0x81: {  	_ =	shalt  }
0x82: {  	_ =	shalt  }
0x83: {  	_ =	shalt  }
0x84: {  	_ =	shalt  }
0x85: {  	_ =	shalt  }
0x86: {  	_ =	shalt  }
0x87: {  	_ =	shalt  }
.Lfunc_end0:
.L_simem_size_0:
called_computation_lowered:
.L_overlay_start_0:
0x88: {  	s2 =	sld [smem:$0x3FD9]  }
0x89: {  	s3 =	sld [smem:$0x3FFE];
	_ =	sdelay $0x1  }
0x8a: {  	s1 =	srdreg.scid  }
0x8b: {  	s0 =	sand.u32 $0x1, s1  }
0x8c: {  	s17 =	sshll.u32 s0, $0xA;
	s2 =	sadd.s32 s3, s2  }
0x8d: {  	s2 =	sadd.s32 s2, s17  }
0x8e: {  	[smem:$0x3FC5] =	sst s2  }
0x8f: {  	_ = 	snop  }
0x90: {  	s2 =	sld [smem:$0x3FC8]  }
0x91: {  	s18 =	sld [smem:$0x3FD0];
	(tm) =	ssettm $0x1  }
0x92: {  	s4 =	sld [smem:$0x3FFB];
	_ =	sdelay $0x3  }
0x93: {  	_ =	strace s4  }
0x94: {  	s4 =	sld [smem:$0x3FFC];
	_ =	sdelay $0x3  }
0x95: {  	_ =	strace s4  }
0x96: {  	s4 =	sld [smem:$0x3FFD];
	_ =	sdelay $0x3  }
0x97: {  	_ =	strace s4  }
0x98: {  	_ =	strace $0x8FFFFFFF  }
0x99: {  	s19 =	sld [smem:$0x3FDB];
	_ =	sdelay $0x1  }
0x9a: {  	s5 =	simm.s32 $_scs_section_size  }
0x9b: {  	s6 =	simm.s32 $_size__tile_overlayer_lowered;
	s7 =	simm.s32 $_tile_overlayer_lowered  }
0x9c: {  	s22 =	simm.s32 $0x1BFF;
	s21 =	sshll.u32 s7, $0x1;
	s4 =	sadd.s32 s5, s19  }
0x9d: {  	s8 =	simm.s32 $0x0;
	s20 =	sshll.u32 s6, $0x1;
	s6 =	sadd.s32 s21, s4  }
0x9e: {  	[timem:s8], [sflag:s22] =	dma.local [hbm:s6], s20  }
0x9f: {  	_ =	swait.ge [sflag:s22], s20  }
0xa0: {  	s5 =	ssub.s32 $0x0, s20;
	[sflag:s22] =	ssyncset.done $0x0  }
0xa1: {  	[sflag:s22] =	ssyncadd.s32 s5;
	_ =	sdelay $0x1  }
0xa2: {  	s23 =	simm.s32 $0x1B8B  }
0xa3: {  	_ =	swait.ge [sflag:s23], $0x1  }
0xa4: {  	[sflag:s23] =	ssyncset.done $0x0  }
0xa5: {  	s25 =	simm.s32 $0x1B8E;
	s24 =	sld [smem:$0x3FFE];
	[sflag:s23] =	ssyncadd.s32 $0xFFFFFFFF  }
0xa6: {  	s26 =	simm.s32 $execute0_lowered;
	[smem:$0x3FD2] =	sst s25  }
0xa7: {  	s6 =	sshll.u32 s26, $0x1;
	_ =	strace $0x80000046;
	[dreg:$0x1] =	wrdreg $0xFFFFFFFF  }
0xa8: {  	s28 =	simm.s32 $_size_execute0_lowered;
	s4 =	sadd.s32 s4, s6;
	[dreg:$0x0] =	wrdreg $0x0  }
0xa9: {  	s6 =	sshll.u32 s28, $0x1;
	[dreg:$0x2] =	wrdreg s4  }
0xaa: {  	[dreg:$0x3] =	wrdreg s6  }
0xab: {  	[dreg:$0x4] =	wrdreg $0xC0  }
0xac: {  	_ =	task [dreg:s8], $0x5FFFF  }
0xad: {  	[dreg:$0x1] =	wrdreg $0xFFFFFFFF  }
0xae: {  	[dreg:$0x0] =	wrdreg $0x60  }
0xaf: {  	[dreg:$0x2] =	wrdreg s24  }
0xb0: {  	[dreg:$0x3] =	wrdreg s2  }
0xb1: {  	[dreg:$0x4] =	wrdreg s18  }
0xb2: {  	[dreg:$0x5] =	wrdreg $0x9  }
0xb3: {  	_ =	task.clear_ibuf [dreg:s8], $0x6FFFF;
	_ =	strace $0x90000046  }
0xb4: {  	s29 =	simm.s32 $0x9;
	_ =	strace $0x80000048  }
0xb5: {  	_ =	swait.ge [sflag:s29], $0x1  }
0xb6: {  	[sflag:s29] =	ssyncadd.s32 $0xFFFFFFFF  }
0xb7: {  	_ =	strace $0x90000048  }
0xb8: {  	_ =	sfence  }
0xb9: {  	s30 =	sld [smem:$0x0];
	_ =	sdelay $0x2  }
0xba: {  	s31 =	sshll.u32 s1, $0xD;
	s1 =	sshrl.u32 s1, $0x2  }
0xbb: {  	s3 =	sand.u32 $0x4000, s31;
	s1 =	sadd.s32 s1, s30  }
0xbc: {  	s0 =	sor.u32 s3, s0;
	s1 =	sshll.u32 s1, $0x11  }
0xbd: {  	s0 =	sor.u32 s1, s0  }
0xbe: {  	s0 =	sadd.s32 $0x8F2B, s0  }
0xbf: {  	[sflag:s0] =	ssyncadd.remote.s32 $0x1  }
0xc0: {  	_ =	sfence.sel $0xFFFF  }
0xc1: {  	[dreg:$0x0] =	wrdreg $0xFFFFFFFF;
	(pc) =	sbr.abs _section_cstart, $3  }
0xc2: {  	[dreg:$0x1] =	wrdreg $0xFFFFFFFF  }
0xc3: {  	_ =	task.clear_ibuf [dreg:s8], $0x2FFFF;
	_ =	strace $0x9FFFFFFF  }
0xc4: {  	(tm) =	ssettm $0x7FFFFFFF  }
0xc5: {  	_ =	shalt  }
tec
execute0_lowered:
.L_overlay_start_1:
0x0: {  	(tag) =	ssettag $0x1  }
0x1: {  	s3 =	rddreg [dreg:$0x0];
	v32 =	vlaneseq.u32  }
0x2: {  	s4 =	rddreg [dreg:$0x1];
	v0 =	vmul.u32 $0x10, v32  }
0x3: {  	s5 =	rddreg [dreg:$0x2]  }
0x4: {  	s0 =	rddreg [dreg:$0x3];
	s1 =	simm.s32 $0x0;
	v32 =	vmul.u32 $0x100, v32;
	v1 =	vor.u32 $0x100, v0  }
0x5: {  	s6 =	srdreg.scid;
	s2 =	stileid.u32;
	s10 =	simm.s32 $0x4220;
	v2 =	vor.u32 $0x200, v0;
	v3 =	vor.u32 $0x300, v0;
	v4 =	vor.u32 $0x400, v0  }
0x6: {  	s11 =	simm.s32 $0x2A0;
	s12 =	simm.s32 $0x4A20;
	s13 =	simm.s32 $0x320;
	v5 =	vor.u32 $0x500, v0;
	v6 =	vor.u32 $0x600, v0;
	v7 =	vor.u32 $0x700, v0  }
0x7: {  	s14 =	simm.s32 $0x5220;
	s15 =	simm.s32 $0x3A0;
	s16 =	simm.s32 $0x5A20;
	v8 =	vor.u32 $0x800, v0;
	v9 =	vor.u32 $0x900, v0;
	v10 =	vor.u32 $0xA00, v0  }
0x8: {  	s17 =	simm.s32 $0x1;
	s18 =	simm.s32 $0x2;
	s19 =	simm.s32 $0x6220;
	v11 =	vor.u32 $0xB00, v0;
	v12 =	vor.u32 $0xC00, v0;
	v13 =	vor.u32 $0xD00, v0  }
0x9: {  	s20 =	simm.s32 $0x0;
	[smem:$0x7FF] =	sst s1;
	s6 =	sand.u32 $0x1, s6;
	v14 =	vor.u32 $0xE00, v0;
	v15 =	vor.u32 $0xF00, v0;
	v16 =	vor.u32 $0x1000, v0  }
0xa: {  	s7 =	sshll.u32 s2, $0x1;
	s3 =	sadd.s32 $0xA00, s3;
	s8 =	ssub.s32 $0x2, s6;
	v17 =	vor.u32 $0x1100, v0;
	v18 =	vor.u32 $0x1200, v0;
	v19 =	vor.u32 $0x1300, v0  }
0xb: {  	_ =	strace $0x80000047;
	s6 =	sor.u32 s6, s7;
	s31 =	sshrl.u32 s8, $0x1;
	v20 =	vor.u32 $0x1400, v0;
	v21 =	vor.u32 $0x1500, v0;
	v22 =	vor.u32 $0x1600, v0  }
0xc: {  	s9 =	sshll.u32 s6, $0x2;
	s6 =	sshll.u32 s6, $0xA;
	v23 =	vor.u32 $0x1700, v0;
	v24 =	vor.u32 $0x1800, v0;
	v25 =	vor.u32 $0x1900, v0;
	s7 =	ssub.s32 s8, s31  }
0xd: {  	v26 =	vor.u32 $0x1A00, v0;
	v27 =	vor.u32 $0x1B00, v0;
	v28 =	vor.u32 $0x1C00, v0;
	s4 =	sadd.s32 s4, s9;
	s5 =	sadd.s32 s5, s6;
	s8 =	simm.s32 $0x80  }
0xe: {  	v29 =	vor.u32 $0x1D00, v0;
	v30 =	vor.u32 $0x1E00, v0;
	v31 =	vor.u32 $0x1F00, v0;
	s9 =	simm.s32 $0x220;
	s6 =	smax.u32 s7, $0x1;
	s7 =	simm.s32 $0x3  }
.LBB2_1:
0xf: {  	[tilespmem:s1], [sflag:$0x3] =	stream.linear.gather [hbm4b:s4+s1], $0x20, $0x38;
	[tilespmem:$0x8220] =	vst v63  }
0x10: {  	_ =	swait.ge [sflag:s7], $0x20  }
0x11: {  	[sflag:s7] =	ssyncset.done $0x0  }
0x12: {  	[sflag:s7] =	ssyncadd.s32 $0xFFFFFFE0  }
0x13: {  	v33 =	vld [tilespmem:$0x0];
	_ =	sdelay $0x4  }
0x14: {  	v34 =	vshra.s32 v33, $0x4  }
0x15: {  	v50 =	vand.u32 $0xF, v33;
	[tilespmem:$0x220] =	vst v34  }
0x16: {  	[tilespmem:$0x2220] =	vst v50  }
0x17: {  	[tilespmem:$0x2230] =	vst v50  }
0x18: {  	[tilespmem:$0x2240] =	vst v50  }
0x19: {  	[tilespmem:$0x2250] =	vst v50  }
0x1a: {  	[tilespmem:$0x2260] =	vst v50  }
0x1b: {  	[tilespmem:$0x2270] =	vst v50  }
0x1c: {  	[tilespmem:$0x2280] =	vst v50  }
0x1d: {  	[tilespmem:$0x2290] =	vst v50  }
0x1e: {  	[tilespmem:$0x22A0] =	vst v50  }
0x1f: {  	[tilespmem:$0x22B0] =	vst v50  }
0x20: {  	v36 =	vld [tilespmem:$0x10];
	[tilespmem:$0x22C0] =	vst v50  }
0x21: {  	[tilespmem:$0x22D0] =	vst v50  }
0x22: {  	[tilespmem:$0x22E0] =	vst v50  }
0x23: {  	[tilespmem:$0x22F0] =	vst v50  }
0x24: {  	[tilespmem:$0x2300] =	vst v50  }
0x25: {  	v40 =	vshra.s32 v36, $0x4;
	[tilespmem:$0x2310] =	vst v50  }
0x26: {  	v41 =	vand.u32 $0xF, v36;
	[tilespmem:$0x320] =	vst v40  }
0x27: {  	[tilespmem:$0x2320] =	vst v41  }
0x28: {  	[tilespmem:$0x2330] =	vst v41  }
0x29: {  	[tilespmem:$0x2340] =	vst v41  }
0x2a: {  	[tilespmem:$0x2350] =	vst v41  }
0x2b: {  	[tilespmem:$0x2360] =	vst v41  }
0x2c: {  	[tilespmem:$0x2370] =	vst v41  }
0x2d: {  	[tilespmem:$0x2380] =	vst v41  }
0x2e: {  	[tilespmem:$0x2390] =	vst v41  }
0x2f: {  	[tilespmem:$0x23A0] =	vst v41  }
0x30: {  	[tilespmem:$0x23B0] =	vst v41  }
0x31: {  	v35 =	vadd.s32 $0x186A0, v33;
	[tilespmem:$0x23C0] =	vst v41  }
0x32: {  	v51 =	vadd.s32 $0x30D40, v33;
	v52 =	vadd.s32 $0x493E0, v33;
	v53 =	vadd.s32 $0x61A80, v33;
	[tilespmem:$0x23D0] =	vst v41  }
0x33: {  	v54 =	vadd.s32 $0x7A120, v33;
	v55 =	vadd.s32 $0x927C0, v33;
	v56 =	vadd.s32 $0xAAE60, v33;
	[tilespmem:$0x23E0] =	vst v41  }
0x34: {  	v57 =	vadd.s32 $0xC3500, v33;
	v58 =	vadd.s32 $0xDBBA0, v33;
	v60 =	vadd.s32 $0x10C8E0, v33;
	[tilespmem:$0x23F0] =	vst v41  }
0x35: {  	v59 =	vadd.s32 $0xF4240, v33;
	v61 =	vadd.s32 $0x124F80, v33;
	v62 =	vadd.s32 $0x13D620, v33;
	[tilespmem:$0x2400] =	vst v41  }
0x36: {  	v63 =	vadd.s32 $0x155CC0, v33;
	v33 =	vadd.s32 $0x16E360, v33;
	v35 =	vshra.s32 v35, $0x4;
	[tilespmem:$0x2410] =	vst v41  }
0x37: {  	v42 =	vadd.s32 $0x186A0, v36;
	v33 =	vshra.s32 v33, $0x4;
	[tilespmem:$0x230] =	vst v35  }
0x38: {  	v34 =	vshra.s32 v42, $0x4;
	[tilespmem:$0x310] =	vst v33  }
0x39: {  	v43 =	vadd.s32 $0x30D40, v36;
	v35 =	vshra.s32 v51, $0x4;
	[tilespmem:$0x330] =	vst v34  }
0x3a: {  	v34 =	vshra.s32 v43, $0x4;
	[tilespmem:$0x240] =	vst v35  }
0x3b: {  	v44 =	vadd.s32 $0x493E0, v36;
	v35 =	vshra.s32 v52, $0x4;
	[tilespmem:$0x340] =	vst v34  }
0x3c: {  	v34 =	vshra.s32 v44, $0x4;
	[tilespmem:$0x250] =	vst v35  }
0x3d: {  	v45 =	vadd.s32 $0x61A80, v36;
	v35 =	vshra.s32 v53, $0x4;
	[tilespmem:$0x350] =	vst v34  }
0x3e: {  	v34 =	vshra.s32 v45, $0x4;
	[tilespmem:$0x260] =	vst v35  }
0x3f: {  	v46 =	vadd.s32 $0x7A120, v36;
	v35 =	vshra.s32 v54, $0x4;
	[tilespmem:$0x360] =	vst v34  }
0x40: {  	v34 =	vshra.s32 v46, $0x4;
	[tilespmem:$0x270] =	vst v35  }
0x41: {  	v47 =	vadd.s32 $0x927C0, v36;
	v35 =	vshra.s32 v55, $0x4;
	[tilespmem:$0x370] =	vst v34  }
0x42: {  	v34 =	vshra.s32 v47, $0x4;
	[tilespmem:$0x280] =	vst v35  }
0x43: {  	v48 =	vadd.s32 $0xAAE60, v36;
	v35 =	vshra.s32 v56, $0x4;
	[tilespmem:$0x380] =	vst v34  }
0x44: {  	v34 =	vshra.s32 v48, $0x4;
	[tilespmem:$0x290] =	vst v35  }
0x45: {  	v49 =	vadd.s32 $0xC3500, v36;
	v35 =	vshra.s32 v57, $0x4;
	[tilespmem:$0x390] =	vst v34  }
0x46: {  	v34 =	vshra.s32 v49, $0x4;
	[tilespmem:$0x2A0] =	vst v35  }
0x47: {  	v50 =	vadd.s32 $0xDBBA0, v36;
	v35 =	vshra.s32 v58, $0x4;
	[tilespmem:$0x3A0] =	vst v34  }
0x48: {  	v34 =	vshra.s32 v50, $0x4;
	[tilespmem:$0x2B0] =	vst v35  }
0x49: {  	v51 =	vadd.s32 $0xF4240, v36;
	v35 =	vshra.s32 v59, $0x4;
	[tilespmem:$0x3B0] =	vst v34  }
0x4a: {  	v34 =	vshra.s32 v51, $0x4;
	[tilespmem:$0x2C0] =	vst v35  }
0x4b: {  	v52 =	vadd.s32 $0x10C8E0, v36;
	v35 =	vshra.s32 v60, $0x4;
	[tilespmem:$0x3C0] =	vst v34  }
0x4c: {  	v34 =	vshra.s32 v52, $0x4;
	[tilespmem:$0x2D0] =	vst v35  }
0x4d: {  	v53 =	vadd.s32 $0x124F80, v36;
	v35 =	vshra.s32 v61, $0x4;
	[tilespmem:$0x3D0] =	vst v34  }
0x4e: {  	v34 =	vshra.s32 v53, $0x4;
	[tilespmem:$0x2E0] =	vst v35  }
0x4f: {  	v54 =	vadd.s32 $0x13D620, v36;
	v35 =	vshra.s32 v62, $0x4;
	[tilespmem:$0x3E0] =	vst v34  }
0x50: {  	v34 =	vshra.s32 v54, $0x4;
	[tilespmem:$0x2F0] =	vst v35  }
0x51: {  	v55 =	vadd.s32 $0x155CC0, v36;
	v35 =	vshra.s32 v63, $0x4;
	[tilespmem:$0x3F0] =	vst v34  }
0x52: {  	v56 =	vadd.s32 $0x16E360, v36;
	v34 =	vshra.s32 v55, $0x4;
	[tilespmem:$0x300] =	vst v35  }
0x53: {  	[tilespmem:$0x400] =	vst v34;
	v34 =	vshra.s32 v56, $0x4  }
0x54: {  	[tilespmem:$0x410] =	vst v34  }
0x55: {  	[tilespmem:s10], [sflag:$0x1] =	stream.indirect.gather [hbm4b:s3+s8], $0x10, s9, s8, $0xb8;
	[tilespmem:$0x8220] =	vst v63  }
0x56: {  	_ = 	snop  }
0x57: {  	[tilespmem:s12], [sflag:$0x1] =	stream.indirect.gather [hbm4b:s3+s8], $0x10, s11, s8, $0xb8;
	[tilespmem:$0x8220] =	vst v63  }
0x58: {  	_ = 	snop  }
0x59: {  	[tilespmem:s14], [sflag:$0x1] =	stream.indirect.gather [hbm4b:s3+s8], $0x10, s13, s8, $0xb8;
	[tilespmem:$0x8220] =	vst v63  }
0x5a: {  	_ = 	snop  }
0x5b: {  	[tilespmem:s16], [sflag:$0x1] =	stream.indirect.gather [hbm4b:s3+s8], $0x10, s15, s8, $0xb8;
	[tilespmem:$0x8220] =	vst v63  }
0x5c: {  	_ =	swait.ge [sflag:s17], $0x800  }
0x5d: {  	[sflag:s17] =	ssyncset.done $0x0  }
0x5e: {  	[sflag:s17] =	ssyncadd.s32 $0xFFFFF800  }
0x5f: {  	_ =	swait.ge [sflag:s17], $0x800  }
0x60: {  	[sflag:s17] =	ssyncset.done $0x0  }
0x61: {  	[sflag:s17] =	ssyncadd.s32 $0xFFFFF800  }
0x62: {  	_ =	swait.ge [sflag:s17], $0x800  }
0x63: {  	[sflag:s17] =	ssyncset.done $0x0  }
0x64: {  	[sflag:s17] =	ssyncadd.s32 $0xFFFFF800  }
0x65: {  	_ =	swait.ge [sflag:s17], $0x800  }
0x66: {  	[sflag:s17] =	ssyncset.done $0x0  }
0x67: {  	[sflag:s17] =	ssyncadd.s32 $0xFFFFF800  }
0x68: {  	v57 =	vld [tilespmem:$0x2220];
	_ =	sdelay $0x4  }
0x69: {  	v33 =	vadd.s32 v0, v57  }
0x6a: {  	v58 =	vld [tilespmem:$0x2230];
	_ =	sdelay $0x3  }
0x6b: {  	v33 =	vld.idx.msk [tilespmem:v33+s10+$0x0], $0xffff  }
0x6c: {  	v34 =	vadd.s32 v1, v58  }
0x6d: {  	v59 =	vld [tilespmem:$0x2240];
	_ =	sdelay $0x2  }
0x6e: {  	[tilespmem:$0x20] =	vst v33  }
0x6f: {  	v33 =	vld.idx.msk [tilespmem:v34+s10+$0x0], $0xffff  }
0x70: {  	v60 =	vadd.s32 v2, v59  }
0x71: {  	v61 =	vld [tilespmem:$0x2250];
	_ =	sdelay $0x2  }
0x72: {  	[tilespmem:$0x30] =	vst v33  }
0x73: {  	v33 =	vld.idx.msk [tilespmem:v60+s10+$0x0], $0xffff  }
0x74: {  	v62 =	vadd.s32 v3, v61  }
0x75: {  	v63 =	vld [tilespmem:$0x2260];
	_ =	sdelay $0x2  }
0x76: {  	[tilespmem:$0x40] =	vst v33  }
0x77: {  	v33 =	vld.idx.msk [tilespmem:v62+s10+$0x0], $0xffff  }
0x78: {  	v36 =	vadd.s32 v4, v63  }
0x79: {  	v37 =	vld [tilespmem:$0x2270];
	_ =	sdelay $0x2  }
0x7a: {  	[tilespmem:$0x50] =	vst v33  }
0x7b: {  	v33 =	vld.idx.msk [tilespmem:v36+s10+$0x0], $0xffff  }
0x7c: {  	v38 =	vadd.s32 v5, v37  }
0x7d: {  	v39 =	vld [tilespmem:$0x2280];
	_ =	sdelay $0x2  }
0x7e: {  	[tilespmem:$0x60] =	vst v33  }
0x7f: {  	v33 =	vld.idx.msk [tilespmem:v38+s10+$0x0], $0xffff  }
0x80: {  	v40 =	vadd.s32 v6, v39  }
0x81: {  	v41 =	vld [tilespmem:$0x2290];
	_ =	sdelay $0x2  }
0x82: {  	[tilespmem:$0x70] =	vst v33  }
0x83: {  	v33 =	vld.idx.msk [tilespmem:v40+s10+$0x0], $0xffff  }
0x84: {  	v42 =	vadd.s32 v7, v41  }
0x85: {  	v43 =	vld [tilespmem:$0x22A0];
	_ =	sdelay $0x2  }
0x86: {  	[tilespmem:$0x80] =	vst v33  }
0x87: {  	v33 =	vld.idx.msk [tilespmem:v42+s10+$0x0], $0xffff  }
0x88: {  	v44 =	vadd.s32 v8, v43  }
0x89: {  	v45 =	vld [tilespmem:$0x22B0];
	_ =	sdelay $0x2  }
0x8a: {  	[tilespmem:$0x90] =	vst v33  }
0x8b: {  	v33 =	vld.idx.msk [tilespmem:v44+s10+$0x0], $0xffff  }
0x8c: {  	v46 =	vadd.s32 v9, v45  }
0x8d: {  	v47 =	vld [tilespmem:$0x22C0];
	_ =	sdelay $0x2  }
0x8e: {  	[tilespmem:$0xA0] =	vst v33  }
0x8f: {  	v33 =	vld.idx.msk [tilespmem:v46+s10+$0x0], $0xffff  }
0x90: {  	v48 =	vadd.s32 v10, v47  }
0x91: {  	v49 =	vld [tilespmem:$0x22D0];
	_ =	sdelay $0x2  }
0x92: {  	[tilespmem:$0xB0] =	vst v33  }
0x93: {  	v33 =	vld.idx.msk [tilespmem:v48+s10+$0x0], $0xffff  }
0x94: {  	v50 =	vadd.s32 v11, v49  }
0x95: {  	v51 =	vld [tilespmem:$0x22E0];
	_ =	sdelay $0x2  }
0x96: {  	[tilespmem:$0xC0] =	vst v33  }
0x97: {  	v33 =	vld.idx.msk [tilespmem:v50+s10+$0x0], $0xffff  }
0x98: {  	v52 =	vadd.s32 v12, v51  }
0x99: {  	v53 =	vld [tilespmem:$0x22F0];
	_ =	sdelay $0x2  }
0x9a: {  	[tilespmem:$0xD0] =	vst v33  }
0x9b: {  	v33 =	vld.idx.msk [tilespmem:v52+s10+$0x0], $0xffff  }
0x9c: {  	v54 =	vadd.s32 v13, v53  }
0x9d: {  	v55 =	vld [tilespmem:$0x2300];
	_ =	sdelay $0x2  }
0x9e: {  	[tilespmem:$0xE0] =	vst v33  }
0x9f: {  	v33 =	vld.idx.msk [tilespmem:v54+s10+$0x0], $0xffff  }
0xa0: {  	v56 =	vadd.s32 v14, v55  }
0xa1: {  	v57 =	vld [tilespmem:$0x2310];
	_ =	sdelay $0x2  }
0xa2: {  	[tilespmem:$0xF0] =	vst v33  }
0xa3: {  	v33 =	vld.idx.msk [tilespmem:v56+s10+$0x0], $0xffff  }
0xa4: {  	v58 =	vadd.s32 v15, v57  }
0xa5: {  	v59 =	vld [tilespmem:$0x2320];
	_ =	sdelay $0x2  }
0xa6: {  	[tilespmem:$0x100] =	vst v33  }
0xa7: {  	v33 =	vld.idx.msk [tilespmem:v58+s10+$0x0], $0xffff  }
0xa8: {  	v60 =	vadd.s32 v16, v59  }
0xa9: {  	v61 =	vld [tilespmem:$0x2330];
	_ =	sdelay $0x2  }
0xaa: {  	[tilespmem:$0x110] =	vst v33  }
0xab: {  	v33 =	vld.idx.msk [tilespmem:v60+s10+$0x0], $0xffff  }
0xac: {  	v62 =	vadd.s32 v17, v61  }
0xad: {  	v63 =	vld [tilespmem:$0x2340];
	_ =	sdelay $0x2  }
0xae: {  	[tilespmem:$0x120] =	vst v33  }
0xaf: {  	v33 =	vld.idx.msk [tilespmem:v62+s10+$0x0], $0xffff  }
0xb0: {  	v36 =	vadd.s32 v18, v63  }
0xb1: {  	v37 =	vld [tilespmem:$0x2350];
	_ =	sdelay $0x2  }
0xb2: {  	[tilespmem:$0x130] =	vst v33  }
0xb3: {  	v33 =	vld.idx.msk [tilespmem:v36+s10+$0x0], $0xffff  }
0xb4: {  	v38 =	vadd.s32 v19, v37  }
0xb5: {  	v39 =	vld [tilespmem:$0x2360];
	_ =	sdelay $0x2  }
0xb6: {  	[tilespmem:$0x140] =	vst v33  }
0xb7: {  	v33 =	vld.idx.msk [tilespmem:v38+s10+$0x0], $0xffff  }
0xb8: {  	v40 =	vadd.s32 v20, v39  }
0xb9: {  	v41 =	vld [tilespmem:$0x2370];
	_ =	sdelay $0x2  }
0xba: {  	[tilespmem:$0x150] =	vst v33  }
0xbb: {  	v33 =	vld.idx.msk [tilespmem:v40+s10+$0x0], $0xffff  }
0xbc: {  	v42 =	vadd.s32 v21, v41  }
0xbd: {  	v43 =	vld [tilespmem:$0x2380];
	_ =	sdelay $0x2  }
0xbe: {  	[tilespmem:$0x160] =	vst v33  }
0xbf: {  	v33 =	vld.idx.msk [tilespmem:v42+s10+$0x0], $0xffff  }
0xc0: {  	v44 =	vadd.s32 v22, v43  }
0xc1: {  	v45 =	vld [tilespmem:$0x2390];
	_ =	sdelay $0x2  }
0xc2: {  	[tilespmem:$0x170] =	vst v33  }
0xc3: {  	v33 =	vld.idx.msk [tilespmem:v44+s10+$0x0], $0xffff  }
0xc4: {  	v46 =	vadd.s32 v23, v45  }
0xc5: {  	v47 =	vld [tilespmem:$0x23A0];
	_ =	sdelay $0x2  }
0xc6: {  	[tilespmem:$0x180] =	vst v33  }
0xc7: {  	v33 =	vld.idx.msk [tilespmem:v46+s10+$0x0], $0xffff  }
0xc8: {  	v48 =	vadd.s32 v24, v47  }
0xc9: {  	v49 =	vld [tilespmem:$0x23B0];
	_ =	sdelay $0x2  }
0xca: {  	[tilespmem:$0x190] =	vst v33  }
0xcb: {  	v33 =	vld.idx.msk [tilespmem:v48+s10+$0x0], $0xffff  }
0xcc: {  	v50 =	vadd.s32 v25, v49  }
0xcd: {  	v51 =	vld [tilespmem:$0x23C0];
	_ =	sdelay $0x2  }
0xce: {  	[tilespmem:$0x1A0] =	vst v33  }
0xcf: {  	v33 =	vld.idx.msk [tilespmem:v50+s10+$0x0], $0xffff  }
0xd0: {  	v52 =	vadd.s32 v26, v51  }
0xd1: {  	v53 =	vld [tilespmem:$0x23D0];
	_ =	sdelay $0x2  }
0xd2: {  	[tilespmem:$0x1B0] =	vst v33  }
0xd3: {  	v33 =	vld.idx.msk [tilespmem:v52+s10+$0x0], $0xffff  }
0xd4: {  	v54 =	vadd.s32 v27, v53  }
0xd5: {  	v55 =	vld [tilespmem:$0x23E0];
	_ =	sdelay $0x2  }
0xd6: {  	[tilespmem:$0x1C0] =	vst v33  }
0xd7: {  	v33 =	vld.idx.msk [tilespmem:v54+s10+$0x0], $0xffff  }
0xd8: {  	v56 =	vadd.s32 v28, v55  }
0xd9: {  	v57 =	vld [tilespmem:$0x23F0];
	_ =	sdelay $0x2  }
0xda: {  	[tilespmem:$0x1D0] =	vst v33  }
0xdb: {  	v33 =	vld.idx.msk [tilespmem:v56+s10+$0x0], $0xffff  }
0xdc: {  	v58 =	vadd.s32 v29, v57  }
0xdd: {  	v59 =	vld [tilespmem:$0x2400];
	_ =	sdelay $0x2  }
0xde: {  	[tilespmem:$0x1E0] =	vst v33  }
0xdf: {  	v33 =	vld.idx.msk [tilespmem:v58+s10+$0x0], $0xffff  }
0xe0: {  	v60 =	vadd.s32 v30, v59  }
0xe1: {  	v61 =	vld [tilespmem:$0x2410];
	_ =	sdelay $0x2  }
0xe2: {  	[tilespmem:$0x1F0] =	vst v33  }
0xe3: {  	v33 =	vld.idx.msk [tilespmem:v60+s10+$0x0], $0xffff  }
0xe4: {  	v62 =	vadd.s32 v31, v61;
	_ =	sdelay $0x3  }
0xe5: {  	[tilespmem:$0x200] =	vst v33  }
0xe6: {  	v33 =	vld.idx.msk [tilespmem:v62+s10+$0x0], $0xffff;
	_ =	sdelay $0x4  }
0xe7: {  	s22 =	simm.s32 $0x20;
	[tilespmem:$0x210] =	vst v33  }
0xe8: {  	v33 =	vld [tilespmem:s22+$0x0];
	_ =	sdelay $0x4  }
0xe9: {  	s21 =	simm.s32 $0x0;
	v35 =	vand.u32 $0xF, v33;
	v63 =	vadd.s32 $0x186A0, v33;
	v37 =	vadd.s32 $0x30D40, v33  }
0xea: {  	s23 =	simm.s32 $0x400;
	v34 =	vshra.s32 v33, $0x4;
	v38 =	vadd.s32 $0x61A80, v33;
	[tilespmem:s21+$0x2220] =	vst v35;
	v36 =	vshra.s32 v63, $0x4  }
.LBB2_2:
0xeb: {  	p0 =	sne.s32 s23, $0x7C00  }
0xec: {  	v37 =	vshra.s32 v37, $0x4;
	v38 =	vshra.s32 v38, $0x4;
	v39 =	vadd.s32 $0x16E360, v33;
	[tilespmem:s21+$0x2310] =	vst v35;
	s22 =	sadd.s32 $0x10, s22;
	s24 =	smov.u32 s23;
	s23 =	sadd.s32 $0x400, s23  }
0xed: {  	v40 =	vadd.s32 $0x493E0, v33;
	v41 =	vadd.s32 $0x7A120, v33;
	v42 =	vadd.s32 $0x13D620, v33;
	[tilespmem:s21+$0x2300] =	vst v35  }
0xee: {  	[tilespmem:s21+$0x240] =	vst v37;
	v37 =	vshra.s32 v40, $0x4;
	v40 =	vshra.s32 v41, $0x4;
	v41 =	vadd.s32 $0xAAE60, v33  }
0xef: {  	v43 =	vadd.s32 $0x927C0, v33;
	v44 =	vadd.s32 $0x10C8E0, v33;
	v39 =	vshra.s32 v39, $0x4;
	[tilespmem:s21+$0x22F0] =	vst v35  }
0xf0: {  	v45 =	vadd.s32 $0x124F80, v33;
	[tilespmem:s21+$0x260] =	vst v38;
	v38 =	vshra.s32 v43, $0x4;
	v43 =	vadd.s32 $0xC3500, v33  }
0xf1: {  	v46 =	vadd.s32 $0x155CC0, v33;
	v42 =	vshra.s32 v42, $0x4;
	v43 =	vshra.s32 v43, $0x4;
	[tilespmem:s21+$0x22E0] =	vst v35  }
0xf2: {  	v47 =	vadd.s32 $0xDBBA0, v33;
	v45 =	vshra.s32 v45, $0x4;
	v33 =	vadd.s32 $0xF4240, v33;
	[tilespmem:s21+$0x22D0] =	vst v35  }
0xf3: {  	v44 =	vshra.s32 v44, $0x4;
	v46 =	vshra.s32 v46, $0x4;
	v33 =	vshra.s32 v33, $0x4;
	[tilespmem:s21+$0x22C0] =	vst v35  }
0xf4: {  	v41 =	vshra.s32 v41, $0x4;
	[tilespmem:s21+$0x22B0] =	vst v35  }
0xf5: {  	[tilespmem:s21+$0x22A0] =	vst v35  }
0xf6: {  	[tilespmem:s21+$0x2290] =	vst v35  }
0xf7: {  	[tilespmem:s21+$0x2280] =	vst v35  }
0xf8: {  	v47 =	vshra.s32 v47, $0x4;
	[tilespmem:s21+$0x2270] =	vst v35  }
0xf9: {  	[tilespmem:s21+$0x2260] =	vst v35  }
0xfa: {  	[tilespmem:s21+$0x2250] =	vst v35  }
0xfb: {  	[tilespmem:s21+$0x2240] =	vst v35  }
0xfc: {  	[tilespmem:s21+$0x2230] =	vst v35  }
0xfd: {  	[tilespmem:s21+$0x230] =	vst v36  }
0xfe: {  	[tilespmem:s21+$0x220] =	vst v34  }
0xff: {  	[tilespmem:s21+$0x270] =	vst v40  }
0x100: {  	[tilespmem:s21+$0x2E0] =	vst v45  }
0x101: {  	[tilespmem:s21+$0x2F0] =	vst v42  }
0x102: {  	[tilespmem:s21+$0x250] =	vst v37  }
0x103: {  	[tilespmem:s21+$0x300] =	vst v46  }
0x104: {  	[tilespmem:s21+$0x290] =	vst v41  }
0x105: {  	[tilespmem:s21+$0x310] =	vst v39  }
0x106: {  	[tilespmem:s21+$0x2D0] =	vst v44  }
0x107: {  	[tilespmem:s21+$0x2C0] =	vst v33  }
0x108: {  	[tilespmem:s21+$0x2A0] =	vst v43  }
0x109: {  	[tilespmem:s21+$0x280] =	vst v38  }
0x10a: {  	[tilespmem:s21+$0x2B0] =	vst v47  }
0x10b: {  	v33 =	vld [tilespmem:s22+$0x0];
	_ =	sdelay $0x1  }
.Ltmp0:
0x10c: {  	(pc) =	sbr.rel @p0 .LBB2_2-.Ltmp0, $3  }
0x10d: {  	_ =	sdelay $0x1  }
0x10e: {  	s21 =	sshra.s32 s24, $0x2;
	v35 =	vand.u32 $0xF, v33;
	v36 =	vadd.s32 $0x186A0, v33;
	v37 =	vadd.s32 $0x30D40, v33  }
0x10f: {  	v34 =	vshra.s32 v33, $0x4;
	v38 =	vadd.s32 $0x61A80, v33;
	[tilespmem:s21+$0x2220] =	vst v35;
	v36 =	vshra.s32 v36, $0x4  }
0x110: {  	[tilespmem:s21+$0x2310] =	vst v35  }
0x111: {  	[tilespmem:s21+$0x2300] =	vst v35  }
0x112: {  	[tilespmem:s21+$0x22F0] =	vst v35  }
0x113: {  	[tilespmem:s21+$0x22E0] =	vst v35  }
0x114: {  	[tilespmem:s21+$0x22D0] =	vst v35  }
0x115: {  	[tilespmem:s21+$0x22C0] =	vst v35  }
0x116: {  	[tilespmem:s21+$0x22B0] =	vst v35  }
0x117: {  	[tilespmem:s21+$0x22A0] =	vst v35  }
0x118: {  	[tilespmem:s21+$0x2290] =	vst v35  }
0x119: {  	[tilespmem:s21+$0x2280] =	vst v35  }
0x11a: {  	[tilespmem:s21+$0x2270] =	vst v35  }
0x11b: {  	[tilespmem:s21+$0x2260] =	vst v35  }
0x11c: {  	[tilespmem:s21+$0x2250] =	vst v35  }
0x11d: {  	[tilespmem:s21+$0x2240] =	vst v35  }
0x11e: {  	[tilespmem:s21+$0x2230] =	vst v35  }
0x11f: {  	[tilespmem:s21+$0x230] =	vst v36  }
0x120: {  	v37 =	vshra.s32 v37, $0x4;
	[tilespmem:s21+$0x220] =	vst v34  }
0x121: {  	v50 =	vshra.s32 v38, $0x4;
	v51 =	vadd.s32 $0x7A120, v33;
	v52 =	vadd.s32 $0x124F80, v33;
	[tilespmem:s21+$0x240] =	vst v37  }
0x122: {  	v53 =	vadd.s32 $0x13D620, v33;
	v54 =	vadd.s32 $0x493E0, v33;
	[tilespmem:s21+$0x260] =	vst v50;
	v35 =	vshra.s32 v51, $0x4  }
0x123: {  	v55 =	vadd.s32 $0x155CC0, v33;
	v56 =	vadd.s32 $0xAAE60, v33;
	v36 =	vshra.s32 v52, $0x4;
	[tilespmem:s21+$0x270] =	vst v35  }
0x124: {  	v57 =	vadd.s32 $0x16E360, v33;
	v61 =	vadd.s32 $0x927C0, v33;
	v34 =	vshra.s32 v53, $0x4;
	[tilespmem:s21+$0x2E0] =	vst v36  }
0x125: {  	v58 =	vadd.s32 $0x10C8E0, v33;
	v63 =	vadd.s32 $0xDBBA0, v33;
	v62 =	vshra.s32 v61, $0x4;
	[tilespmem:s21+$0x2F0] =	vst v34  }
0x126: {  	v59 =	vadd.s32 $0xF4240, v33;
	v60 =	vadd.s32 $0xC3500, v33;
	v33 =	vshra.s32 v63, $0x4;
	[tilespmem:s21+$0x280] =	vst v62  }
0x127: {  	v35 =	vshra.s32 v54, $0x4;
	[tilespmem:s21+$0x2B0] =	vst v33  }
0x128: {  	v36 =	vshra.s32 v55, $0x4;
	[tilespmem:s21+$0x250] =	vst v35  }
0x129: {  	v34 =	vshra.s32 v56, $0x4;
	[tilespmem:s21+$0x300] =	vst v36  }
0x12a: {  	v35 =	vshra.s32 v57, $0x4;
	[tilespmem:s21+$0x290] =	vst v34  }
0x12b: {  	v36 =	vshra.s32 v58, $0x4;
	[tilespmem:s21+$0x310] =	vst v35  }
0x12c: {  	v34 =	vshra.s32 v59, $0x4;
	[tilespmem:s21+$0x2D0] =	vst v36  }
0x12d: {  	v35 =	vshra.s32 v60, $0x4;
	[tilespmem:s21+$0x2C0] =	vst v34  }
0x12e: {  	[tilespmem:s21+$0x2A0] =	vst v35  }
0x12f: {  	[tilespmem:s10], [sflag:$0x2] =	stream.indirect.gather [hbm4b:s3+s8], $0x10, s9, s8, $0xb8;
	[tilespmem:$0x8220] =	vst v63  }
0x130: {  	s22 =	simm.s32 $0x7  }
0x131: {  	[tilespmem:s12], [sflag:$0x2] =	stream.indirect.gather [hbm4b:s3+s8], $0x10, s11, s8, $0xb8;
	[tilespmem:$0x8220] =	vst v63  }
0x132: {  	s23 =	simm.s32 $0x420;
	s24 =	simm.s32 $0x2260;
	s25 =	simm.s32 $0x0  }
0x133: {  	[tilespmem:s14], [sflag:$0x2] =	stream.indirect.gather [hbm4b:s3+s8], $0x10, s13, s8, $0xb8;
	[tilespmem:$0x8220] =	vst v63  }
0x134: {  	s26 =	simm.s32 $0x0;
	s28 =	simm.s32 $0x0;
	s21 =	simm.s32 $0x0  }
0x135: {  	[tilespmem:s16], [sflag:$0x2] =	stream.indirect.gather [hbm4b:s3+s8], $0x10, s15, s8, $0xb8;
	[tilespmem:$0x8220] =	vst v63  }
.LBB2_4:
0x136: {  	_ =	swait.ge [sflag:s18], $0x800  }
0x137: {  	[sflag:s18] =	ssyncset.done $0x0  }
0x138: {  	[sflag:s18] =	ssyncadd.s32 $0xFFFFF800  }
0x139: {  	v33 =	vld [tilespmem:s24+$0xFFFFFFC0];
	_ =	sdelay $0x1  }
0x13a: {  	s29 =	sand.u32 $0x180, s25  }
0x13b: {  	v34 =	vmov s29  }
0x13c: {  	v34 =	vshll.u32 v34, $0x4  }
0x13d: {  	v34 =	vor.u32 v0, v34;
	v35 =	vand.u32 $0xFFFFFFF8, v33  }
0x13e: {  	v33 =	vand.u32 $0x7, v33;
	v34 =	vadd.s32 v34, v35  }
0x13f: {  	s30 =	sshrl.u32 s28, $0x1;
	v34 =	vor.u32 v33, v34  }
0x140: {  	s30 =	sand.u32 $0x10, s30  }
0x141: {  	v42 =	vmov s30  }
0x142: {  	s30 =	sadd.s32 $0xFFFFFFF9, s22;
	v33 =	vshll.u32 v42, $0x8  }
0x143: {  	s31 =	sand.u32 $0xF8, s30;
	v33 =	vor.u32 v32, v33  }
0x144: {  	v43 =	vor.u32 s31, v33;
	v34 =	vld.idx.msk [tilespmem:v34+s10+$0x0], $0xffff;
	_ =	sdelay $0x4  }
0x145: {  	[tilespmem:v43+s19+$0x0] =	vst.idx.msk $0xffff, v34  }
0x146: {  	v34 =	vld [tilespmem:s24+$0xFFFFFFD0];
	_ =	sdelay $0x1  }
0x147: {  	s31 =	sor.u32 $0x10, s29  }
0x148: {  	v44 =	vmov s31  }
0x149: {  	v35 =	vshll.u32 v44, $0x4  }
0x14a: {  	s31 =	sadd.s32 $0xFFFFFFFA, s22;
	v35 =	vor.u32 v0, v35;
	v36 =	vand.u32 $0xFFFFFFF8, v34  }
0x14b: {  	s30 =	sand.u32 $0xF0, s30;
	s31 =	sand.u32 $0x8, s31;
	v34 =	vand.u32 $0x7, v34;
	v35 =	vadd.s32 v35, v36  }
0x14c: {  	s31 =	sor.u32 s30, s31;
	v34 =	vor.u32 v34, v35  }
0x14d: {  	v45 =	vmov s31  }
0x14e: {  	v35 =	vor.u32 $0x1, v45  }
0x14f: {  	v35 =	vbroadcast v35, $0x0;
	_ =	sdelay $0x1  }
0x150: {  	v35 =	vor.u32 v33, v35;
	v34 =	vld.idx.msk [tilespmem:v34+s10+$0x0], $0xffff;
	_ =	sdelay $0x4  }
0x151: {  	[tilespmem:v35+s19+$0x0] =	vst.idx.msk $0xffff, v34  }
0x152: {  	v34 =	vld [tilespmem:s24+$0xFFFFFFE0];
	_ =	sdelay $0x1  }
0x153: {  	s31 =	sor.u32 $0x20, s29  }
0x154: {  	v46 =	vmov s31  }
0x155: {  	v35 =	vshll.u32 v46, $0x4  }
0x156: {  	s31 =	sadd.s32 $0xFFFFFFFB, s22;
	v35 =	vor.u32 v0, v35;
	v47 =	vand.u32 $0xFFFFFFF8, v34  }
0x157: {  	s31 =	sand.u32 $0x8, s31;
	v34 =	vand.u32 $0x7, v34;
	v35 =	vadd.s32 v35, v47  }
0x158: {  	s31 =	sor.u32 s30, s31;
	v34 =	vor.u32 v34, v35  }
0x159: {  	v48 =	vmov s31  }
0x15a: {  	v35 =	vor.u32 $0x2, v48  }
0x15b: {  	v35 =	vbroadcast v35, $0x0;
	_ =	sdelay $0x1  }
0x15c: {  	v35 =	vor.u32 v33, v35;
	v34 =	vld.idx.msk [tilespmem:v34+s10+$0x0], $0xffff;
	_ =	sdelay $0x4  }
0x15d: {  	[tilespmem:v35+s19+$0x0] =	vst.idx.msk $0xffff, v34  }
0x15e: {  	v34 =	vld [tilespmem:s24+$0xFFFFFFF0];
	_ =	sdelay $0x1  }
0x15f: {  	s31 =	sor.u32 $0x30, s29  }
0x160: {  	v49 =	vmov s31  }
0x161: {  	v35 =	vshll.u32 v49, $0x4  }
0x162: {  	s31 =	sadd.s32 $0xFFFFFFFC, s22;
	v35 =	vor.u32 v0, v35;
	v50 =	vand.u32 $0xFFFFFFF8, v34  }
0x163: {  	s31 =	sand.u32 $0x8, s31;
	v34 =	vand.u32 $0x7, v34;
	v35 =	vadd.s32 v35, v50  }
0x164: {  	s31 =	sor.u32 s30, s31;
	v34 =	vor.u32 v34, v35  }
0x165: {  	v51 =	vmov s31  }
0x166: {  	v35 =	vor.u32 $0x3, v51  }
0x167: {  	v35 =	vbroadcast v35, $0x0;
	_ =	sdelay $0x1  }
0x168: {  	v35 =	vor.u32 v33, v35;
	v34 =	vld.idx.msk [tilespmem:v34+s10+$0x0], $0xffff;
	_ =	sdelay $0x4  }
0x169: {  	[tilespmem:v35+s19+$0x0] =	vst.idx.msk $0xffff, v34  }
0x16a: {  	v34 =	vld [tilespmem:s24+$0x0];
	_ =	sdelay $0x1  }
0x16b: {  	s31 =	sor.u32 $0x40, s29  }
0x16c: {  	v52 =	vmov s31  }
0x16d: {  	v35 =	vshll.u32 v52, $0x4  }
0x16e: {  	s31 =	sadd.s32 $0xFFFFFFFD, s22;
	v35 =	vor.u32 v0, v35;
	v53 =	vand.u32 $0xFFFFFFF8, v34  }
0x16f: {  	s31 =	sand.u32 $0x8, s31;
	v34 =	vand.u32 $0x7, v34;
	v35 =	vadd.s32 v35, v53  }
0x170: {  	s31 =	sor.u32 s30, s31;
	v34 =	vor.u32 v34, v35  }
0x171: {  	v54 =	vmov s31  }
0x172: {  	v35 =	vor.u32 $0x4, v54  }
0x173: {  	v35 =	vbroadcast v35, $0x0;
	_ =	sdelay $0x1  }
0x174: {  	v35 =	vor.u32 v33, v35;
	v34 =	vld.idx.msk [tilespmem:v34+s10+$0x0], $0xffff;
	_ =	sdelay $0x4  }
0x175: {  	[tilespmem:v35+s19+$0x0] =	vst.idx.msk $0xffff, v34  }
0x176: {  	v34 =	vld [tilespmem:s24+$0x10];
	_ =	sdelay $0x1  }
0x177: {  	s31 =	sor.u32 $0x50, s29  }
0x178: {  	v55 =	vmov s31  }
0x179: {  	v35 =	vshll.u32 v55, $0x4  }
0x17a: {  	s31 =	sadd.s32 $0xFFFFFFFE, s22;
	v35 =	vor.u32 v0, v35;
	v56 =	vand.u32 $0xFFFFFFF8, v34  }
0x17b: {  	s31 =	sand.u32 $0x8, s31;
	v34 =	vand.u32 $0x7, v34;
	v35 =	vadd.s32 v35, v56  }
0x17c: {  	s31 =	sor.u32 s30, s31;
	v34 =	vor.u32 v34, v35  }
0x17d: {  	v57 =	vmov s31  }
0x17e: {  	v35 =	vor.u32 $0x5, v57  }
0x17f: {  	v35 =	vbroadcast v35, $0x0;
	_ =	sdelay $0x1  }
0x180: {  	v35 =	vor.u32 v33, v35;
	v34 =	vld.idx.msk [tilespmem:v34+s10+$0x0], $0xffff;
	_ =	sdelay $0x4  }
0x181: {  	[tilespmem:v35+s19+$0x0] =	vst.idx.msk $0xffff, v34  }
0x182: {  	v34 =	vld [tilespmem:s24+$0x20];
	_ =	sdelay $0x1  }
0x183: {  	s31 =	sor.u32 $0x60, s29  }
0x184: {  	v58 =	vmov s31  }
0x185: {  	v35 =	vshll.u32 v58, $0x4  }
0x186: {  	s31 =	sadd.s32 $0xFFFFFFFF, s22;
	v35 =	vor.u32 v0, v35;
	v59 =	vand.u32 $0xFFFFFFF8, v34  }
0x187: {  	s31 =	sand.u32 $0x8, s31;
	v34 =	vand.u32 $0x7, v34;
	v35 =	vadd.s32 v35, v59  }
0x188: {  	s31 =	sor.u32 s30, s31;
	v34 =	vor.u32 v34, v35  }
0x189: {  	v60 =	vmov s31  }
0x18a: {  	v35 =	vor.u32 $0x6, v60  }
0x18b: {  	v35 =	vbroadcast v35, $0x0;
	_ =	sdelay $0x1  }
0x18c: {  	v35 =	vor.u32 v33, v35;
	v34 =	vld.idx.msk [tilespmem:v34+s10+$0x0], $0xffff;
	_ =	sdelay $0x4  }
0x18d: {  	[tilespmem:v35+s19+$0x0] =	vst.idx.msk $0xffff, v34  }
0x18e: {  	v34 =	vld [tilespmem:s24+$0x30];
	_ =	sdelay $0x1  }
0x18f: {  	s29 =	sor.u32 $0x70, s29  }
0x190: {  	v61 =	vmov s29  }
0x191: {  	v35 =	vshll.u32 v61, $0x4  }
0x192: {  	v35 =	vor.u32 v0, v35;
	v62 =	vand.u32 $0xFFFFFFF8, v34  }
0x193: {  	s31 =	sand.u32 $0x8, s22;
	v34 =	vand.u32 $0x7, v34;
	v35 =	vadd.s32 v35, v62  }
0x194: {  	s29 =	sor.u32 s30, s31;
	v34 =	vor.u32 v34, v35  }
0x195: {  	v63 =	vmov s29  }
0x196: {  	v35 =	vor.u32 $0x7, v63  }
0x197: {  	v35 =	vbroadcast v35, $0x0;
	_ =	sdelay $0x1  }
0x198: {  	v33 =	vor.u32 v33, v35;
	v34 =	vld.idx.msk [tilespmem:v34+s10+$0x0], $0xffff;
	_ =	sdelay $0x1  }
0x199: {  	p0 =	sne.s32 s22, $0x1DF  }
.Ltmp1:
0x19a: {  	s31 =	sand.u32 $0x6000, s26;
	(pc) =	sbr.rel @p0 .LBB2_4-.Ltmp1, $4  }
0x19b: {  	s28 =	sadd.s32 $0x1, s28;
	s29 =	sshrl.u32 s31, $0x2  }
0x19c: {  	s25 =	sadd.s32 $0x80, s25;
	s22 =	sadd.s32 $0x8, s22;
	s29 =	sor.u32 $0x4220, s29;
	[tilespmem:v33+s19+$0x0] =	vst.idx.msk $0xffff, v34  }
0x19d: {  	[tilespmem:s29], [sflag:$0x2] =	stream.indirect.gather [hbm4b:s3+s8], $0x10, s23, s8, $0xb8;
	[tilespmem:$0x8220] =	vst v63  }
0x19e: {  	s26 =	sadd.s32 $0x2000, s26;
	s24 =	sadd.s32 $0x80, s24;
	s23 =	sadd.s32 $0x80, s23  }
0x19f: {  	s22 =	simm.s32 $0x3C;
	s23 =	simm.s32 $0x1E7;
	s24 =	simm.s32 $0x4090  }
.LBB2_6:
0x1a0: {  	_ =	swait.ge [sflag:s18], $0x800  }
0x1a1: {  	[sflag:s18] =	ssyncset.done $0x0  }
0x1a2: {  	[sflag:s18] =	ssyncadd.s32 $0xFFFFF800  }
0x1a3: {  	v33 =	vld [tilespmem:s24+$0xFFFFFF90];
	_ =	sdelay $0x2  }
0x1a4: {  	v34 =	vmov s21  }
0x1a5: {  	v34 =	vshll.u32 v34, $0x4  }
0x1a6: {  	v34 =	vor.u32 v0, v34;
	v35 =	vand.u32 $0xFFFFFFF8, v33  }
0x1a7: {  	v33 =	vand.u32 $0x7, v33;
	v34 =	vadd.s32 v34, v35  }
0x1a8: {  	s25 =	sshrl.u32 s22, $0x1;
	v34 =	vor.u32 v33, v34  }
0x1a9: {  	s25 =	sand.u32 $0x10, s25  }
0x1aa: {  	v42 =	vmov s25  }
0x1ab: {  	v33 =	vshll.u32 v42, $0x8  }
0x1ac: {  	s29 =	sadd.s32 $0xFFFFFEF9, s23;
	v33 =	vor.u32 v32, v33  }
0x1ad: {  	v43 =	vor.u32 s29, v33;
	v34 =	vld.idx.msk [tilespmem:v34+s10+$0x0], $0xffff;
	_ =	sdelay $0x4  }
0x1ae: {  	[tilespmem:v43+s19+$0x0] =	vst.idx.msk $0xffff, v34  }
0x1af: {  	v34 =	vld [tilespmem:s24+$0xFFFFFFA0];
	_ =	sdelay $0x1  }
0x1b0: {  	s30 =	sadd.s32 $0x10, s21  }
0x1b1: {  	v44 =	vmov s30  }
0x1b2: {  	v35 =	vshll.u32 v44, $0x4  }
0x1b3: {  	s31 =	sadd.s32 $0xFFFFFFF9, s23;
	s26 =	sadd.s32 $0xFFFFFFFA, s23;
	v35 =	vor.u32 v0, v35;
	v36 =	vand.u32 $0xFFFFFFF8, v34  }
0x1b4: {  	s26 =	sand.u32 $0x8, s26;
	s25 =	sand.u32 $0xF0, s31;
	v34 =	vand.u32 $0x7, v34;
	v35 =	vadd.s32 v35, v36  }
0x1b5: {  	s26 =	sor.u32 s25, s26;
	v34 =	vor.u32 v34, v35  }
0x1b6: {  	v45 =	vmov s26  }
0x1b7: {  	v35 =	vor.u32 $0x1, v45  }
0x1b8: {  	v35 =	vbroadcast v35, $0x0;
	_ =	sdelay $0x1  }
0x1b9: {  	v35 =	vor.u32 v33, v35;
	v34 =	vld.idx.msk [tilespmem:v34+s10+$0x0], $0xffff;
	_ =	sdelay $0x4  }
0x1ba: {  	[tilespmem:v35+s19+$0x0] =	vst.idx.msk $0xffff, v34  }
0x1bb: {  	v34 =	vld [tilespmem:s24+$0xFFFFFFB0];
	_ =	sdelay $0x1  }
0x1bc: {  	s28 =	sadd.s32 $0x20, s21  }
0x1bd: {  	v46 =	vmov s28  }
0x1be: {  	v35 =	vshll.u32 v46, $0x4  }
0x1bf: {  	s29 =	sadd.s32 $0xFFFFFFFB, s23;
	v35 =	vor.u32 v0, v35;
	v47 =	vand.u32 $0xFFFFFFF8, v34  }
0x1c0: {  	s26 =	sand.u32 $0x8, s29;
	v34 =	vand.u32 $0x7, v34;
	v35 =	vadd.s32 v35, v47  }
0x1c1: {  	s26 =	sor.u32 s25, s26;
	v34 =	vor.u32 v34, v35  }
0x1c2: {  	v48 =	vmov s26  }
0x1c3: {  	v35 =	vor.u32 $0x2, v48  }
0x1c4: {  	v35 =	vbroadcast v35, $0x0;
	_ =	sdelay $0x1  }
0x1c5: {  	v35 =	vor.u32 v33, v35;
	v34 =	vld.idx.msk [tilespmem:v34+s10+$0x0], $0xffff;
	_ =	sdelay $0x4  }
0x1c6: {  	[tilespmem:v35+s19+$0x0] =	vst.idx.msk $0xffff, v34  }
0x1c7: {  	v34 =	vld [tilespmem:s24+$0xFFFFFFC0];
	_ =	sdelay $0x1  }
0x1c8: {  	s30 =	sadd.s32 $0x30, s21  }
0x1c9: {  	v49 =	vmov s30  }
0x1ca: {  	v35 =	vshll.u32 v49, $0x4  }
0x1cb: {  	s31 =	sadd.s32 $0xFFFFFFFC, s23;
	v35 =	vor.u32 v0, v35;
	v50 =	vand.u32 $0xFFFFFFF8, v34  }
0x1cc: {  	s26 =	sand.u32 $0x8, s31;
	v34 =	vand.u32 $0x7, v34;
	v35 =	vadd.s32 v35, v50  }
0x1cd: {  	s26 =	sor.u32 s25, s26;
	v34 =	vor.u32 v34, v35  }
0x1ce: {  	v51 =	vmov s26  }
0x1cf: {  	v35 =	vor.u32 $0x3, v51  }
0x1d0: {  	v35 =	vbroadcast v35, $0x0;
	_ =	sdelay $0x1  }
0x1d1: {  	v35 =	vor.u32 v33, v35;
	v34 =	vld.idx.msk [tilespmem:v34+s10+$0x0], $0xffff;
	_ =	sdelay $0x4  }
0x1d2: {  	[tilespmem:v35+s19+$0x0] =	vst.idx.msk $0xffff, v34  }
0x1d3: {  	v34 =	vld [tilespmem:s24+$0xFFFFFFD0];
	_ =	sdelay $0x1  }
0x1d4: {  	s28 =	sadd.s32 $0x40, s21  }
0x1d5: {  	v52 =	vmov s28  }
0x1d6: {  	v35 =	vshll.u32 v52, $0x4  }
0x1d7: {  	s29 =	sadd.s32 $0xFFFFFFFD, s23;
	v35 =	vor.u32 v0, v35;
	v53 =	vand.u32 $0xFFFFFFF8, v34  }
0x1d8: {  	s26 =	sand.u32 $0x8, s29;
	v34 =	vand.u32 $0x7, v34;
	v35 =	vadd.s32 v35, v53  }
0x1d9: {  	s26 =	sor.u32 s25, s26;
	v34 =	vor.u32 v34, v35  }
0x1da: {  	v54 =	vmov s26  }
0x1db: {  	v35 =	vor.u32 $0x4, v54  }
0x1dc: {  	v35 =	vbroadcast v35, $0x0;
	_ =	sdelay $0x1  }
0x1dd: {  	v35 =	vor.u32 v33, v35;
	v34 =	vld.idx.msk [tilespmem:v34+s10+$0x0], $0xffff;
	_ =	sdelay $0x4  }
0x1de: {  	[tilespmem:v35+s19+$0x0] =	vst.idx.msk $0xffff, v34  }
0x1df: {  	v34 =	vld [tilespmem:s24+$0xFFFFFFE0];
	_ =	sdelay $0x1  }
0x1e0: {  	s30 =	sadd.s32 $0x50, s21  }
0x1e1: {  	v55 =	vmov s30  }
0x1e2: {  	v35 =	vshll.u32 v55, $0x4  }
0x1e3: {  	s31 =	sadd.s32 $0xFFFFFFFE, s23;
	v35 =	vor.u32 v0, v35;
	v56 =	vand.u32 $0xFFFFFFF8, v34  }
0x1e4: {  	s26 =	sand.u32 $0x8, s31;
	v34 =	vand.u32 $0x7, v34;
	v35 =	vadd.s32 v35, v56  }
0x1e5: {  	s26 =	sor.u32 s25, s26;
	v34 =	vor.u32 v34, v35  }
0x1e6: {  	v57 =	vmov s26  }
0x1e7: {  	v35 =	vor.u32 $0x5, v57  }
0x1e8: {  	v35 =	vbroadcast v35, $0x0;
	_ =	sdelay $0x1  }
0x1e9: {  	v35 =	vor.u32 v33, v35;
	v34 =	vld.idx.msk [tilespmem:v34+s10+$0x0], $0xffff;
	_ =	sdelay $0x4  }
0x1ea: {  	[tilespmem:v35+s19+$0x0] =	vst.idx.msk $0xffff, v34  }
0x1eb: {  	v34 =	vld [tilespmem:s24+$0xFFFFFFF0];
	_ =	sdelay $0x1  }
0x1ec: {  	s28 =	sadd.s32 $0x60, s21  }
0x1ed: {  	v58 =	vmov s28  }
0x1ee: {  	v35 =	vshll.u32 v58, $0x4  }
0x1ef: {  	s29 =	sadd.s32 $0xFFFFFFFF, s23;
	v35 =	vor.u32 v0, v35;
	v59 =	vand.u32 $0xFFFFFFF8, v34  }
0x1f0: {  	s26 =	sand.u32 $0x8, s29;
	v34 =	vand.u32 $0x7, v34;
	v35 =	vadd.s32 v35, v59  }
0x1f1: {  	s26 =	sor.u32 s25, s26;
	v34 =	vor.u32 v34, v35  }
0x1f2: {  	v60 =	vmov s26  }
0x1f3: {  	v35 =	vor.u32 $0x6, v60  }
0x1f4: {  	v35 =	vbroadcast v35, $0x0;
	_ =	sdelay $0x1  }
0x1f5: {  	v35 =	vor.u32 v33, v35;
	v34 =	vld.idx.msk [tilespmem:v34+s10+$0x0], $0xffff;
	_ =	sdelay $0x4  }
0x1f6: {  	[tilespmem:v35+s19+$0x0] =	vst.idx.msk $0xffff, v34  }
0x1f7: {  	v34 =	vld [tilespmem:s24+$0x0];
	_ =	sdelay $0x1  }
0x1f8: {  	s30 =	sadd.s32 $0x70, s21  }
0x1f9: {  	v61 =	vmov s30  }
0x1fa: {  	v35 =	vshll.u32 v61, $0x4  }
0x1fb: {  	v35 =	vor.u32 v0, v35;
	v62 =	vand.u32 $0xFFFFFFF8, v34  }
0x1fc: {  	s31 =	sand.u32 $0x8, s23;
	v34 =	vand.u32 $0x7, v34;
	v35 =	vadd.s32 v35, v62  }
0x1fd: {  	s25 =	sor.u32 s25, s31;
	v34 =	vor.u32 v34, v35  }
0x1fe: {  	v63 =	vmov s25  }
0x1ff: {  	v35 =	vor.u32 $0x7, v63  }
0x200: {  	v35 =	vbroadcast v35, $0x0;
	_ =	sdelay $0x1  }
0x201: {  	p0 =	sne.s32 s23, $0x1FF;
	v33 =	vor.u32 v33, v35;
	v34 =	vld.idx.msk [tilespmem:v34+s10+$0x0], $0xffff  }
.Ltmp2:
0x202: {  	_ = 	snop;
	(pc) =	sbr.rel @p0 .LBB2_6-.Ltmp2, $3  }
0x203: {  	_ =	sdelay $0x1  }
0x204: {  	s22 =	sadd.s32 $0x1, s22  }
0x205: {  	s21 =	sadd.s32 $0x80, s21;
	s23 =	sadd.s32 $0x8, s23;
	s24 =	sadd.s32 $0x80, s24;
	[tilespmem:v33+s19+$0x0] =	vst.idx.msk $0xffff, v34  }
0x206: {  	s20 =	sadd.s32 $0x1, s20  }
0x207: {  	p0 =	sne.s32 s20, s6  }
.Ltmp3:
0x208: {  	_ = 	snop;
	(pc) =	sbr.rel @p0 .LBB2_1-.Ltmp3, $4  }
0x209: {  	[hbm4b:s5+s1] =	stream.linear.scatter [tilespmem:s19], [sflag:$0x3], $0x2000, $0x38;
	[tilespmem:$0x8220] =	vst v63  }
0x20a: {  	_ =	swait.ge [sflag:s7], $0x2000  }
0x20b: {  	[sflag:s7] =	ssyncset.done $0x0  }
0x20c: {  	[sflag:s7] =	ssyncadd.s32 $0xFFFFE000  }
0x20d: {  	_ =	sfence.sel $0x180000  }
0x20e: {  	[bflag:$0x0] =	sbarrier.arrive $0xFFFF  }
0x20f: {  	p0 =	sne.s32 s2, $0x0;
	_ =	strace $0x90000047  }
0x210: {  	s0 =	sadd.s32 @!p0 $0x100000, s0;
	[bflag:$0x2] =	sbarrier.arrive $0xFFFF  }
0x211: {  	[sflag:s0] =	ssyncadd.tile.s32 @!p0 $0x1;
	_ =	shalt  }
.Lfunc_end2:
_tile_overlayer_lowered:
.L_overlay_start_2:
0x212: {  	(tag) =	ssettag $0x2  }
0x213: {  	s0 =	rddreg [dreg:$0x0];
	s2 =	stileid.u32  }
0x214: {  	s1 =	rddreg [dreg:$0x1];
	p0 =	sne.s32 s2, $0x0  }
0x215: {  	s3 =	rddreg [dreg:$0x2];
	[bflag:$0x3] =	sbarrier.arrive $0xFFFF;
	s2 =	simm.s32 @!p0 $0x1C03  }
0x216: {  	[timem:s3], [sflag:s2] =	dma.local @!p0 [hbm:s0], s1  }
0x217: {  	s0 =	simm.s32 @!p0 $0x3  }
0x218: {  	_ =	swait.ge @!p0 [sflag:s0], s1  }
0x219: {  	s1 =	ssub.s32 @!p0 $0x0, s1;
	[sflag:s0] =	ssyncset.done @!p0 $0x0  }
0x21a: {  	[sflag:s0] =	ssyncadd.s32 @!p0 s1  }
0x21b: {  	[bflag:$0x3] =	sbarrier.arrive $0xFFFF  }
0x21c: {  	_ =	shalt  }

// kernel: kernel.8.cloned.1.call-start
scs
__scs_entry_jumppad:
0x0: {  	(pc) =	sbr.rel $0x88, $3  }
0x1: {  	(tag) =	ssettag $0x0;
	lr =	simm.s32 $0x1  }
0x2: {  	[smem:$0x3F9E] =	sst lr;
	_ =	strace $0xD0000000  }
0x3: {  	_ = 	snop  }
0x4: {  	_ = 	snop  }
0x5: {  	_ = 	snop  }
0x6: {  	_ = 	snop  }
0x7: {  	_ = 	snop  }
__scs_overlays_trampoline_lowered:
0x8: {  	[smem:$0x3FAD] =	sst s0  }
0x9: {  	[smem:$0x3FAE] =	sst s1  }
0xa: {  	[smem:$0x3FAF] =	sst s2  }
0xb: {  	[smem:$0x3FB0] =	sst s3  }
0xc: {  	[smem:$0x3FB1] =	sst s4  }
0xd: {  	[smem:$0x3FB2] =	sst s5  }
0xe: {  	[smem:$0x3FB3] =	sst s6  }
0xf: {  	[smem:$0x3FB4] =	sst s7  }
0x10: {  	[smem:$0x3FB5] =	sst s8  }
0x11: {  	[smem:$0x3FB6] =	sst s9;
	s0 =	simm.s32 @!p0 $0x0  }
0x12: {  	s1 =	sld [smem:$0x3F9C];
	s0 =	simm.s32 @p0 $0x1  }
0x13: {  	[smem:$0x3FB7] =	sst s0;
	s0 =	simm.s32 @!p1 $0x0  }
0x14: {  	s2 =	sld [smem:$0x3F9B];
	s0 =	simm.s32 @p1 $0x1  }
0x15: {  	[smem:$0x3FB8] =	sst s0;
	s0 =	simm.s32 @!p2 $0x0  }
0x16: {  	s3 =	sld [smem:$0x3FDB];
	s0 =	simm.s32 @p2 $0x1  }
0x17: {  	s4 =	simm.s32 $0x1BF5;
	[smem:$0x3FBA] =	sst s0  }
0x18: {  	s0 =	sld [smem:$0x3F9D];
	_ =	swait.ge [sflag:s4], $0x0  }
0x19: {  	s7 =	sld [smem:$0x3F9E]  }
0x1a: {  	s8 =	sadd.s32 $0xFFFFE003, lr  }
0x1b: {  	s9 =	sadd.s32 $0xFFFFFEF7, lr;
	s5 =	simm.s32 $0xFFFFFFFF;
	p2 =	slt.u32 s8, $0xFFFFF086  }
0x1c: {  	p1 =	slt.u32 s9, $0xF7A;
	s5 =	simm.s32 @!p2 $0x0  }
0x1d: {  	s5 =	simm.s32 @p1 $0x1;
	p0 =	seq.s32 s7, s2  }
0x1e: {  	s7 =	smul.u32 @!p0 $0xF7A, s2;
	p2 =	seq.s32 @!p0 s5, $0x0  }
0x1f: {  	s9 =	smul.u32 $0xF7A, s1;
	s8 =	simm.s32 @!p0 $0x1BF5;
	p2 =	por !p2, p0  }
0x20: {  	[sflag:s8] =	ssyncset.s32 @!p0 $0xFFFFF086;
	s6 =	sadd.s32 @!p0 s3, s7;
	s7 =	simm.s32 @!p0 $0x108  }
0x21: {  	s3 =	sadd.s32 s3, s9;
	s6 =	sadd.s32 @!p0 $0x88, s6;
	s7 =	simm.s32 @p2 $0x1082  }
0x22: {  	[simem:s7], [sflag:s8] =	dma.local @!p0 [hbm:s6], $0xF7A  }
0x23: {  	s9 =	sor.u32 $0xD0000000, s2;
	s6 =	simm.s32 $0x108;
	_ =	swait.ge @!p0 [sflag:s8], $0x0  }
0x24: {  	s3 =	sadd.s32 $0x88, s3;
	s6 =	simm.s32 @!p1 $0x1082;
	[sflag:s4] =	ssyncset.s32 $0xFFFFF086  }
0x25: {  	[simem:s6], [sflag:s4] =	dma.local [hbm:s3], $0xF7A  }
0x26: {  	[smem:$0x3F9E] =	sst s1;
	(tag) =	ssettag s2;
	_ =	strace s9  }
0x27: {  	s1 =	sld [smem:$0x3FAE]  }
0x28: {  	s2 =	sld [smem:$0x3FAF]  }
0x29: {  	s4 =	sld [smem:$0x3FB1]  }
0x2a: {  	p0 =	seq.s32 s5, $0x0;
	s5 =	sld [smem:$0x3FB2]  }
0x2b: {  	s6 =	sld [smem:$0x3FB3]  }
0x2c: {  	s7 =	sld [smem:$0x3FB4]  }
0x2d: {  	s3 =	simm.s32 $0x108;
	s8 =	sld [smem:$0x3FB5]  }
0x2e: {  	s3 =	simm.s32 @!p0 $0x1082;
	s9 =	sld [smem:$0x3FB6]  }
0x2f: {  	lr =	sadd.s32 s0, s3;
	s0 =	sld [smem:$0x3FAD]  }
0x30: {  	s3 =	sld [smem:$0x3FB0]  }
0x31: {  	[smem:$0x3FB9] =	sst s10  }
0x32: {  	s10 =	sld [smem:$0x3FB7];
	_ =	sdelay $0x3  }
0x33: {  	p0 =	seq.s32 s10, $0x1;
	s10 =	sld [smem:$0x3FB9];
	_ =	sdelay $0x3  }
0x34: {  	[smem:$0x3FB9] =	sst s10  }
0x35: {  	s10 =	sld [smem:$0x3FB8];
	_ =	sdelay $0x3  }
0x36: {  	p1 =	seq.s32 s10, $0x1;
	s10 =	sld [smem:$0x3FB9];
	_ =	sdelay $0x3  }
0x37: {  	[smem:$0x3FB9] =	sst s10  }
0x38: {  	s10 =	sld [smem:$0x3FBA]  }
0x39: {  	_ = 	snop;
	(pc) =	sbr.ind lr, $3  }
0x3a: {  	_ = 	snop  }
0x3b: {  	_ = 	snop  }
0x3c: {  	p2 =	seq.s32 s10, $0x1;
	s10 =	sld [smem:$0x3FB9]  }
0x3d: {  	_ =	shalt  }
0x3e: {  	_ =	shalt  }
0x3f: {  	_ =	shalt  }
0x40: {  	_ =	shalt  }
0x41: {  	_ =	shalt  }
0x42: {  	_ =	shalt  }
0x43: {  	_ =	shalt  }
0x44: {  	_ =	shalt  }
0x45: {  	_ =	shalt  }
0x46: {  	_ =	shalt  }
0x47: {  	_ =	shalt  }
0x48: {  	_ =	shalt  }
0x49: {  	_ =	shalt  }
0x4a: {  	_ =	shalt  }
0x4b: {  	_ =	shalt  }
0x4c: {  	_ =	shalt  }
0x4d: {  	_ =	shalt  }
0x4e: {  	_ =	shalt  }
0x4f: {  	_ =	shalt  }
0x50: {  	_ =	shalt  }
0x51: {  	_ =	shalt  }
0x52: {  	_ =	shalt  }
0x53: {  	_ =	shalt  }
0x54: {  	_ =	shalt  }
0x55: {  	_ =	shalt  }
0x56: {  	_ =	shalt  }
0x57: {  	_ =	shalt  }
0x58: {  	_ =	shalt  }
0x59: {  	_ =	shalt  }
0x5a: {  	_ =	shalt  }
0x5b: {  	_ =	shalt  }
0x5c: {  	_ =	shalt  }
0x5d: {  	_ =	shalt  }
0x5e: {  	_ =	shalt  }
0x5f: {  	_ =	shalt  }
0x60: {  	_ =	shalt  }
0x61: {  	_ =	shalt  }
0x62: {  	_ =	shalt  }
0x63: {  	_ =	shalt  }
0x64: {  	_ =	shalt  }
0x65: {  	_ =	shalt  }
0x66: {  	_ =	shalt  }
0x67: {  	_ =	shalt  }
0x68: {  	_ =	shalt  }
0x69: {  	_ =	shalt  }
0x6a: {  	_ =	shalt  }
0x6b: {  	_ =	shalt  }
0x6c: {  	_ =	shalt  }
0x6d: {  	_ =	shalt  }
0x6e: {  	_ =	shalt  }
0x6f: {  	_ =	shalt  }
0x70: {  	_ =	shalt  }
0x71: {  	_ =	shalt  }
0x72: {  	_ =	shalt  }
0x73: {  	_ =	shalt  }
0x74: {  	_ =	shalt  }
0x75: {  	_ =	shalt  }
0x76: {  	_ =	shalt  }
0x77: {  	_ =	shalt  }
0x78: {  	_ =	shalt  }
0x79: {  	_ =	shalt  }
0x7a: {  	_ =	shalt  }
0x7b: {  	_ =	shalt  }
0x7c: {  	_ =	shalt  }
0x7d: {  	_ =	shalt  }
0x7e: {  	_ =	shalt  }
0x7f: {  	_ =	shalt  }
0x80: {  	_ =	shalt  }
0x81: {  	_ =	shalt  }
0x82: {  	_ =	shalt  }
0x83: {  	_ =	shalt  }
0x84: {  	_ =	shalt  }
0x85: {  	_ =	shalt  }
0x86: {  	_ =	shalt  }
0x87: {  	_ =	shalt  }
.Lfunc_end0:
.L_simem_size_0:
called_computation.1_lowered:
.L_overlay_start_0:
0x88: {  	s2 =	sld [smem:$0x3FD9]  }
0x89: {  	s3 =	sld [smem:$0x3FFE];
	_ =	sdelay $0x1  }
0x8a: {  	s1 =	srdreg.scid  }
0x8b: {  	s0 =	sand.u32 $0x1, s1  }
0x8c: {  	s17 =	sshll.u32 s0, $0xA;
	s2 =	sadd.s32 s3, s2  }
0x8d: {  	s2 =	sadd.s32 s2, s17  }
0x8e: {  	[smem:$0x3FC5] =	sst s2  }
0x8f: {  	_ = 	snop  }
0x90: {  	s2 =	sld [smem:$0x3FD0];
	(tm) =	ssettm $0x1  }
0x91: {  	s18 =	sld [smem:$0x3FFB];
	_ =	sdelay $0x3  }
0x92: {  	_ =	strace s18  }
0x93: {  	s3 =	sld [smem:$0x3FFC];
	_ =	sdelay $0x3  }
0x94: {  	_ =	strace s3  }
0x95: {  	s3 =	sld [smem:$0x3FFD];
	_ =	sdelay $0x3  }
0x96: {  	_ =	strace s3  }
0x97: {  	_ =	strace $0x8FFFFFFF  }
0x98: {  	s19 =	sld [smem:$0x3FDB];
	_ =	sdelay $0x1  }
0x99: {  	s4 =	simm.s32 $_scs_section_size  }
0x9a: {  	s5 =	simm.s32 $_size__tile_overlayer_lowered;
	s6 =	simm.s32 $_tile_overlayer_lowered  }
0x9b: {  	s22 =	simm.s32 $0x1BFF;
	s21 =	sshll.u32 s6, $0x1;
	s3 =	sadd.s32 s4, s19  }
0x9c: {  	s7 =	simm.s32 $0x0;
	s20 =	sshll.u32 s5, $0x1;
	s5 =	sadd.s32 s21, s3  }
0x9d: {  	[timem:s7], [sflag:s22] =	dma.local [hbm:s5], s20  }
0x9e: {  	_ =	swait.ge [sflag:s22], s20  }
0x9f: {  	s4 =	ssub.s32 $0x0, s20;
	[sflag:s22] =	ssyncset.done $0x0  }
0xa0: {  	[sflag:s22] =	ssyncadd.s32 s4;
	_ =	sdelay $0x1  }
0xa1: {  	s23 =	simm.s32 $0x1B8B  }
0xa2: {  	_ =	swait.ge [sflag:s23], $0x1  }
0xa3: {  	[sflag:s23] =	ssyncset.done $0x0  }
0xa4: {  	s25 =	simm.s32 $0x1B8E;
	s24 =	sld [smem:$0x3FFE];
	[sflag:s23] =	ssyncadd.s32 $0xFFFFFFFF  }
0xa5: {  	s26 =	simm.s32 $execute0_lowered;
	[smem:$0x3FD2] =	sst s25  }
0xa6: {  	s5 =	sshll.u32 s26, $0x1;
	_ =	strace $0x80000049;
	[dreg:$0x1] =	wrdreg $0xFFFFFFFF  }
0xa7: {  	s28 =	simm.s32 $_size_execute0_lowered;
	s3 =	sadd.s32 s3, s5;
	[dreg:$0x0] =	wrdreg $0x0  }
0xa8: {  	s5 =	sshll.u32 s28, $0x1;
	[dreg:$0x2] =	wrdreg s3  }
0xa9: {  	[dreg:$0x3] =	wrdreg s5  }
0xaa: {  	[dreg:$0x4] =	wrdreg $0xC0  }
0xab: {  	_ =	task [dreg:s7], $0x5FFFF  }
0xac: {  	[dreg:$0x1] =	wrdreg $0xFFFFFFFF  }
0xad: {  	[dreg:$0x0] =	wrdreg $0x60  }
0xae: {  	[dreg:$0x2] =	wrdreg s2  }
0xaf: {  	[dreg:$0x3] =	wrdreg s24  }
0xb0: {  	[dreg:$0x4] =	wrdreg $0x9  }
0xb1: {  	_ =	task.clear_ibuf [dreg:s7], $0x5FFFF;
	_ =	strace $0x90000049  }
0xb2: {  	s29 =	simm.s32 $0x9;
	_ =	strace $0x8000004B  }
0xb3: {  	_ =	swait.ge [sflag:s29], $0x1  }
0xb4: {  	[sflag:s29] =	ssyncadd.s32 $0xFFFFFFFF  }
0xb5: {  	_ =	strace $0x9000004B  }
0xb6: {  	_ =	sfence  }
0xb7: {  	s30 =	sld [smem:$0x0];
	_ =	sdelay $0x2  }
0xb8: {  	s31 =	sshll.u32 s1, $0xD;
	s1 =	sshrl.u32 s1, $0x2  }
0xb9: {  	s3 =	sand.u32 $0x4000, s31;
	s1 =	sadd.s32 s1, s30  }
0xba: {  	s0 =	sor.u32 s3, s0;
	s1 =	sshll.u32 s1, $0x11  }
0xbb: {  	s0 =	sor.u32 s1, s0  }
0xbc: {  	s0 =	sadd.s32 $0x8F2B, s0  }
0xbd: {  	[sflag:s0] =	ssyncadd.remote.s32 $0x1  }
0xbe: {  	_ =	sfence.sel $0xFFFF  }
0xbf: {  	[dreg:$0x0] =	wrdreg $0xFFFFFFFF;
	(pc) =	sbr.abs _section_cstart, $3  }
0xc0: {  	[dreg:$0x1] =	wrdreg $0xFFFFFFFF  }
0xc1: {  	_ =	task.clear_ibuf [dreg:s7], $0x2FFFF;
	_ =	strace $0x9FFFFFFF  }
0xc2: {  	(tm) =	ssettm $0x7FFFFFFF  }
0xc3: {  	_ =	shalt  }
tec
execute0_lowered:
.L_overlay_start_1:
0x0: {  	(tag) =	ssettag $0x1  }
0x1: {  	s4 =	rddreg [dreg:$0x0]  }
0x2: {  	s5 =	rddreg [dreg:$0x1]  }
0x3: {  	s0 =	rddreg [dreg:$0x2];
	s3 =	srdreg.scid  }
0x4: {  	s2 =	simm.s32 $0x0;
	s1 =	stileid.u32;
	s9 =	simm.s32 $0x1  }
0x5: {  	s10 =	simm.s32 $0x1B000;
	s11 =	simm.s32 $0x0;
	s3 =	sand.u32 $0x1, s3  }
0x6: {  	[smem:$0x7FF] =	sst s2;
	s6 =	sshll.u32 s1, $0xB;
	s7 =	sshll.u32 s3, $0xA  }
0x7: {  	_ =	strace $0x8000004A;
	s31 =	ssub.s32 $0x2, s3;
	s6 =	sor.u32 s7, s6  }
0x8: {  	s3 =	sadd.s32 $0x31800, s5;
	s8 =	sshrl.u32 s31, $0x1;
	s5 =	sadd.s32 s6, s5  }
0x9: {  	s7 =	ssub.s32 s31, s8;
	s4 =	sadd.s32 s4, s6;
	s8 =	simm.s32 $0x2  }
0xa: {  	s5 =	sadd.s32 $0xA00, s5;
	s6 =	smax.u32 s7, $0x1;
	s7 =	simm.s32 $0x2000  }
.LBB2_1:
0xb: {  	[tilespmem:s7], [sflag:$0x1] =	stream.linear.gather [hbm4b:s3+s2], $0x19000, $0x38;
	[tilespmem:$0x1D000] =	vst v63  }
0xc: {  	_ = 	snop  }
0xd: {  	[tilespmem:s2], [sflag:$0x2] =	stream.linear.gather [hbm4b:s4+s2], $0x2000, $0x38;
	[tilespmem:$0x1D000] =	vst v63  }
0xe: {  	_ =	swait.ge [sflag:s8], $0x2000  }
0xf: {  	[sflag:s8] =	ssyncset.done $0x0  }
0x10: {  	[sflag:s8] =	ssyncadd.s32 $0xFFFFE000  }
0x11: {  	_ =	swait.ge [sflag:s9], $0x19000  }
0x12: {  	[sflag:s9] =	ssyncset.done $0x0  }
0x13: {  	s12 =	simm.s32 $0x0;
	[sflag:s9] =	ssyncadd.s32 $0xFFFE7000  }
0x14: {  	v0 =	vld [tilespmem:s12+$0x0];
	_ =	sdelay $0x7  }
0x15: {  	s13 =	simm.s32 $0x10;
	s14 =	simm.s32 $0x80;
	v0 =	vld.idx.msk [tilespmem:v0+s7+$0x0], $0xffff  }
.LBB2_2:
0x16: {  	p0 =	sne.s32 s14, $0x7FC0;
	v1 =	vld [tilespmem:s13+$0x0];
	_ =	sdelay $0x3  }
.Ltmp0:
0x17: {  	(pc) =	sbr.rel @p0 .LBB2_2-.Ltmp0, $2  }
0x18: {  	[tilespmem:s12+$0x1B000] =	vst v0;
	s12 =	smov.u32 s13;
	_ =	sdelay $0x2  }
0x19: {  	s13 =	sshra.s32 s14, $0x2;
	s14 =	sadd.s32 $0x40, s14;
	v0 =	vld.idx.msk [tilespmem:v1+s7+$0x0], $0xffff  }
0x1a: {  	v1 =	vld [tilespmem:s13+$0x0];
	_ =	sdelay $0x6  }
0x1b: {  	[tilespmem:s12+$0x1B000] =	vst v0  }
0x1c: {  	v0 =	vld.idx.msk [tilespmem:v1+s7+$0x0], $0xffff;
	_ =	sdelay $0x2  }
0x1d: {  	s11 =	sadd.s32 $0x1, s11  }
0x1e: {  	p0 =	sne.s32 s11, s6  }
.Ltmp1:
0x1f: {  	[tilespmem:s13+$0x1B000] =	vst v0;
	(pc) =	sbr.rel @p0 .LBB2_1-.Ltmp1, $4  }
0x20: {  	[hbm4b:s5+s2] =	stream.linear.scatter [tilespmem:s10], [sflag:$0x2], $0x2000, $0x38;
	[tilespmem:$0x1D000] =	vst v63  }
0x21: {  	_ =	swait.ge [sflag:s8], $0x2000  }
0x22: {  	[sflag:s8] =	ssyncset.done $0x0  }
0x23: {  	[sflag:s8] =	ssyncadd.s32 $0xFFFFE000  }
0x24: {  	_ =	sfence.sel $0x180000  }
0x25: {  	[bflag:$0x0] =	sbarrier.arrive $0xFFFF  }
0x26: {  	p0 =	sne.s32 s1, $0x0;
	_ =	strace $0x9000004A  }
0x27: {  	s0 =	sadd.s32 @!p0 $0x100000, s0;
	[bflag:$0x2] =	sbarrier.arrive $0xFFFF  }
0x28: {  	[sflag:s0] =	ssyncadd.tile.s32 @!p0 $0x1;
	_ =	shalt  }
.Lfunc_end2:
_tile_overlayer_lowered:
.L_overlay_start_2:
0x29: {  	(tag) =	ssettag $0x2  }
0x2a: {  	s0 =	rddreg [dreg:$0x0];
	s2 =	stileid.u32  }
0x2b: {  	s1 =	rddreg [dreg:$0x1];
	p0 =	sne.s32 s2, $0x0  }
0x2c: {  	s3 =	rddreg [dreg:$0x2];
	[bflag:$0x3] =	sbarrier.arrive $0xFFFF;
	s2 =	simm.s32 @!p0 $0x1C02  }
0x2d: {  	[timem:s3], [sflag:s2] =	dma.local @!p0 [hbm:s0], s1  }
0x2e: {  	s0 =	simm.s32 @!p0 $0x2  }
0x2f: {  	_ =	swait.ge @!p0 [sflag:s0], s1  }
0x30: {  	s1 =	ssub.s32 @!p0 $0x0, s1;
	[sflag:s0] =	ssyncset.done @!p0 $0x0  }
0x31: {  	[sflag:s0] =	ssyncadd.s32 @!p0 s1  }
0x32: {  	[bflag:$0x3] =	sbarrier.arrive $0xFFFF  }
0x33: {  	_ =	shalt  }

</sc_bundles>
